<compile_context>
chip_gen: v7x
topology: tpu7x:2x2x1
jax: 0.10.2.dev20260603
libtpu: 0.0.44.dev20260713+nightly
codegen_flags: <defaults>
</compile_context>

<pallas_src>
import functools

import jax
import jax.numpy as jnp
import numpy as np
from jax import lax
from jax.experimental import pallas as pl
from jax.experimental.pallas import tpu as pltpu
from jax.experimental.pallas import tpu_sc as plsc

N = 160000
D = 256
NC = 2
NS = 16
NW = NC * NS
PER_W = N // NW
B = 40
NBLK = PER_W // B
LANES = 16
NCHUNK = D // (2 * LANES)
NBUF = 3

_k = np.arange(LANES)
_inter = np.stack([_k, _k + LANES], axis=1).reshape(-1)
_PERM = np.concatenate([32 * j + _inter for j in range(NCHUNK)])


def _mesh():
    return plsc.VectorSubcoreMesh(core_axis_name="c", subcore_axis_name="s")


@functools.partial(
    pl.kernel,
    mesh=_mesh(),
    out_type=jax.ShapeDtypeStruct((N, D), jnp.float32),
    scratch_types=[
        pltpu.VMEM((PER_W,), jnp.int32),
        pltpu.VMEM((NBUF, B, D // 2), jnp.int32),
        pltpu.VMEM((NBUF, B, D), jnp.float32),
        pltpu.VMEM((NBUF, B, D), jnp.float32),
        pltpu.VMEM_SHARED((1000, D // 2), jnp.int32),
        pltpu.SemaphoreType.DMA,
        pltpu.SemaphoreType.DMA,
        pltpu.SemaphoreType.DMA,
        pltpu.SemaphoreType.DMA,
        pltpu.SemaphoreType.DMA,
        pltpu.SemaphoreType.DMA,
        pltpu.SemaphoreType.DMA,
        pltpu.SemaphoreType.DMA,
        pltpu.SemaphoreType.DMA,
    ],
)
def _tail_sc(head_hbm, idx_hbm, w_hbm, out_hbm,
             idx_v, rel_v, head_v, out_v, w_sh,
             g0, g1, g2, h0, h1, h2, o0, o1, o2):
    wid = lax.axis_index("s") * NC + lax.axis_index("c")
    wbase = wid * PER_W
    gsems = (g0, g1, g2)
    hsems = (h0, h1, h2)
    osems = (o0, o1, o2)

    @pl.when(lax.axis_index("s") == 0)
    def _stage():
        pltpu.sync_copy(w_hbm, w_sh)

    pltpu.sync_copy(idx_hbm.at[pl.ds(wbase, PER_W)], idx_v)
    plsc.subcore_barrier()

    def issue_loads(blk, s):
        base = wbase + blk * B
        pltpu.async_copy(
            w_sh.at[idx_v.at[pl.ds(blk * B, B)]], rel_v.at[s], gsems[s])
        pltpu.async_copy(
            head_hbm.at[pl.ds(base, B), :], head_v.at[s], hsems[s])

    for s in range(NBUF):
        issue_loads(s, s)

    hi_mask = jnp.full((LANES,), -65536, dtype=jnp.int32)
    shift16 = jnp.full((LANES,), 16, dtype=jnp.int32)

    def outer(t, carry):
        for s in range(NBUF):
            blk = t * NBUF + s
            base = wbase + blk * B

            @pl.when(blk < NBLK)
            def _body():
                pltpu.make_async_copy(
                    w_sh.at[idx_v.at[pl.ds(blk * B, B)]],
                    rel_v.at[s], gsems[s]).wait()
                pltpu.make_async_copy(
                    head_hbm.at[pl.ds(base, B), :],
                    head_v.at[s], hsems[s]).wait()

                @pl.when(blk >= NBUF)
                def _drain():
                    pltpu.make_async_copy(
                        out_v.at[s], out_hbm.at[pl.ds(base, B), :],
                        osems[s]).wait()

                rv = rel_v.at[s]
                hv = head_v.at[s]
                ov = out_v.at[s]

                @plsc.parallel_loop(0, B, step=1, unroll=2)
                def row_body(i):
                    for j in range(NCHUNK):
                        packed = rv[i, pl.ds(j * LANES, LANES)]
                        lo = lax.bitcast_convert_type(
                            lax.shift_left(packed, shift16), jnp.float32)
                        hi = lax.bitcast_convert_type(
                            lax.bitwise_and(packed, hi_mask), jnp.float32)
                        sl_lo = pl.ds(j * 2 * LANES, LANES)
                        sl_hi = pl.ds(j * 2 * LANES + LANES, LANES)
                        ov[i, sl_lo] = hv[i, sl_lo] + lo
                        ov[i, sl_hi] = hv[i, sl_hi] + hi

                pltpu.async_copy(
                    ov, out_hbm.at[pl.ds(base, B), :], osems[s])

                @pl.when(blk + NBUF < NBLK)
                def _refill():
                    issue_loads(blk + NBUF, s)

        return carry

    lax.fori_loop(0, (NBLK + NBUF - 1) // NBUF, outer, 0)

    for s in range(NBUF):
        pltpu.make_async_copy(
            out_v.at[s], out_hbm.at[pl.ds(wbase, B), :], osems[s]).wait()


def kernel(head, rel_idx, w_relation):
    w_packed = jax.lax.bitcast_convert_type(w_relation, jnp.int32)[:, :D // 2]
    return _tail_sc(head, rel_idx.astype(jnp.int32), w_packed)

# --- scband reference (transcript-rebuilt; emitter-appended) ---
"""Pipeline reference for scband-trans-etransformation-38156489458103 (READ-ONLY COPY).

The authoritative reference and input builder live on the scoring server;
editing this copy changes nothing except your own understanding.
"""

import jax, jax.numpy as jnp
import numpy as np
import math

NUM_RELS = 1000
H_DIM = 256
N = 160000


def setup_inputs(seed: int = 0) -> dict:
    key = jax.random.key(seed)
    k1, k2, k3 = jax.random.split(key, 3)
    head = jax.random.normal(k1, (N, H_DIM), dtype=jnp.float32)
    rel_idx = jax.random.randint(k2, (N,), 0, NUM_RELS, dtype=jnp.int64 if jax.config.jax_enable_x64 else jnp.int32)
    embedding_range = 6.0 / math.sqrt(H_DIM)
    w_relation = jax.random.uniform(k3, (NUM_RELS, H_DIM), dtype=jnp.float32, minval=-embedding_range, maxval=embedding_range)
    return {"head": head, "rel_idx": rel_idx, "w_relation": w_relation}


def reference(head, rel_idx, w_relation):
    # TransETransformation.transform: tail = head + w_relation[rel_idx]
    relation = jnp.take(w_relation, rel_idx, axis=0)
    tail = head + relation
    return tail

if __name__ == "__main__":
    import jax
    _d = setup_inputs()
    print(jax.jit(kernel)(*tuple(_d.values())))

</pallas_src>

<mosaic_0001>
#map = affine_map<(d0, d1) -> (0, 0)>
#map1 = affine_map<(d0, d1) -> (0)>
module attributes {stable_mosaic.version = 14 : i64} {
  func.func @_tail_sc(%arg0: i32, %arg1: i32, %arg2: memref<160000x256xf32, #tpu.memory_space<hbm>>, %arg3: memref<160000xi32, #tpu.memory_space<hbm>>, %arg4: memref<1000x128xi32, #tpu.memory_space<hbm>>, %arg5: memref<160000x256xf32, #tpu.memory_space<hbm>>, %arg6: memref<5000xi32, #tpu.memory_space<vmem>>, %arg7: memref<3x40x128xi32, #tpu.memory_space<vmem>>, %arg8: memref<3x40x256xf32, #tpu.memory_space<vmem>>, %arg9: memref<3x40x256xf32, #tpu.memory_space<vmem>>, %arg10: memref<1000x128xi32, #tpu.memory_space<vmem_shared>>, %arg11: memref<!tpu.dma_semaphore, #tpu.memory_space<semaphore_mem>>, %arg12: memref<!tpu.dma_semaphore, #tpu.memory_space<semaphore_mem>>, %arg13: memref<!tpu.dma_semaphore, #tpu.memory_space<semaphore_mem>>, %arg14: memref<!tpu.dma_semaphore, #tpu.memory_space<semaphore_mem>>, %arg15: memref<!tpu.dma_semaphore, #tpu.memory_space<semaphore_mem>>, %arg16: memref<!tpu.dma_semaphore, #tpu.memory_space<semaphore_mem>>, %arg17: memref<!tpu.dma_semaphore, #tpu.memory_space<semaphore_mem>>, %arg18: memref<!tpu.dma_semaphore, #tpu.memory_space<semaphore_mem>>, %arg19: memref<!tpu.dma_semaphore, #tpu.memory_space<semaphore_mem>>) attributes {dimension_semantics = [#tpu.dimension_semantics<core_parallel>, #tpu.dimension_semantics<subcore_parallel>], iteration_bounds = array<i64: 2, 16>, scalar_prefetch = 0 : i64, scratch_operands = 14 : i64, tpu.core_type = #tpu.core_type<sc_vector_subcore>, window_params = [{transform_indices = #map}, {transform_indices = #map1}, {transform_indices = #map}, {transform_indices = #map}]} {
    %mul3A = arith.constant 2 : i32
    %mul3A_0 = arith.muli %arg1, %mul3A : i32
    %add3A = arith.addi %mul3A_0, %arg0 : i32
    %mul3A_1 = arith.constant 5000 : i32
    %mul3A_2 = arith.muli %add3A, %mul3A_1 : i32
    %eq3A = arith.constant 0 : i32
    %eq3A_3 = arith.cmpi eq, %arg1, %eq3A : i32
    %convert_element_type3A = arith.extui %eq3A_3 : i1 to i32
    %cond3A = arith.constant 0 : i32
    %cond3A_4 = arith.cmpi ne, %convert_element_type3A, %cond3A : i32
    scf.if %cond3A_4 {
      "tpu.region"() ({
        %run_scoped3A = tpu.sem_alloc : memref<!tpu.dma_semaphore, #tpu.memory_space<semaphore_mem>>
        tpu.enqueue_dma source(%arg4 : memref<1000x128xi32, #tpu.memory_space<hbm>>) target(%arg10 : memref<1000x128xi32, #tpu.memory_space<vmem_shared>>) target_semaphore(%run_scoped3A : memref<!tpu.dma_semaphore, #tpu.memory_space<semaphore_mem>>)
        tpu.wait_dma2 semaphore(%run_scoped3A : memref<!tpu.dma_semaphore, #tpu.memory_space<semaphore_mem>>) src(%arg4 : memref<1000x128xi32, #tpu.memory_space<hbm>>) dst(%arg10 : memref<1000x128xi32, #tpu.memory_space<vmem_shared>>)
        tpu.yield
      }) : () -> ()
    } else {
    }
    "tpu.region"() ({
      %run_scoped3A = tpu.sem_alloc : memref<!tpu.dma_semaphore, #tpu.memory_space<semaphore_mem>>
      %dma_start3A_125 = tpu.memref_slice %arg3[%mul3A_2] : memref<160000xi32, #tpu.memory_space<hbm>> -> memref<5000xi32, #tpu.memory_space<hbm>>
      %dma_start3A_126 = tpu.memref_slice %arg3[%mul3A_2] : memref<160000xi32, #tpu.memory_space<hbm>> -> memref<5000xi32, #tpu.memory_space<hbm>>
      tpu.enqueue_dma source(%dma_start3A_126 : memref<5000xi32, #tpu.memory_space<hbm>>) target(%arg6 : memref<5000xi32, #tpu.memory_space<vmem>>) target_semaphore(%run_scoped3A : memref<!tpu.dma_semaphore, #tpu.memory_space<semaphore_mem>>)
      %dma_wait3A_127 = tpu.memref_slice %arg3[%mul3A_2] : memref<160000xi32, #tpu.memory_space<hbm>> -> memref<5000xi32, #tpu.memory_space<hbm>>
      %dma_wait3A_128 = tpu.memref_slice %arg3[%mul3A_2] : memref<160000xi32, #tpu.memory_space<hbm>> -> memref<5000xi32, #tpu.memory_space<hbm>>
      tpu.wait_dma2 semaphore(%run_scoped3A : memref<!tpu.dma_semaphore, #tpu.memory_space<semaphore_mem>>) src(%dma_wait3A_128 : memref<5000xi32, #tpu.memory_space<hbm>>) dst(%arg6 : memref<5000xi32, #tpu.memory_space<vmem>>)
      tpu.yield
    }) : () -> ()
    %barrier3A = arith.constant 0 : index
    tpu.barrier barrier_id(%barrier3A)
    %add3A_5 = arith.constant 0 : i32
    %add3A_6 = arith.addi %mul3A_2, %add3A_5 : i32
    %dma_start3A = arith.constant 0 : i32
    %dma_start3A_7 = arith.constant 0 : i32
    %dma_start3A_8 = arith.constant 0 : i32
    %dma_start3A_9 = tpu.memref_slice %arg7[%dma_start3A, %dma_start3A_7, %dma_start3A_8] : memref<3x40x128xi32, #tpu.memory_space<vmem>> -> memref<1x40x128xi32, #tpu.memory_space<vmem>>
    %dma_start3A_10 = tpu.memref_squeeze %dma_start3A_9 : memref<1x40x128xi32, #tpu.memory_space<vmem>> -> memref<40x128xi32, #tpu.memory_space<vmem>>
    %dma_start3A_11 = arith.constant 0 : i32
    %dma_start3A_12 = tpu.memref_slice %arg6[%dma_start3A_11] : memref<5000xi32, #tpu.memory_space<vmem>> -> memref<40xi32, #tpu.memory_space<vmem>>
    %dma_start3A_13 = arith.constant 0 : i32
    %dma_start3A_14 = arith.constant 0 : i32
    %dma_start3A_15 = tpu.memref_slice %arg10[%dma_start3A_13, %dma_start3A_14] : memref<1000x128xi32, #tpu.memory_space<vmem_shared>> -> memref<1000x128xi32, #tpu.memory_space<vmem_shared>>
    tpu.enqueue_indirect_dma source(%dma_start3A_15 : memref<1000x128xi32, #tpu.memory_space<vmem_shared>>) target(%dma_start3A_10 : memref<40x128xi32, #tpu.memory_space<vmem>>) offsets(%dma_start3A_12 : memref<40xi32, #tpu.memory_space<vmem>>) semaphore(%arg11 : memref<!tpu.dma_semaphore, #tpu.memory_space<semaphore_mem>>)
    %dma_start3A_16 = arith.constant 0 : i32
    %dma_start3A_17 = arith.constant 0 : i32
    %dma_start3A_18 = arith.constant 0 : i32
    %dma_start3A_19 = tpu.memref_slice %arg8[%dma_start3A_16, %dma_start3A_17, %dma_start3A_18] : memref<3x40x256xf32, #tpu.memory_space<vmem>> -> memref<1x40x256xf32, #tpu.memory_space<vmem>>
    %dma_start3A_20 = tpu.memref_squeeze %dma_start3A_19 : memref<1x40x256xf32, #tpu.memory_space<vmem>> -> memref<40x256xf32, #tpu.memory_space<vmem>>
    %dma_start3A_21 = arith.constant 0 : i32
    %dma_start3A_22 = tpu.memref_slice %arg2[%add3A_6, %dma_start3A_21] : memref<160000x256xf32, #tpu.memory_space<hbm>> -> memref<40x256xf32, #tpu.memory_space<hbm>>
    %dma_start3A_23 = arith.constant 0 : i32
    %dma_start3A_24 = arith.constant 0 : i32
    %dma_start3A_25 = tpu.memref_slice %arg8[%dma_start3A_16, %dma_start3A_23, %dma_start3A_24] : memref<3x40x256xf32, #tpu.memory_space<vmem>> -> memref<1x40x256xf32, #tpu.memory_space<vmem>>
    %dma_start3A_26 = tpu.memref_squeeze %dma_start3A_25 : memref<1x40x256xf32, #tpu.memory_space<vmem>> -> memref<40x256xf32, #tpu.memory_space<vmem>>
    %dma_start3A_27 = arith.constant 0 : i32
    %dma_start3A_28 = tpu.memref_slice %arg2[%add3A_6, %dma_start3A_27] : memref<160000x256xf32, #tpu.memory_space<hbm>> -> memref<40x256xf32, #tpu.memory_space<hbm>>
    tpu.enqueue_dma source(%dma_start3A_28 : memref<40x256xf32, #tpu.memory_space<hbm>>) target(%dma_start3A_26 : memref<40x256xf32, #tpu.memory_space<vmem>>) target_semaphore(%arg14 : memref<!tpu.dma_semaphore, #tpu.memory_space<semaphore_mem>>)
    %add3A_29 = arith.constant 40 : i32
    %add3A_30 = arith.addi %mul3A_2, %add3A_29 : i32
    %dma_start3A_31 = arith.constant 1 : i32
    %dma_start3A_32 = arith.constant 0 : i32
    %dma_start3A_33 = arith.constant 0 : i32
    %dma_start3A_34 = tpu.memref_slice %arg7[%dma_start3A_31, %dma_start3A_32, %dma_start3A_33] : memref<3x40x128xi32, #tpu.memory_space<vmem>> -> memref<1x40x128xi32, #tpu.memory_space<vmem>>
    %dma_start3A_35 = tpu.memref_squeeze %dma_start3A_34 : memref<1x40x128xi32, #tpu.memory_space<vmem>> -> memref<40x128xi32, #tpu.memory_space<vmem>>
    %dma_start3A_36 = arith.constant 40 : i32
    %dma_start3A_37 = tpu.memref_slice %arg6[%dma_start3A_36] : memref<5000xi32, #tpu.memory_space<vmem>> -> memref<40xi32, #tpu.memory_space<vmem>>
    %dma_start3A_38 = arith.constant 0 : i32
    %dma_start3A_39 = arith.constant 0 : i32
    %dma_start3A_40 = tpu.memref_slice %arg10[%dma_start3A_38, %dma_start3A_39] : memref<1000x128xi32, #tpu.memory_space<vmem_shared>> -> memref<1000x128xi32, #tpu.memory_space<vmem_shared>>
    tpu.enqueue_indirect_dma source(%dma_start3A_40 : memref<1000x128xi32, #tpu.memory_space<vmem_shared>>) target(%dma_start3A_35 : memref<40x128xi32, #tpu.memory_space<vmem>>) offsets(%dma_start3A_37 : memref<40xi32, #tpu.memory_space<vmem>>) semaphore(%arg12 : memref<!tpu.dma_semaphore, #tpu.memory_space<semaphore_mem>>)
    %dma_start3A_41 = arith.constant 1 : i32
    %dma_start3A_42 = arith.constant 0 : i32
    %dma_start3A_43 = arith.constant 0 : i32
    %dma_start3A_44 = tpu.memref_slice %arg8[%dma_start3A_41, %dma_start3A_42, %dma_start3A_43] : memref<3x40x256xf32, #tpu.memory_space<vmem>> -> memref<1x40x256xf32, #tpu.memory_space<vmem>>
    %dma_start3A_45 = tpu.memref_squeeze %dma_start3A_44 : memref<1x40x256xf32, #tpu.memory_space<vmem>> -> memref<40x256xf32, #tpu.memory_space<vmem>>
    %dma_start3A_46 = arith.constant 0 : i32
    %dma_start3A_47 = tpu.memref_slice %arg2[%add3A_30, %dma_start3A_46] : memref<160000x256xf32, #tpu.memory_space<hbm>> -> memref<40x256xf32, #tpu.memory_space<hbm>>
    %dma_start3A_48 = arith.constant 0 : i32
    %dma_start3A_49 = arith.constant 0 : i32
    %dma_start3A_50 = tpu.memref_slice %arg8[%dma_start3A_41, %dma_start3A_48, %dma_start3A_49] : memref<3x40x256xf32, #tpu.memory_space<vmem>> -> memref<1x40x256xf32, #tpu.memory_space<vmem>>
    %dma_start3A_51 = tpu.memref_squeeze %dma_start3A_50 : memref<1x40x256xf32, #tpu.memory_space<vmem>> -> memref<40x256xf32, #tpu.memory_space<vmem>>
    %dma_start3A_52 = arith.constant 0 : i32
    %dma_start3A_53 = tpu.memref_slice %arg2[%add3A_30, %dma_start3A_52] : memref<160000x256xf32, #tpu.memory_space<hbm>> -> memref<40x256xf32, #tpu.memory_space<hbm>>
    tpu.enqueue_dma source(%dma_start3A_53 : memref<40x256xf32, #tpu.memory_space<hbm>>) target(%dma_start3A_51 : memref<40x256xf32, #tpu.memory_space<vmem>>) target_semaphore(%arg15 : memref<!tpu.dma_semaphore, #tpu.memory_space<semaphore_mem>>)
    %add3A_54 = arith.constant 80 : i32
    %add3A_55 = arith.addi %mul3A_2, %add3A_54 : i32
    %dma_start3A_56 = arith.constant 2 : i32
    %dma_start3A_57 = arith.constant 0 : i32
    %dma_start3A_58 = arith.constant 0 : i32
    %dma_start3A_59 = tpu.memref_slice %arg7[%dma_start3A_56, %dma_start3A_57, %dma_start3A_58] : memref<3x40x128xi32, #tpu.memory_space<vmem>> -> memref<1x40x128xi32, #tpu.memory_space<vmem>>
    %dma_start3A_60 = tpu.memref_squeeze %dma_start3A_59 : memref<1x40x128xi32, #tpu.memory_space<vmem>> -> memref<40x128xi32, #tpu.memory_space<vmem>>
    %dma_start3A_61 = arith.constant 80 : i32
    %dma_start3A_62 = tpu.memref_slice %arg6[%dma_start3A_61] : memref<5000xi32, #tpu.memory_space<vmem>> -> memref<40xi32, #tpu.memory_space<vmem>>
    %dma_start3A_63 = arith.constant 0 : i32
    %dma_start3A_64 = arith.constant 0 : i32
    %dma_start3A_65 = tpu.memref_slice %arg10[%dma_start3A_63, %dma_start3A_64] : memref<1000x128xi32, #tpu.memory_space<vmem_shared>> -> memref<1000x128xi32, #tpu.memory_space<vmem_shared>>
    tpu.enqueue_indirect_dma source(%dma_start3A_65 : memref<1000x128xi32, #tpu.memory_space<vmem_shared>>) target(%dma_start3A_60 : memref<40x128xi32, #tpu.memory_space<vmem>>) offsets(%dma_start3A_62 : memref<40xi32, #tpu.memory_space<vmem>>) semaphore(%arg13 : memref<!tpu.dma_semaphore, #tpu.memory_space<semaphore_mem>>)
    %dma_start3A_66 = arith.constant 2 : i32
    %dma_start3A_67 = arith.constant 0 : i32
    %dma_start3A_68 = arith.constant 0 : i32
    %dma_start3A_69 = tpu.memref_slice %arg8[%dma_start3A_66, %dma_start3A_67, %dma_start3A_68] : memref<3x40x256xf32, #tpu.memory_space<vmem>> -> memref<1x40x256xf32, #tpu.memory_space<vmem>>
    %dma_start3A_70 = tpu.memref_squeeze %dma_start3A_69 : memref<1x40x256xf32, #tpu.memory_space<vmem>> -> memref<40x256xf32, #tpu.memory_space<vmem>>
    %dma_start3A_71 = arith.constant 0 : i32
    %dma_start3A_72 = tpu.memref_slice %arg2[%add3A_55, %dma_start3A_71] : memref<160000x256xf32, #tpu.memory_space<hbm>> -> memref<40x256xf32, #tpu.memory_space<hbm>>
    %dma_start3A_73 = arith.constant 0 : i32
    %dma_start3A_74 = arith.constant 0 : i32
    %dma_start3A_75 = tpu.memref_slice %arg8[%dma_start3A_66, %dma_start3A_73, %dma_start3A_74] : memref<3x40x256xf32, #tpu.memory_space<vmem>> -> memref<1x40x256xf32, #tpu.memory_space<vmem>>
    %dma_start3A_76 = tpu.memref_squeeze %dma_start3A_75 : memref<1x40x256xf32, #tpu.memory_space<vmem>> -> memref<40x256xf32, #tpu.memory_space<vmem>>
    %dma_start3A_77 = arith.constant 0 : i32
    %dma_start3A_78 = tpu.memref_slice %arg2[%add3A_55, %dma_start3A_77] : memref<160000x256xf32, #tpu.memory_space<hbm>> -> memref<40x256xf32, #tpu.memory_space<hbm>>
    tpu.enqueue_dma source(%dma_start3A_78 : memref<40x256xf32, #tpu.memory_space<hbm>>) target(%dma_start3A_76 : memref<40x256xf32, #tpu.memory_space<vmem>>) target_semaphore(%arg16 : memref<!tpu.dma_semaphore, #tpu.memory_space<semaphore_mem>>)
    %broadcast_in_dim3A = arith.constant -65536 : i32
    %broadcast_in_dim3A_79 = vector.broadcast %broadcast_in_dim3A : i32 to vector<16xi32>
    %broadcast_in_dim3A_80 = arith.constant 16 : i32
    %broadcast_in_dim3A_81 = vector.broadcast %broadcast_in_dim3A_80 : i32 to vector<16xi32>
    %scan3A = arith.constant 0 : i32
    %scan3A_82 = arith.constant 0 : i32
    %scan3A_83 = arith.constant 42 : i32
    %scan3A_84 = arith.addi %scan3A_82, %scan3A_83 : i32
    %scan3A_85 = arith.constant 1 : i32
    scf.for %scan3A_125 = %scan3A_82 to %scan3A_84 step %scan3A_85  : i32 {
      %mul3A_126 = arith.constant 3 : i32
      %mul3A_127 = arith.muli %scan3A_125, %mul3A_126 : i32
      %add3A_128 = arith.constant 0 : i32
      %add3A_129 = arith.addi %mul3A_127, %add3A_128 : i32
      %mul3A_130 = arith.constant 40 : i32
      %mul3A_131 = arith.muli %add3A_129, %mul3A_130 : i32
      %add3A_132 = arith.addi %mul3A_2, %mul3A_131 : i32
      %lt3A = arith.constant 125 : i32
      %lt3A_133 = arith.cmpi slt, %add3A_129, %lt3A : i32
      %convert_element_type3A_134 = arith.extui %lt3A_133 : i1 to i32
      %cond3A_135 = arith.constant 0 : i32
      %cond3A_136 = arith.cmpi ne, %convert_element_type3A_134, %cond3A_135 : i32
      scf.if %cond3A_136 {
        %mul3A_161 = arith.constant 40 : i32
        %mul3A_162 = arith.muli %add3A_129, %mul3A_161 : i32
        %dma_wait3A_163 = arith.constant 0 : i32
        %dma_wait3A_164 = arith.constant 0 : i32
        %dma_wait3A_165 = arith.constant 0 : i32
        %dma_wait3A_166 = tpu.memref_slice %arg7[%dma_wait3A_163, %dma_wait3A_164, %dma_wait3A_165] : memref<3x40x128xi32, #tpu.memory_space<vmem>> -> memref<1x40x128xi32, #tpu.memory_space<vmem>>
        %dma_wait3A_167 = tpu.memref_squeeze %dma_wait3A_166 : memref<1x40x128xi32, #tpu.memory_space<vmem>> -> memref<40x128xi32, #tpu.memory_space<vmem>>
        %dma_wait3A_168 = tpu.memref_slice %arg6[%mul3A_162] : memref<5000xi32, #tpu.memory_space<vmem>> -> memref<40xi32, #tpu.memory_space<vmem>>
        %dma_wait3A_169 = arith.constant 0 : i32
        %dma_wait3A_170 = arith.constant 0 : i32
        %dma_wait3A_171 = tpu.memref_slice %arg10[%dma_wait3A_169, %dma_wait3A_170] : memref<1000x128xi32, #tpu.memory_space<vmem_shared>> -> memref<1000x128xi32, #tpu.memory_space<vmem_shared>>
        tpu.wait_indirect_dma semaphore(%arg11 : memref<!tpu.dma_semaphore, #tpu.memory_space<semaphore_mem>>) src(%dma_wait3A_171 : memref<1000x128xi32, #tpu.memory_space<vmem_shared>>) dst(%dma_wait3A_167 : memref<40x128xi32, #tpu.memory_space<vmem>>)
        %dma_wait3A_172 = arith.constant 0 : i32
        %dma_wait3A_173 = arith.constant 0 : i32
        %dma_wait3A_174 = arith.constant 0 : i32
        %dma_wait3A_175 = tpu.memref_slice %arg8[%dma_wait3A_172, %dma_wait3A_173, %dma_wait3A_174] : memref<3x40x256xf32, #tpu.memory_space<vmem>> -> memref<1x40x256xf32, #tpu.memory_space<vmem>>
        %dma_wait3A_176 = tpu.memref_squeeze %dma_wait3A_175 : memref<1x40x256xf32, #tpu.memory_space<vmem>> -> memref<40x256xf32, #tpu.memory_space<vmem>>
        %dma_wait3A_177 = arith.constant 0 : i32
        %dma_wait3A_178 = tpu.memref_slice %arg2[%add3A_132, %dma_wait3A_177] : memref<160000x256xf32, #tpu.memory_space<hbm>> -> memref<40x256xf32, #tpu.memory_space<hbm>>
        %dma_wait3A_179 = arith.constant 0 : i32
        %dma_wait3A_180 = arith.constant 0 : i32
        %dma_wait3A_181 = tpu.memref_slice %arg8[%dma_wait3A_172, %dma_wait3A_179, %dma_wait3A_180] : memref<3x40x256xf32, #tpu.memory_space<vmem>> -> memref<1x40x256xf32, #tpu.memory_space<vmem>>
        %dma_wait3A_182 = tpu.memref_squeeze %dma_wait3A_181 : memref<1x40x256xf32, #tpu.memory_space<vmem>> -> memref<40x256xf32, #tpu.memory_space<vmem>>
        %dma_wait3A_183 = arith.constant 0 : i32
        %dma_wait3A_184 = tpu.memref_slice %arg2[%add3A_132, %dma_wait3A_183] : memref<160000x256xf32, #tpu.memory_space<hbm>> -> memref<40x256xf32, #tpu.memory_space<hbm>>
        tpu.wait_dma2 semaphore(%arg14 : memref<!tpu.dma_semaphore, #tpu.memory_space<semaphore_mem>>) src(%dma_wait3A_184 : memref<40x256xf32, #tpu.memory_space<hbm>>) dst(%dma_wait3A_182 : memref<40x256xf32, #tpu.memory_space<vmem>>)
        %ge3A = arith.constant 3 : i32
        %ge3A_185 = arith.cmpi sge, %add3A_129, %ge3A : i32
        %convert_element_type3A_186 = arith.extui %ge3A_185 : i1 to i32
        %cond3A_187 = arith.constant 0 : i32
        %cond3A_188 = arith.cmpi ne, %convert_element_type3A_186, %cond3A_187 : i32
        scf.if %cond3A_188 {
          %dma_wait3A_214 = arith.constant 0 : i32
          %dma_wait3A_215 = arith.constant 0 : i32
          %dma_wait3A_216 = arith.constant 0 : i32
          %dma_wait3A_217 = tpu.memref_slice %arg9[%dma_wait3A_214, %dma_wait3A_215, %dma_wait3A_216] : memref<3x40x256xf32, #tpu.memory_space<vmem>> -> memref<1x40x256xf32, #tpu.memory_space<vmem>>
          %dma_wait3A_218 = tpu.memref_squeeze %dma_wait3A_217 : memref<1x40x256xf32, #tpu.memory_space<vmem>> -> memref<40x256xf32, #tpu.memory_space<vmem>>
          %dma_wait3A_219 = arith.constant 0 : i32
          %dma_wait3A_220 = tpu.memref_slice %arg5[%add3A_132, %dma_wait3A_219] : memref<160000x256xf32, #tpu.memory_space<hbm>> -> memref<40x256xf32, #tpu.memory_space<hbm>>
          %dma_wait3A_221 = arith.constant 0 : i32
          %dma_wait3A_222 = tpu.memref_slice %arg5[%add3A_132, %dma_wait3A_221] : memref<160000x256xf32, #tpu.memory_space<hbm>> -> memref<40x256xf32, #tpu.memory_space<hbm>>
          %dma_wait3A_223 = arith.constant 0 : i32
          %dma_wait3A_224 = arith.constant 0 : i32
          %dma_wait3A_225 = tpu.memref_slice %arg9[%dma_wait3A_214, %dma_wait3A_223, %dma_wait3A_224] : memref<3x40x256xf32, #tpu.memory_space<vmem>> -> memref<1x40x256xf32, #tpu.memory_space<vmem>>
          %dma_wait3A_226 = tpu.memref_squeeze %dma_wait3A_225 : memref<1x40x256xf32, #tpu.memory_space<vmem>> -> memref<40x256xf32, #tpu.memory_space<vmem>>
          tpu.wait_dma2 semaphore(%arg17 : memref<!tpu.dma_semaphore, #tpu.memory_space<semaphore_mem>>) src(%dma_wait3A_226 : memref<40x256xf32, #tpu.memory_space<vmem>>) dst(%dma_wait3A_222 : memref<40x256xf32, #tpu.memory_space<hbm>>)
        } else {
        }
        %parallel_loop3A = arith.constant 0 : i32
        %parallel_loop3A_189 = arith.constant 40 : i32
        %parallel_loop3A_190 = arith.constant 1 : i32
        %parallel_loop3A_191 = arith.constant 0 : i32
        %parallel_loop3A_192 = arith.constant 0 : i32
        %parallel_loop3A_193 = arith.constant 0 : i32
        scf.for %parallel_loop3A_214 = %parallel_loop3A to %parallel_loop3A_189 step %parallel_loop3A_190  : i32 {
          %parallel_loop3A_215 = arith.constant 0 : i32
          %parallel_loop3A_216 = arith.constant 0 : i32
          %parallel_loop3A_217 = tpu.memref_slice %arg7[%parallel_loop3A_191, %parallel_loop3A_215, %parallel_loop3A_216] : memref<3x40x128xi32, #tpu.memory_space<vmem>> -> memref<1x40x128xi32, #tpu.memory_space<vmem>>
          %parallel_loop3A_218 = tpu.memref_squeeze %parallel_loop3A_217 : memref<1x40x128xi32, #tpu.memory_space<vmem>> -> memref<40x128xi32, #tpu.memory_space<vmem>>
          %parallel_loop3A_219 = arith.index_cast %parallel_loop3A_214 : i32 to index
          %parallel_loop3A_220 = arith.constant 0 : index
          %parallel_loop3A_221 = tpu.vector_load %parallel_loop3A_218[%parallel_loop3A_219, %parallel_loop3A_220] {strides = array<i32>} : memref<40x128xi32, #tpu.memory_space<vmem>>, vector<1x16xi32>,
          %parallel_loop3A_222 = vector.shape_cast %parallel_loop3A_221 : vector<1x16xi32> to vector<16xi32>
          %parallel_loop3A_223 = arith.shli %parallel_loop3A_222, %broadcast_in_dim3A_81 : vector<16xi32>
          %parallel_loop3A_224 = tpu.bitcast %parallel_loop3A_223 : vector<16xi32> -> vector<16xf32>
          %parallel_loop3A_225 = arith.andi %parallel_loop3A_222, %broadcast_in_dim3A_79 : vector<16xi32>
          %parallel_loop3A_226 = tpu.bitcast %parallel_loop3A_225 : vector<16xi32> -> vector<16xf32>
          %parallel_loop3A_227 = arith.constant 0 : i32
          %parallel_loop3A_228 = arith.constant 0 : i32
          %parallel_loop3A_229 = tpu.memref_slice %arg8[%parallel_loop3A_192, %parallel_loop3A_227, %parallel_loop3A_228] : memref<3x40x256xf32, #tpu.memory_space<vmem>> -> memref<1x40x256xf32, #tpu.memory_space<vmem>>
          %parallel_loop3A_230 = tpu.memref_squeeze %parallel_loop3A_229 : memref<1x40x256xf32, #tpu.memory_space<vmem>> -> memref<40x256xf32, #tpu.memory_space<vmem>>
          %parallel_loop3A_231 = arith.index_cast %parallel_loop3A_214 : i32 to index
          %parallel_loop3A_232 = arith.constant 0 : index
          %parallel_loop3A_233 = tpu.vector_load %parallel_loop3A_230[%parallel_loop3A_231, %parallel_loop3A_232] {strides = array<i32>} : memref<40x256xf32, #tpu.memory_space<vmem>>, vector<1x16xf32>,
          %parallel_loop3A_234 = vector.shape_cast %parallel_loop3A_233 : vector<1x16xf32> to vector<16xf32>
          %parallel_loop3A_235 = arith.addf %parallel_loop3A_234, %parallel_loop3A_224 : vector<16xf32>
          %parallel_loop3A_236 = arith.constant 0 : i32
          %parallel_loop3A_237 = arith.constant 0 : i32
          %parallel_loop3A_238 = tpu.memref_slice %arg9[%parallel_loop3A_193, %parallel_loop3A_236, %parallel_loop3A_237] : memref<3x40x256xf32, #tpu.memory_space<vmem>> -> memref<1x40x256xf32, #tpu.memory_space<vmem>>
          %parallel_loop3A_239 = tpu.memref_squeeze %parallel_loop3A_238 : memref<1x40x256xf32, #tpu.memory_space<vmem>> -> memref<40x256xf32, #tpu.memory_space<vmem>>
          %parallel_loop3A_240 = arith.index_cast %parallel_loop3A_214 : i32 to index
          %parallel_loop3A_241 = arith.constant 0 : index
          %parallel_loop3A_242 = tpu.vector_load %parallel_loop3A_239[%parallel_loop3A_240, %parallel_loop3A_241] {strides = array<i32>} : memref<40x256xf32, #tpu.memory_space<vmem>>, vector<1x16xf32>,
          %parallel_loop3A_243 = vector.shape_cast %parallel_loop3A_242 : vector<1x16xf32> to vector<16xf32>
          %parallel_loop3A_244 = vector.shape_cast %parallel_loop3A_235 : vector<16xf32> to vector<1x16xf32>
          tpu.vector_store %parallel_loop3A_239[%parallel_loop3A_240, %parallel_loop3A_241], %parallel_loop3A_244 {strides = array<i32>} : memref<40x256xf32, #tpu.memory_space<vmem>>, vector<1x16xf32>,
          %parallel_loop3A_245 = arith.constant 0 : i32
          %parallel_loop3A_246 = arith.constant 0 : i32
          %parallel_loop3A_247 = tpu.memref_slice %arg8[%parallel_loop3A_192, %parallel_loop3A_245, %parallel_loop3A_246] : memref<3x40x256xf32, #tpu.memory_space<vmem>> -> memref<1x40x256xf32, #tpu.memory_space<vmem>>
          %parallel_loop3A_248 = tpu.memref_squeeze %parallel_loop3A_247 : memref<1x40x256xf32, #tpu.memory_space<vmem>> -> memref<40x256xf32, #tpu.memory_space<vmem>>
          %parallel_loop3A_249 = arith.index_cast %parallel_loop3A_214 : i32 to index
          %parallel_loop3A_250 = arith.constant 16 : index
          %parallel_loop3A_251 = tpu.vector_load %parallel_loop3A_248[%parallel_loop3A_249, %parallel_loop3A_250] {strides = array<i32>} : memref<40x256xf32, #tpu.memory_space<vmem>>, vector<1x16xf32>,
          %parallel_loop3A_252 = vector.shape_cast %parallel_loop3A_251 : vector<1x16xf32> to vector<16xf32>
          %parallel_loop3A_253 = arith.addf %parallel_loop3A_252, %parallel_loop3A_226 : vector<16xf32>
          %parallel_loop3A_254 = arith.constant 0 : i32
          %parallel_loop3A_255 = arith.constant 0 : i32
          %parallel_loop3A_256 = tpu.memref_slice %arg9[%parallel_loop3A_193, %parallel_loop3A_254, %parallel_loop3A_255] : memref<3x40x256xf32, #tpu.memory_space<vmem>> -> memref<1x40x256xf32, #tpu.memory_space<vmem>>
          %parallel_loop3A_257 = tpu.memref_squeeze %parallel_loop3A_256 : memref<1x40x256xf32, #tpu.memory_space<vmem>> -> memref<40x256xf32, #tpu.memory_space<vmem>>
          %parallel_loop3A_258 = arith.index_cast %parallel_loop3A_214 : i32 to index
          %parallel_loop3A_259 = arith.constant 16 : index
          %parallel_loop3A_260 = tpu.vector_load %parallel_loop3A_257[%parallel_loop3A_258, %parallel_loop3A_259] {strides = array<i32>} : memref<40x256xf32, #tpu.memory_space<vmem>>, vector<1x16xf32>,
          %parallel_loop3A_261 = vector.shape_cast %parallel_loop3A_260 : vector<1x16xf32> to vector<16xf32>
          %parallel_loop3A_262 = vector.shape_cast %parallel_loop3A_253 : vector<16xf32> to vector<1x16xf32>
          tpu.vector_store %parallel_loop3A_257[%parallel_loop3A_258, %parallel_loop3A_259], %parallel_loop3A_262 {strides = array<i32>} : memref<40x256xf32, #tpu.memory_space<vmem>>, vector<1x16xf32>,
          %parallel_loop3A_263 = arith.constant 0 : i32
          %parallel_loop3A_264 = arith.constant 0 : i32
          %parallel_loop3A_265 = tpu.memref_slice %arg7[%parallel_loop3A_191, %parallel_loop3A_263, %parallel_loop3A_264] : memref<3x40x128xi32, #tpu.memory_space<vmem>> -> memref<1x40x128xi32, #tpu.memory_space<vmem>>
          %parallel_loop3A_266 = tpu.memref_squeeze %parallel_loop3A_265 : memref<1x40x128xi32, #tpu.memory_space<vmem>> -> memref<40x128xi32, #tpu.memory_space<vmem>>
          %parallel_loop3A_267 = arith.index_cast %parallel_loop3A_214 : i32 to index
          %parallel_loop3A_268 = arith.constant 16 : index
          %parallel_loop3A_269 = tpu.vector_load %parallel_loop3A_266[%parallel_loop3A_267, %parallel_loop3A_268] {strides = array<i32>} : memref<40x128xi32, #tpu.memory_space<vmem>>, vector<1x16xi32>,
          %parallel_loop3A_270 = vector.shape_cast %parallel_loop3A_269 : vector<1x16xi32> to vector<16xi32>
          %parallel_loop3A_271 = arith.shli %parallel_loop3A_270, %broadcast_in_dim3A_81 : vector<16xi32>
          %parallel_loop3A_272 = tpu.bitcast %parallel_loop3A_271 : vector<16xi32> -> vector<16xf32>
          %parallel_loop3A_273 = arith.andi %parallel_loop3A_270, %broadcast_in_dim3A_79 : vector<16xi32>
          %parallel_loop3A_274 = tpu.bitcast %parallel_loop3A_273 : vector<16xi32> -> vector<16xf32>
          %parallel_loop3A_275 = arith.constant 0 : i32
          %parallel_loop3A_276 = arith.constant 0 : i32
          %parallel_loop3A_277 = tpu.memref_slice %arg8[%parallel_loop3A_192, %parallel_loop3A_275, %parallel_loop3A_276] : memref<3x40x256xf32, #tpu.memory_space<vmem>> -> memref<1x40x256xf32, #tpu.memory_space<vmem>>
          %parallel_loop3A_278 = tpu.memref_squeeze %parallel_loop3A_277 : memref<1x40x256xf32, #tpu.memory_space<vmem>> -> memref<40x256xf32, #tpu.memory_space<vmem>>
          %parallel_loop3A_279 = arith.index_cast %parallel_loop3A_214 : i32 to index
          %parallel_loop3A_280 = arith.constant 32 : index
          %parallel_loop3A_281 = tpu.vector_load %parallel_loop3A_278[%parallel_loop3A_279, %parallel_loop3A_280] {strides = array<i32>} : memref<40x256xf32, #tpu.memory_space<vmem>>, vector<1x16xf32>,
          %parallel_loop3A_282 = vector.shape_cast %parallel_loop3A_281 : vector<1x16xf32> to vector<16xf32>
          %parallel_loop3A_283 = arith.addf %parallel_loop3A_282, %parallel_loop3A_272 : vector<16xf32>
          %parallel_loop3A_284 = arith.constant 0 : i32
          %parallel_loop3A_285 = arith.constant 0 : i32
          %parallel_loop3A_286 = tpu.memref_slice %arg9[%parallel_loop3A_193, %parallel_loop3A_284, %parallel_loop3A_285] : memref<3x40x256xf32, #tpu.memory_space<vmem>> -> memref<1x40x256xf32, #tpu.memory_space<vmem>>
          %parallel_loop3A_287 = tpu.memref_squeeze %parallel_loop3A_286 : memref<1x40x256xf32, #tpu.memory_space<vmem>> -> memref<40x256xf32, #tpu.memory_space<vmem>>
          %parallel_loop3A_288 = arith.index_cast %parallel_loop3A_214 : i32 to index
          %parallel_loop3A_289 = arith.constant 32 : index
          %parallel_loop3A_290 = tpu.vector_load %parallel_loop3A_287[%parallel_loop3A_288, %parallel_loop3A_289] {strides = array<i32>} : memref<40x256xf32, #tpu.memory_space<vmem>>, vector<1x16xf32>,
          %parallel_loop3A_291 = vector.shape_cast %parallel_loop3A_290 : vector<1x16xf32> to vector<16xf32>
          %parallel_loop3A_292 = vector.shape_cast %parallel_loop3A_283 : vector<16xf32> to vector<1x16xf32>
          tpu.vector_store %parallel_loop3A_287[%parallel_loop3A_288, %parallel_loop3A_289], %parallel_loop3A_292 {strides = array<i32>} : memref<40x256xf32, #tpu.memory_space<vmem>>, vector<1x16xf32>,
          %parallel_loop3A_293 = arith.constant 0 : i32
          %parallel_loop3A_294 = arith.constant 0 : i32
          %parallel_loop3A_295 = tpu.memref_slice %arg8[%parallel_loop3A_192, %parallel_loop3A_293, %parallel_loop3A_294] : memref<3x40x256xf32, #tpu.memory_space<vmem>> -> memref<1x40x256xf32, #tpu.memory_space<vmem>>
          %parallel_loop3A_296 = tpu.memref_squeeze %parallel_loop3A_295 : memref<1x40x256xf32, #tpu.memory_space<vmem>> -> memref<40x256xf32, #tpu.memory_space<vmem>>
          %parallel_loop3A_297 = arith.index_cast %parallel_loop3A_214 : i32 to index
          %parallel_loop3A_298 = arith.constant 48 : index
          %parallel_loop3A_299 = tpu.vector_load %parallel_loop3A_296[%parallel_loop3A_297, %parallel_loop3A_298] {strides = array<i32>} : memref<40x256xf32, #tpu.memory_space<vmem>>, vector<1x16xf32>,
          %parallel_loop3A_300 = vector.shape_cast %parallel_loop3A_299 : vector<1x16xf32> to vector<16xf32>
          %parallel_loop3A_301 = arith.addf %parallel_loop3A_300, %parallel_loop3A_274 : vector<16xf32>
          %parallel_loop3A_302 = arith.constant 0 : i32
          %parallel_loop3A_303 = arith.constant 0 : i32
          %parallel_loop3A_304 = tpu.memref_slice %arg9[%parallel_loop3A_193, %parallel_loop3A_302, %parallel_loop3A_303] : memref<3x40x256xf32, #tpu.memory_space<vmem>> -> memref<1x40x256xf32, #tpu.memory_space<vmem>>
          %parallel_loop3A_305 = tpu.memref_squeeze %parallel_loop3A_304 : memref<1x40x256xf32, #tpu.memory_space<vmem>> -> memref<40x256xf32, #tpu.memory_space<vmem>>
          %parallel_loop3A_306 = arith.index_cast %parallel_loop3A_214 : i32 to index
          %parallel_loop3A_307 = arith.constant 48 : index
          %parallel_loop3A_308 = tpu.vector_load %parallel_loop3A_305[%parallel_loop3A_306, %parallel_loop3A_307] {strides = array<i32>} : memref<40x256xf32, #tpu.memory_space<vmem>>, vector<1x16xf32>,
          %parallel_loop3A_309 = vector.shape_cast %parallel_loop3A_308 : vector<1x16xf32> to vector<16xf32>
          %parallel_loop3A_310 = vector.shape_cast %parallel_loop3A_301 : vector<16xf32> to vector<1x16xf32>
          tpu.vector_store %parallel_loop3A_305[%parallel_loop3A_306, %parallel_loop3A_307], %parallel_loop3A_310 {strides = array<i32>} : memref<40x256xf32, #tpu.memory_space<vmem>>, vector<1x16xf32>,
          %parallel_loop3A_311 = arith.constant 0 : i32
          %parallel_loop3A_312 = arith.constant 0 : i32
          %parallel_loop3A_313 = tpu.memref_slice %arg7[%parallel_loop3A_191, %parallel_loop3A_311, %parallel_loop3A_312] : memref<3x40x128xi32, #tpu.memory_space<vmem>> -> memref<1x40x128xi32, #tpu.memory_space<vmem>>
          %parallel_loop3A_314 = tpu.memref_squeeze %parallel_loop3A_313 : memref<1x40x128xi32, #tpu.memory_space<vmem>> -> memref<40x128xi32, #tpu.memory_space<vmem>>
          %parallel_loop3A_315 = arith.index_cast %parallel_loop3A_214 : i32 to index
          %parallel_loop3A_316 = arith.constant 32 : index
          %parallel_loop3A_317 = tpu.vector_load %parallel_loop3A_314[%parallel_loop3A_315, %parallel_loop3A_316] {strides = array<i32>} : memref<40x128xi32, #tpu.memory_space<vmem>>, vector<1x16xi32>,
          %parallel_loop3A_318 = vector.shape_cast %parallel_loop3A_317 : vector<1x16xi32> to vector<16xi32>
          %parallel_loop3A_319 = arith.shli %parallel_loop3A_318, %broadcast_in_dim3A_81 : vector<16xi32>
          %parallel_loop3A_320 = tpu.bitcast %parallel_loop3A_319 : vector<16xi32> -> vector<16xf32>
          %parallel_loop3A_321 = arith.andi %parallel_loop3A_318, %broadcast_in_dim3A_79 : vector<16xi32>
          %parallel_loop3A_322 = tpu.bitcast %parallel_loop3A_321 : vector<16xi32> -> vector<16xf32>
          %parallel_loop3A_323 = arith.constant 0 : i32
          %parallel_loop3A_324 = arith.constant 0 : i32
          %parallel_loop3A_325 = tpu.memref_slice %arg8[%parallel_loop3A_192, %parallel_loop3A_323, %parallel_loop3A_324] : memref<3x40x256xf32, #tpu.memory_space<vmem>> -> memref<1x40x256xf32, #tpu.memory_space<vmem>>
          %parallel_loop3A_326 = tpu.memref_squeeze %parallel_loop3A_325 : memref<1x40x256xf32, #tpu.memory_space<vmem>> -> memref<40x256xf32, #tpu.memory_space<vmem>>
          %parallel_loop3A_327 = arith.index_cast %parallel_loop3A_214 : i32 to index
          %parallel_loop3A_328 = arith.constant 64 : index
          %parallel_loop3A_329 = tpu.vector_load %parallel_loop3A_326[%parallel_loop3A_327, %parallel_loop3A_328] {strides = array<i32>} : memref<40x256xf32, #tpu.memory_space<vmem>>, vector<1x16xf32>,
          %parallel_loop3A_330 = vector.shape_cast %parallel_loop3A_329 : vector<1x16xf32> to vector<16xf32>
          %parallel_loop3A_331 = arith.addf %parallel_loop3A_330, %parallel_loop3A_320 : vector<16xf32>
          %parallel_loop3A_332 = arith.constant 0 : i32
          %parallel_loop3A_333 = arith.constant 0 : i32
          %parallel_loop3A_334 = tpu.memref_slice %arg9[%parallel_loop3A_193, %parallel_loop3A_332, %parallel_loop3A_333] : memref<3x40x256xf32, #tpu.memory_space<vmem>> -> memref<1x40x256xf32, #tpu.memory_space<vmem>>
          %parallel_loop3A_335 = tpu.memref_squeeze %parallel_loop3A_334 : memref<1x40x256xf32, #tpu.memory_space<vmem>> -> memref<40x256xf32, #tpu.memory_space<vmem>>
          %parallel_loop3A_336 = arith.index_cast %parallel_loop3A_214 : i32 to index
          %parallel_loop3A_337 = arith.constant 64 : index
          %parallel_loop3A_338 = tpu.vector_load %parallel_loop3A_335[%parallel_loop3A_336, %parallel_loop3A_337] {strides = array<i32>} : memref<40x256xf32, #tpu.memory_space<vmem>>, vector<1x16xf32>,
          %parallel_loop3A_339 = vector.shape_cast %parallel_loop3A_338 : vector<1x16xf32> to vector<16xf32>
          %parallel_loop3A_340 = vector.shape_cast %parallel_loop3A_331 : vector<16xf32> to vector<1x16xf32>
          tpu.vector_store %parallel_loop3A_335[%parallel_loop3A_336, %parallel_loop3A_337], %parallel_loop3A_340 {strides = array<i32>} : memref<40x256xf32, #tpu.memory_space<vmem>>, vector<1x16xf32>,
          %parallel_loop3A_341 = arith.constant 0 : i32
          %parallel_loop3A_342 = arith.constant 0 : i32
          %parallel_loop3A_343 = tpu.memref_slice %arg8[%parallel_loop3A_192, %parallel_loop3A_341, %parallel_loop3A_342] : memref<3x40x256xf32, #tpu.memory_space<vmem>> -> memref<1x40x256xf32, #tpu.memory_space<vmem>>
          %parallel_loop3A_344 = tpu.memref_squeeze %parallel_loop3A_343 : memref<1x40x256xf32, #tpu.memory_space<vmem>> -> memref<40x256xf32, #tpu.memory_space<vmem>>
          %parallel_loop3A_345 = arith.index_cast %parallel_loop3A_214 : i32 to index
          %parallel_loop3A_346 = arith.constant 80 : index
          %parallel_loop3A_347 = tpu.vector_load %parallel_loop3A_344[%parallel_loop3A_345, %parallel_loop3A_346] {strides = array<i32>} : memref<40x256xf32, #tpu.memory_space<vmem>>, vector<1x16xf32>,
          %parallel_loop3A_348 = vector.shape_cast %parallel_loop3A_347 : vector<1x16xf32> to vector<16xf32>
          %parallel_loop3A_349 = arith.addf %parallel_loop3A_348, %parallel_loop3A_322 : vector<16xf32>
          %parallel_loop3A_350 = arith.constant 0 : i32
          %parallel_loop3A_351 = arith.constant 0 : i32
          %parallel_loop3A_352 = tpu.memref_slice %arg9[%parallel_loop3A_193, %parallel_loop3A_350, %parallel_loop3A_351] : memref<3x40x256xf32, #tpu.memory_space<vmem>> -> memref<1x40x256xf32, #tpu.memory_space<vmem>>
          %parallel_loop3A_353 = tpu.memref_squeeze %parallel_loop3A_352 : memref<1x40x256xf32, #tpu.memory_space<vmem>> -> memref<40x256xf32, #tpu.memory_space<vmem>>
          %parallel_loop3A_354 = arith.index_cast %parallel_loop3A_214 : i32 to index
          %parallel_loop3A_355 = arith.constant 80 : index
          %parallel_loop3A_356 = tpu.vector_load %parallel_loop3A_353[%parallel_loop3A_354, %parallel_loop3A_355] {strides = array<i32>} : memref<40x256xf32, #tpu.memory_space<vmem>>, vector<1x16xf32>,
          %parallel_loop3A_357 = vector.shape_cast %parallel_loop3A_356 : vector<1x16xf32> to vector<16xf32>
          %parallel_loop3A_358 = vector.shape_cast %parallel_loop3A_349 : vector<16xf32> to vector<1x16xf32>
          tpu.vector_store %parallel_loop3A_353[%parallel_loop3A_354, %parallel_loop3A_355], %parallel_loop3A_358 {strides = array<i32>} : memref<40x256xf32, #tpu.memory_space<vmem>>, vector<1x16xf32>,
          %parallel_loop3A_359 = arith.constant 0 : i32
          %parallel_loop3A_360 = arith.constant 0 : i32
          %parallel_loop3A_361 = tpu.memref_slice %arg7[%parallel_loop3A_191, %parallel_loop3A_359, %parallel_loop3A_360] : memref<3x40x128xi32, #tpu.memory_space<vmem>> -> memref<1x40x128xi32, #tpu.memory_space<vmem>>
          %parallel_loop3A_362 = tpu.memref_squeeze %parallel_loop3A_361 : memref<1x40x128xi32, #tpu.memory_space<vmem>> -> memref<40x128xi32, #tpu.memory_space<vmem>>
          %parallel_loop3A_363 = arith.index_cast %parallel_loop3A_214 : i32 to index
          %parallel_loop3A_364 = arith.constant 48 : index
          %parallel_loop3A_365 = tpu.vector_load %parallel_loop3A_362[%parallel_loop3A_363, %parallel_loop3A_364] {strides = array<i32>} : memref<40x128xi32, #tpu.memory_space<vmem>>, vector<1x16xi32>,
          %parallel_loop3A_366 = vector.shape_cast %parallel_loop3A_365 : vector<1x16xi32> to vector<16xi32>
          %parallel_loop3A_367 = arith.shli %parallel_loop3A_366, %broadcast_in_dim3A_81 : vector<16xi32>
          %parallel_loop3A_368 = tpu.bitcast %parallel_loop3A_367 : vector<16xi32> -> vector<16xf32>
          %parallel_loop3A_369 = arith.andi %parallel_loop3A_366, %broadcast_in_dim3A_79 : vector<16xi32>
          %parallel_loop3A_370 = tpu.bitcast %parallel_loop3A_369 : vector<16xi32> -> vector<16xf32>
          %parallel_loop3A_371 = arith.constant 0 : i32
          %parallel_loop3A_372 = arith.constant 0 : i32
          %parallel_loop3A_373 = tpu.memref_slice %arg8[%parallel_loop3A_192, %parallel_loop3A_371, %parallel_loop3A_372] : memref<3x40x256xf32, #tpu.memory_space<vmem>> -> memref<1x40x256xf32, #tpu.memory_space<vmem>>
          %parallel_loop3A_374 = tpu.memref_squeeze %parallel_loop3A_373 : memref<1x40x256xf32, #tpu.memory_space<vmem>> -> memref<40x256xf32, #tpu.memory_space<vmem>>
          %parallel_loop3A_375 = arith.index_cast %parallel_loop3A_214 : i32 to index
          %parallel_loop3A_376 = arith.constant 96 : index
          %parallel_loop3A_377 = tpu.vector_load %parallel_loop3A_374[%parallel_loop3A_375, %parallel_loop3A_376] {strides = array<i32>} : memref<40x256xf32, #tpu.memory_space<vmem>>, vector<1x16xf32>,
          %parallel_loop3A_378 = vector.shape_cast %parallel_loop3A_377 : vector<1x16xf32> to vector<16xf32>
          %parallel_loop3A_379 = arith.addf %parallel_loop3A_378, %parallel_loop3A_368 : vector<16xf32>
          %parallel_loop3A_380 = arith.constant 0 : i32
          %parallel_loop3A_381 = arith.constant 0 : i32
          %parallel_loop3A_382 = tpu.memref_slice %arg9[%parallel_loop3A_193, %parallel_loop3A_380, %parallel_loop3A_381] : memref<3x40x256xf32, #tpu.memory_space<vmem>> -> memref<1x40x256xf32, #tpu.memory_space<vmem>>
          %parallel_loop3A_383 = tpu.memref_squeeze %parallel_loop3A_382 : memref<1x40x256xf32, #tpu.memory_space<vmem>> -> memref<40x256xf32, #tpu.memory_space<vmem>>
          %parallel_loop3A_384 = arith.index_cast %parallel_loop3A_214 : i32 to index
          %parallel_loop3A_385 = arith.constant 96 : index
          %parallel_loop3A_386 = tpu.vector_load %parallel_loop3A_383[%parallel_loop3A_384, %parallel_loop3A_385] {strides = array<i32>} : memref<40x256xf32, #tpu.memory_space<vmem>>, vector<1x16xf32>,
          %parallel_loop3A_387 = vector.shape_cast %parallel_loop3A_386 : vector<1x16xf32> to vector<16xf32>
          %parallel_loop3A_388 = vector.shape_cast %parallel_loop3A_379 : vector<16xf32> to vector<1x16xf32>
          tpu.vector_store %parallel_loop3A_383[%parallel_loop3A_384, %parallel_loop3A_385], %parallel_loop3A_388 {strides = array<i32>} : memref<40x256xf32, #tpu.memory_space<vmem>>, vector<1x16xf32>,
          %parallel_loop3A_389 = arith.constant 0 : i32
          %parallel_loop3A_390 = arith.constant 0 : i32
          %parallel_loop3A_391 = tpu.memref_slice %arg8[%parallel_loop3A_192, %parallel_loop3A_389, %parallel_loop3A_390] : memref<3x40x256xf32, #tpu.memory_space<vmem>> -> memref<1x40x256xf32, #tpu.memory_space<vmem>>
          %parallel_loop3A_392 = tpu.memref_squeeze %parallel_loop3A_391 : memref<1x40x256xf32, #tpu.memory_space<vmem>> -> memref<40x256xf32, #tpu.memory_space<vmem>>
          %parallel_loop3A_393 = arith.index_cast %parallel_loop3A_214 : i32 to index
          %parallel_loop3A_394 = arith.constant 112 : index
          %parallel_loop3A_395 = tpu.vector_load %parallel_loop3A_392[%parallel_loop3A_393, %parallel_loop3A_394] {strides = array<i32>} : memref<40x256xf32, #tpu.memory_space<vmem>>, vector<1x16xf32>,
          %parallel_loop3A_396 = vector.shape_cast %parallel_loop3A_395 : vector<1x16xf32> to vector<16xf32>
          %parallel_loop3A_397 = arith.addf %parallel_loop3A_396, %parallel_loop3A_370 : vector<16xf32>
          %parallel_loop3A_398 = arith.constant 0 : i32
          %parallel_loop3A_399 = arith.constant 0 : i32
          %parallel_loop3A_400 = tpu.memref_slice %arg9[%parallel_loop3A_193, %parallel_loop3A_398, %parallel_loop3A_399] : memref<3x40x256xf32, #tpu.memory_space<vmem>> -> memref<1x40x256xf32, #tpu.memory_space<vmem>>
          %parallel_loop3A_401 = tpu.memref_squeeze %parallel_loop3A_400 : memref<1x40x256xf32, #tpu.memory_space<vmem>> -> memref<40x256xf32, #tpu.memory_space<vmem>>
          %parallel_loop3A_402 = arith.index_cast %parallel_loop3A_214 : i32 to index
          %parallel_loop3A_403 = arith.constant 112 : index
          %parallel_loop3A_404 = tpu.vector_load %parallel_loop3A_401[%parallel_loop3A_402, %parallel_loop3A_403] {strides = array<i32>} : memref<40x256xf32, #tpu.memory_space<vmem>>, vector<1x16xf32>,
          %parallel_loop3A_405 = vector.shape_cast %parallel_loop3A_404 : vector<1x16xf32> to vector<16xf32>
          %parallel_loop3A_406 = vector.shape_cast %parallel_loop3A_397 : vector<16xf32> to vector<1x16xf32>
          tpu.vector_store %parallel_loop3A_401[%parallel_loop3A_402, %parallel_loop3A_403], %parallel_loop3A_406 {strides = array<i32>} : memref<40x256xf32, #tpu.memory_space<vmem>>, vector<1x16xf32>,
          %parallel_loop3A_407 = arith.constant 0 : i32
          %parallel_loop3A_408 = arith.constant 0 : i32
          %parallel_loop3A_409 = tpu.memref_slice %arg7[%parallel_loop3A_191, %parallel_loop3A_407, %parallel_loop3A_408] : memref<3x40x128xi32, #tpu.memory_space<vmem>> -> memref<1x40x128xi32, #tpu.memory_space<vmem>>
          %parallel_loop3A_410 = tpu.memref_squeeze %parallel_loop3A_409 : memref<1x40x128xi32, #tpu.memory_space<vmem>> -> memref<40x128xi32, #tpu.memory_space<vmem>>
          %parallel_loop3A_411 = arith.index_cast %parallel_loop3A_214 : i32 to index
          %parallel_loop3A_412 = arith.constant 64 : index
          %parallel_loop3A_413 = tpu.vector_load %parallel_loop3A_410[%parallel_loop3A_411, %parallel_loop3A_412] {strides = array<i32>} : memref<40x128xi32, #tpu.memory_space<vmem>>, vector<1x16xi32>,
          %parallel_loop3A_414 = vector.shape_cast %parallel_loop3A_413 : vector<1x16xi32> to vector<16xi32>
          %parallel_loop3A_415 = arith.shli %parallel_loop3A_414, %broadcast_in_dim3A_81 : vector<16xi32>
          %parallel_loop3A_416 = tpu.bitcast %parallel_loop3A_415 : vector<16xi32> -> vector<16xf32>
          %parallel_loop3A_417 = arith.andi %parallel_loop3A_414, %broadcast_in_dim3A_79 : vector<16xi32>
          %parallel_loop3A_418 = tpu.bitcast %parallel_loop3A_417 : vector<16xi32> -> vector<16xf32>
          %parallel_loop3A_419 = arith.constant 0 : i32
          %parallel_loop3A_420 = arith.constant 0 : i32
          %parallel_loop3A_421 = tpu.memref_slice %arg8[%parallel_loop3A_192, %parallel_loop3A_419, %parallel_loop3A_420] : memref<3x40x256xf32, #tpu.memory_space<vmem>> -> memref<1x40x256xf32, #tpu.memory_space<vmem>>
          %parallel_loop3A_422 = tpu.memref_squeeze %parallel_loop3A_421 : memref<1x40x256xf32, #tpu.memory_space<vmem>> -> memref<40x256xf32, #tpu.memory_space<vmem>>
          %parallel_loop3A_423 = arith.index_cast %parallel_loop3A_214 : i32 to index
          %parallel_loop3A_424 = arith.constant 128 : index
          %parallel_loop3A_425 = tpu.vector_load %parallel_loop3A_422[%parallel_loop3A_423, %parallel_loop3A_424] {strides = array<i32>} : memref<40x256xf32, #tpu.memory_space<vmem>>, vector<1x16xf32>,
          %parallel_loop3A_426 = vector.shape_cast %parallel_loop3A_425 : vector<1x16xf32> to vector<16xf32>
          %parallel_loop3A_427 = arith.addf %parallel_loop3A_426, %parallel_loop3A_416 : vector<16xf32>
          %parallel_loop3A_428 = arith.constant 0 : i32
          %parallel_loop3A_429 = arith.constant 0 : i32
          %parallel_loop3A_430 = tpu.memref_slice %arg9[%parallel_loop3A_193, %parallel_loop3A_428, %parallel_loop3A_429] : memref<3x40x256xf32, #tpu.memory_space<vmem>> -> memref<1x40x256xf32, #tpu.memory_space<vmem>>
          %parallel_loop3A_431 = tpu.memref_squeeze %parallel_loop3A_430 : memref<1x40x256xf32, #tpu.memory_space<vmem>> -> memref<40x256xf32, #tpu.memory_space<vmem>>
          %parallel_loop3A_432 = arith.index_cast %parallel_loop3A_214 : i32 to index
          %parallel_loop3A_433 = arith.constant 128 : index
          %parallel_loop3A_434 = tpu.vector_load %parallel_loop3A_431[%parallel_loop3A_432, %parallel_loop3A_433] {strides = array<i32>} : memref<40x256xf32, #tpu.memory_space<vmem>>, vector<1x16xf32>,
          %parallel_loop3A_435 = vector.shape_cast %parallel_loop3A_434 : vector<1x16xf32> to vector<16xf32>
          %parallel_loop3A_436 = vector.shape_cast %parallel_loop3A_427 : vector<16xf32> to vector<1x16xf32>
          tpu.vector_store %parallel_loop3A_431[%parallel_loop3A_432, %parallel_loop3A_433], %parallel_loop3A_436 {strides = array<i32>} : memref<40x256xf32, #tpu.memory_space<vmem>>, vector<1x16xf32>,
          %parallel_loop3A_437 = arith.constant 0 : i32
          %parallel_loop3A_438 = arith.constant 0 : i32
          %parallel_loop3A_439 = tpu.memref_slice %arg8[%parallel_loop3A_192, %parallel_loop3A_437, %parallel_loop3A_438] : memref<3x40x256xf32, #tpu.memory_space<vmem>> -> memref<1x40x256xf32, #tpu.memory_space<vmem>>
          %parallel_loop3A_440 = tpu.memref_squeeze %parallel_loop3A_439 : memref<1x40x256xf32, #tpu.memory_space<vmem>> -> memref<40x256xf32, #tpu.memory_space<vmem>>
          %parallel_loop3A_441 = arith.index_cast %parallel_loop3A_214 : i32 to index
          %parallel_loop3A_442 = arith.constant 144 : index
          %parallel_loop3A_443 = tpu.vector_load %parallel_loop3A_440[%parallel_loop3A_441, %parallel_loop3A_442] {strides = array<i32>} : memref<40x256xf32, #tpu.memory_space<vmem>>, vector<1x16xf32>,
          %parallel_loop3A_444 = vector.shape_cast %parallel_loop3A_443 : vector<1x16xf32> to vector<16xf32>
          %parallel_loop3A_445 = arith.addf %parallel_loop3A_444, %parallel_loop3A_418 : vector<16xf32>
          %parallel_loop3A_446 = arith.constant 0 : i32
          %parallel_loop3A_447 = arith.constant 0 : i32
          %parallel_loop3A_448 = tpu.memref_slice %arg9[%parallel_loop3A_193, %parallel_loop3A_446, %parallel_loop3A_447] : memref<3x40x256xf32, #tpu.memory_space<vmem>> -> memref<1x40x256xf32, #tpu.memory_space<vmem>>
          %parallel_loop3A_449 = tpu.memref_squeeze %parallel_loop3A_448 : memref<1x40x256xf32, #tpu.memory_space<vmem>> -> memref<40x256xf32, #tpu.memory_space<vmem>>
          %parallel_loop3A_450 = arith.index_cast %parallel_loop3A_214 : i32 to index
          %parallel_loop3A_451 = arith.constant 144 : index
          %parallel_loop3A_452 = tpu.vector_load %parallel_loop3A_449[%parallel_loop3A_450, %parallel_loop3A_451] {strides = array<i32>} : memref<40x256xf32, #tpu.memory_space<vmem>>, vector<1x16xf32>,
          %parallel_loop3A_453 = vector.shape_cast %parallel_loop3A_452 : vector<1x16xf32> to vector<16xf32>
          %parallel_loop3A_454 = vector.shape_cast %parallel_loop3A_445 : vector<16xf32> to vector<1x16xf32>
          tpu.vector_store %parallel_loop3A_449[%parallel_loop3A_450, %parallel_loop3A_451], %parallel_loop3A_454 {strides = array<i32>} : memref<40x256xf32, #tpu.memory_space<vmem>>, vector<1x16xf32>,
          %parallel_loop3A_455 = arith.constant 0 : i32
          %parallel_loop3A_456 = arith.constant 0 : i32
          %parallel_loop3A_457 = tpu.memref_slice %arg7[%parallel_loop3A_191, %parallel_loop3A_455, %parallel_loop3A_456] : memref<3x40x128xi32, #tpu.memory_space<vmem>> -> memref<1x40x128xi32, #tpu.memory_space<vmem>>
          %parallel_loop3A_458 = tpu.memref_squeeze %parallel_loop3A_457 : memref<1x40x128xi32, #tpu.memory_space<vmem>> -> memref<40x128xi32, #tpu.memory_space<vmem>>
          %parallel_loop3A_459 = arith.index_cast %parallel_loop3A_214 : i32 to index
          %parallel_loop3A_460 = arith.constant 80 : index
          %parallel_loop3A_461 = tpu.vector_load %parallel_loop3A_458[%parallel_loop3A_459, %parallel_loop3A_460] {strides = array<i32>} : memref<40x128xi32, #tpu.memory_space<vmem>>, vector<1x16xi32>,
          %parallel_loop3A_462 = vector.shape_cast %parallel_loop3A_461 : vector<1x16xi32> to vector<16xi32>
          %parallel_loop3A_463 = arith.shli %parallel_loop3A_462, %broadcast_in_dim3A_81 : vector<16xi32>
          %parallel_loop3A_464 = tpu.bitcast %parallel_loop3A_463 : vector<16xi32> -> vector<16xf32>
          %parallel_loop3A_465 = arith.andi %parallel_loop3A_462, %broadcast_in_dim3A_79 : vector<16xi32>
          %parallel_loop3A_466 = tpu.bitcast %parallel_loop3A_465 : vector<16xi32> -> vector<16xf32>
          %parallel_loop3A_467 = arith.constant 0 : i32
          %parallel_loop3A_468 = arith.constant 0 : i32
          %parallel_loop3A_469 = tpu.memref_slice %arg8[%parallel_loop3A_192, %parallel_loop3A_467, %parallel_loop3A_468] : memref<3x40x256xf32, #tpu.memory_space<vmem>> -> memref<1x40x256xf32, #tpu.memory_space<vmem>>
          %parallel_loop3A_470 = tpu.memref_squeeze %parallel_loop3A_469 : memref<1x40x256xf32, #tpu.memory_space<vmem>> -> memref<40x256xf32, #tpu.memory_space<vmem>>
          %parallel_loop3A_471 = arith.index_cast %parallel_loop3A_214 : i32 to index
          %parallel_loop3A_472 = arith.constant 160 : index
          %parallel_loop3A_473 = tpu.vector_load %parallel_loop3A_470[%parallel_loop3A_471, %parallel_loop3A_472] {strides = array<i32>} : memref<40x256xf32, #tpu.memory_space<vmem>>, vector<1x16xf32>,
          %parallel_loop3A_474 = vector.shape_cast %parallel_loop3A_473 : vector<1x16xf32> to vector<16xf32>
          %parallel_loop3A_475 = arith.addf %parallel_loop3A_474, %parallel_loop3A_464 : vector<16xf32>
          %parallel_loop3A_476 = arith.constant 0 : i32
          %parallel_loop3A_477 = arith.constant 0 : i32
          %parallel_loop3A_478 = tpu.memref_slice %arg9[%parallel_loop3A_193, %parallel_loop3A_476, %parallel_loop3A_477] : memref<3x40x256xf32, #tpu.memory_space<vmem>> -> memref<1x40x256xf32, #tpu.memory_space<vmem>>
          %parallel_loop3A_479 = tpu.memref_squeeze %parallel_loop3A_478 : memref<1x40x256xf32, #tpu.memory_space<vmem>> -> memref<40x256xf32, #tpu.memory_space<vmem>>
          %parallel_loop3A_480 = arith.index_cast %parallel_loop3A_214 : i32 to index
          %parallel_loop3A_481 = arith.constant 160 : index
          %parallel_loop3A_482 = tpu.vector_load %parallel_loop3A_479[%parallel_loop3A_480, %parallel_loop3A_481] {strides = array<i32>} : memref<40x256xf32, #tpu.memory_space<vmem>>, vector<1x16xf32>,
          %parallel_loop3A_483 = vector.shape_cast %parallel_loop3A_482 : vector<1x16xf32> to vector<16xf32>
          %parallel_loop3A_484 = vector.shape_cast %parallel_loop3A_475 : vector<16xf32> to vector<1x16xf32>
          tpu.vector_store %parallel_loop3A_479[%parallel_loop3A_480, %parallel_loop3A_481], %parallel_loop3A_484 {strides = array<i32>} : memref<40x256xf32, #tpu.memory_space<vmem>>, vector<1x16xf32>,
          %parallel_loop3A_485 = arith.constant 0 : i32
          %parallel_loop3A_486 = arith.constant 0 : i32
          %parallel_loop3A_487 = tpu.memref_slice %arg8[%parallel_loop3A_192, %parallel_loop3A_485, %parallel_loop3A_486] : memref<3x40x256xf32, #tpu.memory_space<vmem>> -> memref<1x40x256xf32, #tpu.memory_space<vmem>>
          %parallel_loop3A_488 = tpu.memref_squeeze %parallel_loop3A_487 : memref<1x40x256xf32, #tpu.memory_space<vmem>> -> memref<40x256xf32, #tpu.memory_space<vmem>>
          %parallel_loop3A_489 = arith.index_cast %parallel_loop3A_214 : i32 to index
          %parallel_loop3A_490 = arith.constant 176 : index
          %parallel_loop3A_491 = tpu.vector_load %parallel_loop3A_488[%parallel_loop3A_489, %parallel_loop3A_490] {strides = array<i32>} : memref<40x256xf32, #tpu.memory_space<vmem>>, vector<1x16xf32>,
          %parallel_loop3A_492 = vector.shape_cast %parallel_loop3A_491 : vector<1x16xf32> to vector<16xf32>
          %parallel_loop3A_493 = arith.addf %parallel_loop3A_492, %parallel_loop3A_466 : vector<16xf32>
          %parallel_loop3A_494 = arith.constant 0 : i32
          %parallel_loop3A_495 = arith.constant 0 : i32
          %parallel_loop3A_496 = tpu.memref_slice %arg9[%parallel_loop3A_193, %parallel_loop3A_494, %parallel_loop3A_495] : memref<3x40x256xf32, #tpu.memory_space<vmem>> -> memref<1x40x256xf32, #tpu.memory_space<vmem>>
          %parallel_loop3A_497 = tpu.memref_squeeze %parallel_loop3A_496 : memref<1x40x256xf32, #tpu.memory_space<vmem>> -> memref<40x256xf32, #tpu.memory_space<vmem>>
          %parallel_loop3A_498 = arith.index_cast %parallel_loop3A_214 : i32 to index
          %parallel_loop3A_499 = arith.constant 176 : index
          %parallel_loop3A_500 = tpu.vector_load %parallel_loop3A_497[%parallel_loop3A_498, %parallel_loop3A_499] {strides = array<i32>} : memref<40x256xf32, #tpu.memory_space<vmem>>, vector<1x16xf32>,
          %parallel_loop3A_501 = vector.shape_cast %parallel_loop3A_500 : vector<1x16xf32> to vector<16xf32>
          %parallel_loop3A_502 = vector.shape_cast %parallel_loop3A_493 : vector<16xf32> to vector<1x16xf32>
          tpu.vector_store %parallel_loop3A_497[%parallel_loop3A_498, %parallel_loop3A_499], %parallel_loop3A_502 {strides = array<i32>} : memref<40x256xf32, #tpu.memory_space<vmem>>, vector<1x16xf32>,
          %parallel_loop3A_503 = arith.constant 0 : i32
          %parallel_loop3A_504 = arith.constant 0 : i32
          %parallel_loop3A_505 = tpu.memref_slice %arg7[%parallel_loop3A_191, %parallel_loop3A_503, %parallel_loop3A_504] : memref<3x40x128xi32, #tpu.memory_space<vmem>> -> memref<1x40x128xi32, #tpu.memory_space<vmem>>
          %parallel_loop3A_506 = tpu.memref_squeeze %parallel_loop3A_505 : memref<1x40x128xi32, #tpu.memory_space<vmem>> -> memref<40x128xi32, #tpu.memory_space<vmem>>
          %parallel_loop3A_507 = arith.index_cast %parallel_loop3A_214 : i32 to index
          %parallel_loop3A_508 = arith.constant 96 : index
          %parallel_loop3A_509 = tpu.vector_load %parallel_loop3A_506[%parallel_loop3A_507, %parallel_loop3A_508] {strides = array<i32>} : memref<40x128xi32, #tpu.memory_space<vmem>>, vector<1x16xi32>,
          %parallel_loop3A_510 = vector.shape_cast %parallel_loop3A_509 : vector<1x16xi32> to vector<16xi32>
          %parallel_loop3A_511 = arith.shli %parallel_loop3A_510, %broadcast_in_dim3A_81 : vector<16xi32>
          %parallel_loop3A_512 = tpu.bitcast %parallel_loop3A_511 : vector<16xi32> -> vector<16xf32>
          %parallel_loop3A_513 = arith.andi %parallel_loop3A_510, %broadcast_in_dim3A_79 : vector<16xi32>
          %parallel_loop3A_514 = tpu.bitcast %parallel_loop3A_513 : vector<16xi32> -> vector<16xf32>
          %parallel_loop3A_515 = arith.constant 0 : i32
          %parallel_loop3A_516 = arith.constant 0 : i32
          %parallel_loop3A_517 = tpu.memref_slice %arg8[%parallel_loop3A_192, %parallel_loop3A_515, %parallel_loop3A_516] : memref<3x40x256xf32, #tpu.memory_space<vmem>> -> memref<1x40x256xf32, #tpu.memory_space<vmem>>
          %parallel_loop3A_518 = tpu.memref_squeeze %parallel_loop3A_517 : memref<1x40x256xf32, #tpu.memory_space<vmem>> -> memref<40x256xf32, #tpu.memory_space<vmem>>
          %parallel_loop3A_519 = arith.index_cast %parallel_loop3A_214 : i32 to index
          %parallel_loop3A_520 = arith.constant 192 : index
          %parallel_loop3A_521 = tpu.vector_load %parallel_loop3A_518[%parallel_loop3A_519, %parallel_loop3A_520] {strides = array<i32>} : memref<40x256xf32, #tpu.memory_space<vmem>>, vector<1x16xf32>,
          %parallel_loop3A_522 = vector.shape_cast %parallel_loop3A_521 : vector<1x16xf32> to vector<16xf32>
          %parallel_loop3A_523 = arith.addf %parallel_loop3A_522, %parallel_loop3A_512 : vector<16xf32>
          %parallel_loop3A_524 = arith.constant 0 : i32
          %parallel_loop3A_525 = arith.constant 0 : i32
          %parallel_loop3A_526 = tpu.memref_slice %arg9[%parallel_loop3A_193, %parallel_loop3A_524, %parallel_loop3A_525] : memref<3x40x256xf32, #tpu.memory_space<vmem>> -> memref<1x40x256xf32, #tpu.memory_space<vmem>>
          %parallel_loop3A_527 = tpu.memref_squeeze %parallel_loop3A_526 : memref<1x40x256xf32, #tpu.memory_space<vmem>> -> memref<40x256xf32, #tpu.memory_space<vmem>>
          %parallel_loop3A_528 = arith.index_cast %parallel_loop3A_214 : i32 to index
          %parallel_loop3A_529 = arith.constant 192 : index
          %parallel_loop3A_530 = tpu.vector_load %parallel_loop3A_527[%parallel_loop3A_528, %parallel_loop3A_529] {strides = array<i32>} : memref<40x256xf32, #tpu.memory_space<vmem>>, vector<1x16xf32>,
          %parallel_loop3A_531 = vector.shape_cast %parallel_loop3A_530 : vector<1x16xf32> to vector<16xf32>
          %parallel_loop3A_532 = vector.shape_cast %parallel_loop3A_523 : vector<16xf32> to vector<1x16xf32>
          tpu.vector_store %parallel_loop3A_527[%parallel_loop3A_528, %parallel_loop3A_529], %parallel_loop3A_532 {strides = array<i32>} : memref<40x256xf32, #tpu.memory_space<vmem>>, vector<1x16xf32>,
          %parallel_loop3A_533 = arith.constant 0 : i32
          %parallel_loop3A_534 = arith.constant 0 : i32
          %parallel_loop3A_535 = tpu.memref_slice %arg8[%parallel_loop3A_192, %parallel_loop3A_533, %parallel_loop3A_534] : memref<3x40x256xf32, #tpu.memory_space<vmem>> -> memref<1x40x256xf32, #tpu.memory_space<vmem>>
          %parallel_loop3A_536 = tpu.memref_squeeze %parallel_loop3A_535 : memref<1x40x256xf32, #tpu.memory_space<vmem>> -> memref<40x256xf32, #tpu.memory_space<vmem>>
          %parallel_loop3A_537 = arith.index_cast %parallel_loop3A_214 : i32 to index
          %parallel_loop3A_538 = arith.constant 208 : index
          %parallel_loop3A_539 = tpu.vector_load %parallel_loop3A_536[%parallel_loop3A_537, %parallel_loop3A_538] {strides = array<i32>} : memref<40x256xf32, #tpu.memory_space<vmem>>, vector<1x16xf32>,
          %parallel_loop3A_540 = vector.shape_cast %parallel_loop3A_539 : vector<1x16xf32> to vector<16xf32>
          %parallel_loop3A_541 = arith.addf %parallel_loop3A_540, %parallel_loop3A_514 : vector<16xf32>
          %parallel_loop3A_542 = arith.constant 0 : i32
          %parallel_loop3A_543 = arith.constant 0 : i32
          %parallel_loop3A_544 = tpu.memref_slice %arg9[%parallel_loop3A_193, %parallel_loop3A_542, %parallel_loop3A_543] : memref<3x40x256xf32, #tpu.memory_space<vmem>> -> memref<1x40x256xf32, #tpu.memory_space<vmem>>
          %parallel_loop3A_545 = tpu.memref_squeeze %parallel_loop3A_544 : memref<1x40x256xf32, #tpu.memory_space<vmem>> -> memref<40x256xf32, #tpu.memory_space<vmem>>
          %parallel_loop3A_546 = arith.index_cast %parallel_loop3A_214 : i32 to index
          %parallel_loop3A_547 = arith.constant 208 : index
          %parallel_loop3A_548 = tpu.vector_load %parallel_loop3A_545[%parallel_loop3A_546, %parallel_loop3A_547] {strides = array<i32>} : memref<40x256xf32, #tpu.memory_space<vmem>>, vector<1x16xf32>,
          %parallel_loop3A_549 = vector.shape_cast %parallel_loop3A_548 : vector<1x16xf32> to vector<16xf32>
          %parallel_loop3A_550 = vector.shape_cast %parallel_loop3A_541 : vector<16xf32> to vector<1x16xf32>
          tpu.vector_store %parallel_loop3A_545[%parallel_loop3A_546, %parallel_loop3A_547], %parallel_loop3A_550 {strides = array<i32>} : memref<40x256xf32, #tpu.memory_space<vmem>>, vector<1x16xf32>,
          %parallel_loop3A_551 = arith.constant 0 : i32
          %parallel_loop3A_552 = arith.constant 0 : i32
          %parallel_loop3A_553 = tpu.memref_slice %arg7[%parallel_loop3A_191, %parallel_loop3A_551, %parallel_loop3A_552] : memref<3x40x128xi32, #tpu.memory_space<vmem>> -> memref<1x40x128xi32, #tpu.memory_space<vmem>>
          %parallel_loop3A_554 = tpu.memref_squeeze %parallel_loop3A_553 : memref<1x40x128xi32, #tpu.memory_space<vmem>> -> memref<40x128xi32, #tpu.memory_space<vmem>>
          %parallel_loop3A_555 = arith.index_cast %parallel_loop3A_214 : i32 to index
          %parallel_loop3A_556 = arith.constant 112 : index
          %parallel_loop3A_557 = tpu.vector_load %parallel_loop3A_554[%parallel_loop3A_555, %parallel_loop3A_556] {strides = array<i32>} : memref<40x128xi32, #tpu.memory_space<vmem>>, vector<1x16xi32>,
          %parallel_loop3A_558 = vector.shape_cast %parallel_loop3A_557 : vector<1x16xi32> to vector<16xi32>
          %parallel_loop3A_559 = arith.shli %parallel_loop3A_558, %broadcast_in_dim3A_81 : vector<16xi32>
          %parallel_loop3A_560 = tpu.bitcast %parallel_loop3A_559 : vector<16xi32> -> vector<16xf32>
          %parallel_loop3A_561 = arith.andi %parallel_loop3A_558, %broadcast_in_dim3A_79 : vector<16xi32>
          %parallel_loop3A_562 = tpu.bitcast %parallel_loop3A_561 : vector<16xi32> -> vector<16xf32>
          %parallel_loop3A_563 = arith.constant 0 : i32
          %parallel_loop3A_564 = arith.constant 0 : i32
          %parallel_loop3A_565 = tpu.memref_slice %arg8[%parallel_loop3A_192, %parallel_loop3A_563, %parallel_loop3A_564] : memref<3x40x256xf32, #tpu.memory_space<vmem>> -> memref<1x40x256xf32, #tpu.memory_space<vmem>>
          %parallel_loop3A_566 = tpu.memref_squeeze %parallel_loop3A_565 : memref<1x40x256xf32, #tpu.memory_space<vmem>> -> memref<40x256xf32, #tpu.memory_space<vmem>>
          %parallel_loop3A_567 = arith.index_cast %parallel_loop3A_214 : i32 to index
          %parallel_loop3A_568 = arith.constant 224 : index
          %parallel_loop3A_569 = tpu.vector_load %parallel_loop3A_566[%parallel_loop3A_567, %parallel_loop3A_568] {strides = array<i32>} : memref<40x256xf32, #tpu.memory_space<vmem>>, vector<1x16xf32>,
          %parallel_loop3A_570 = vector.shape_cast %parallel_loop3A_569 : vector<1x16xf32> to vector<16xf32>
          %parallel_loop3A_571 = arith.addf %parallel_loop3A_570, %parallel_loop3A_560 : vector<16xf32>
          %parallel_loop3A_572 = arith.constant 0 : i32
          %parallel_loop3A_573 = arith.constant 0 : i32
          %parallel_loop3A_574 = tpu.memref_slice %arg9[%parallel_loop3A_193, %parallel_loop3A_572, %parallel_loop3A_573] : memref<3x40x256xf32, #tpu.memory_space<vmem>> -> memref<1x40x256xf32, #tpu.memory_space<vmem>>
          %parallel_loop3A_575 = tpu.memref_squeeze %parallel_loop3A_574 : memref<1x40x256xf32, #tpu.memory_space<vmem>> -> memref<40x256xf32, #tpu.memory_space<vmem>>
          %parallel_loop3A_576 = arith.index_cast %parallel_loop3A_214 : i32 to index
          %parallel_loop3A_577 = arith.constant 224 : index
          %parallel_loop3A_578 = tpu.vector_load %parallel_loop3A_575[%parallel_loop3A_576, %parallel_loop3A_577] {strides = array<i32>} : memref<40x256xf32, #tpu.memory_space<vmem>>, vector<1x16xf32>,
          %parallel_loop3A_579 = vector.shape_cast %parallel_loop3A_578 : vector<1x16xf32> to vector<16xf32>
          %parallel_loop3A_580 = vector.shape_cast %parallel_loop3A_571 : vector<16xf32> to vector<1x16xf32>
          tpu.vector_store %parallel_loop3A_575[%parallel_loop3A_576, %parallel_loop3A_577], %parallel_loop3A_580 {strides = array<i32>} : memref<40x256xf32, #tpu.memory_space<vmem>>, vector<1x16xf32>,
          %parallel_loop3A_581 = arith.constant 0 : i32
          %parallel_loop3A_582 = arith.constant 0 : i32
          %parallel_loop3A_583 = tpu.memref_slice %arg8[%parallel_loop3A_192, %parallel_loop3A_581, %parallel_loop3A_582] : memref<3x40x256xf32, #tpu.memory_space<vmem>> -> memref<1x40x256xf32, #tpu.memory_space<vmem>>
          %parallel_loop3A_584 = tpu.memref_squeeze %parallel_loop3A_583 : memref<1x40x256xf32, #tpu.memory_space<vmem>> -> memref<40x256xf32, #tpu.memory_space<vmem>>
          %parallel_loop3A_585 = arith.index_cast %parallel_loop3A_214 : i32 to index
          %parallel_loop3A_586 = arith.constant 240 : index
          %parallel_loop3A_587 = tpu.vector_load %parallel_loop3A_584[%parallel_loop3A_585, %parallel_loop3A_586] {strides = array<i32>} : memref<40x256xf32, #tpu.memory_space<vmem>>, vector<1x16xf32>,
          %parallel_loop3A_588 = vector.shape_cast %parallel_loop3A_587 : vector<1x16xf32> to vector<16xf32>
          %parallel_loop3A_589 = arith.addf %parallel_loop3A_588, %parallel_loop3A_562 : vector<16xf32>
          %parallel_loop3A_590 = arith.constant 0 : i32
          %parallel_loop3A_591 = arith.constant 0 : i32
          %parallel_loop3A_592 = tpu.memref_slice %arg9[%parallel_loop3A_193, %parallel_loop3A_590, %parallel_loop3A_591] : memref<3x40x256xf32, #tpu.memory_space<vmem>> -> memref<1x40x256xf32, #tpu.memory_space<vmem>>
          %parallel_loop3A_593 = tpu.memref_squeeze %parallel_loop3A_592 : memref<1x40x256xf32, #tpu.memory_space<vmem>> -> memref<40x256xf32, #tpu.memory_space<vmem>>
          %parallel_loop3A_594 = arith.index_cast %parallel_loop3A_214 : i32 to index
          %parallel_loop3A_595 = arith.constant 240 : index
          %parallel_loop3A_596 = tpu.vector_load %parallel_loop3A_593[%parallel_loop3A_594, %parallel_loop3A_595] {strides = array<i32>} : memref<40x256xf32, #tpu.memory_space<vmem>>, vector<1x16xf32>,
          %parallel_loop3A_597 = vector.shape_cast %parallel_loop3A_596 : vector<1x16xf32> to vector<16xf32>
          %parallel_loop3A_598 = vector.shape_cast %parallel_loop3A_589 : vector<16xf32> to vector<1x16xf32>
          tpu.vector_store %parallel_loop3A_593[%parallel_loop3A_594, %parallel_loop3A_595], %parallel_loop3A_598 {strides = array<i32>} : memref<40x256xf32, #tpu.memory_space<vmem>>, vector<1x16xf32>,
        } {sc.loop_unroll_factor = 2 : i64, sc.parallel_access}
        %dma_start3A_194 = arith.constant 0 : i32
        %dma_start3A_195 = arith.constant 0 : i32
        %dma_start3A_196 = arith.constant 0 : i32
        %dma_start3A_197 = tpu.memref_slice %arg9[%dma_start3A_194, %dma_start3A_195, %dma_start3A_196] : memref<3x40x256xf32, #tpu.memory_space<vmem>> -> memref<1x40x256xf32, #tpu.memory_space<vmem>>
        %dma_start3A_198 = tpu.memref_squeeze %dma_start3A_197 : memref<1x40x256xf32, #tpu.memory_space<vmem>> -> memref<40x256xf32, #tpu.memory_space<vmem>>
        %dma_start3A_199 = arith.constant 0 : i32
        %dma_start3A_200 = tpu.memref_slice %arg5[%add3A_132, %dma_start3A_199] : memref<160000x256xf32, #tpu.memory_space<hbm>> -> memref<40x256xf32, #tpu.memory_space<hbm>>
        %dma_start3A_201 = arith.constant 0 : i32
        %dma_start3A_202 = tpu.memref_slice %arg5[%add3A_132, %dma_start3A_201] : memref<160000x256xf32, #tpu.memory_space<hbm>> -> memref<40x256xf32, #tpu.memory_space<hbm>>
        %dma_start3A_203 = arith.constant 0 : i32
        %dma_start3A_204 = arith.constant 0 : i32
        %dma_start3A_205 = tpu.memref_slice %arg9[%dma_start3A_194, %dma_start3A_203, %dma_start3A_204] : memref<3x40x256xf32, #tpu.memory_space<vmem>> -> memref<1x40x256xf32, #tpu.memory_space<vmem>>
        %dma_start3A_206 = tpu.memref_squeeze %dma_start3A_205 : memref<1x40x256xf32, #tpu.memory_space<vmem>> -> memref<40x256xf32, #tpu.memory_space<vmem>>
        tpu.enqueue_dma source(%dma_start3A_206 : memref<40x256xf32, #tpu.memory_space<vmem>>) target(%dma_start3A_202 : memref<40x256xf32, #tpu.memory_space<hbm>>) target_semaphore(%arg17 : memref<!tpu.dma_semaphore, #tpu.memory_space<semaphore_mem>>)
        %add3A_207 = arith.constant 3 : i32
        %add3A_208 = arith.addi %add3A_129, %add3A_207 : i32
        %lt3A_209 = arith.constant 125 : i32
        %lt3A_210 = arith.cmpi slt, %add3A_208, %lt3A_209 : i32
        %convert_element_type3A_211 = arith.extui %lt3A_210 : i1 to i32
        %cond3A_212 = arith.constant 0 : i32
        %cond3A_213 = arith.cmpi ne, %convert_element_type3A_211, %cond3A_212 : i32
        scf.if %cond3A_213 {
          %add3A_214 = arith.constant 3 : i32
          %add3A_215 = arith.addi %add3A_129, %add3A_214 : i32
          %mul3A_216 = arith.constant 40 : i32
          %mul3A_217 = arith.muli %add3A_215, %mul3A_216 : i32
          %add3A_218 = arith.addi %mul3A_2, %mul3A_217 : i32
          %mul3A_219 = arith.constant 40 : i32
          %mul3A_220 = arith.muli %add3A_215, %mul3A_219 : i32
          %dma_start3A_221 = arith.constant 0 : i32
          %dma_start3A_222 = arith.constant 0 : i32
          %dma_start3A_223 = arith.constant 0 : i32
          %dma_start3A_224 = tpu.memref_slice %arg7[%dma_start3A_221, %dma_start3A_222, %dma_start3A_223] : memref<3x40x128xi32, #tpu.memory_space<vmem>> -> memref<1x40x128xi32, #tpu.memory_space<vmem>>
          %dma_start3A_225 = tpu.memref_squeeze %dma_start3A_224 : memref<1x40x128xi32, #tpu.memory_space<vmem>> -> memref<40x128xi32, #tpu.memory_space<vmem>>
          %dma_start3A_226 = tpu.memref_slice %arg6[%mul3A_220] : memref<5000xi32, #tpu.memory_space<vmem>> -> memref<40xi32, #tpu.memory_space<vmem>>
          %dma_start3A_227 = arith.constant 0 : i32
          %dma_start3A_228 = arith.constant 0 : i32
          %dma_start3A_229 = tpu.memref_slice %arg10[%dma_start3A_227, %dma_start3A_228] : memref<1000x128xi32, #tpu.memory_space<vmem_shared>> -> memref<1000x128xi32, #tpu.memory_space<vmem_shared>>
          tpu.enqueue_indirect_dma source(%dma_start3A_229 : memref<1000x128xi32, #tpu.memory_space<vmem_shared>>) target(%dma_start3A_225 : memref<40x128xi32, #tpu.memory_space<vmem>>) offsets(%dma_start3A_226 : memref<40xi32, #tpu.memory_space<vmem>>) semaphore(%arg11 : memref<!tpu.dma_semaphore, #tpu.memory_space<semaphore_mem>>)
          %dma_start3A_230 = arith.constant 0 : i32
          %dma_start3A_231 = arith.constant 0 : i32
          %dma_start3A_232 = arith.constant 0 : i32
          %dma_start3A_233 = tpu.memref_slice %arg8[%dma_start3A_230, %dma_start3A_231, %dma_start3A_232] : memref<3x40x256xf32, #tpu.memory_space<vmem>> -> memref<1x40x256xf32, #tpu.memory_space<vmem>>
          %dma_start3A_234 = tpu.memref_squeeze %dma_start3A_233 : memref<1x40x256xf32, #tpu.memory_space<vmem>> -> memref<40x256xf32, #tpu.memory_space<vmem>>
          %dma_start3A_235 = arith.constant 0 : i32
          %dma_start3A_236 = tpu.memref_slice %arg2[%add3A_218, %dma_start3A_235] : memref<160000x256xf32, #tpu.memory_space<hbm>> -> memref<40x256xf32, #tpu.memory_space<hbm>>
          %dma_start3A_237 = arith.constant 0 : i32
          %dma_start3A_238 = arith.constant 0 : i32
          %dma_start3A_239 = tpu.memref_slice %arg8[%dma_start3A_230, %dma_start3A_237, %dma_start3A_238] : memref<3x40x256xf32, #tpu.memory_space<vmem>> -> memref<1x40x256xf32, #tpu.memory_space<vmem>>
          %dma_start3A_240 = tpu.memref_squeeze %dma_start3A_239 : memref<1x40x256xf32, #tpu.memory_space<vmem>> -> memref<40x256xf32, #tpu.memory_space<vmem>>
          %dma_start3A_241 = arith.constant 0 : i32
          %dma_start3A_242 = tpu.memref_slice %arg2[%add3A_218, %dma_start3A_241] : memref<160000x256xf32, #tpu.memory_space<hbm>> -> memref<40x256xf32, #tpu.memory_space<hbm>>
          tpu.enqueue_dma source(%dma_start3A_242 : memref<40x256xf32, #tpu.memory_space<hbm>>) target(%dma_start3A_240 : memref<40x256xf32, #tpu.memory_space<vmem>>) target_semaphore(%arg14 : memref<!tpu.dma_semaphore, #tpu.memory_space<semaphore_mem>>)
        } else {
        }
      } else {
      }
      %mul3A_137 = arith.constant 3 : i32
      %mul3A_138 = arith.muli %scan3A_125, %mul3A_137 : i32
      %add3A_139 = arith.constant 1 : i32
      %add3A_140 = arith.addi %mul3A_138, %add3A_139 : i32
      %mul3A_141 = arith.constant 40 : i32
      %mul3A_142 = arith.muli %add3A_140, %mul3A_141 : i32
      %add3A_143 = arith.addi %mul3A_2, %mul3A_142 : i32
      %lt3A_144 = arith.constant 125 : i32
      %lt3A_145 = arith.cmpi slt, %add3A_140, %lt3A_144 : i32
      %convert_element_type3A_146 = arith.extui %lt3A_145 : i1 to i32
      %cond3A_147 = arith.constant 0 : i32
      %cond3A_148 = arith.cmpi ne, %convert_element_type3A_146, %cond3A_147 : i32
      scf.if %cond3A_148 {
        %mul3A_161 = arith.constant 40 : i32
        %mul3A_162 = arith.muli %add3A_140, %mul3A_161 : i32
        %dma_wait3A_163 = arith.constant 1 : i32
        %dma_wait3A_164 = arith.constant 0 : i32
        %dma_wait3A_165 = arith.constant 0 : i32
        %dma_wait3A_166 = tpu.memref_slice %arg7[%dma_wait3A_163, %dma_wait3A_164, %dma_wait3A_165] : memref<3x40x128xi32, #tpu.memory_space<vmem>> -> memref<1x40x128xi32, #tpu.memory_space<vmem>>
        %dma_wait3A_167 = tpu.memref_squeeze %dma_wait3A_166 : memref<1x40x128xi32, #tpu.memory_space<vmem>> -> memref<40x128xi32, #tpu.memory_space<vmem>>
        %dma_wait3A_168 = tpu.memref_slice %arg6[%mul3A_162] : memref<5000xi32, #tpu.memory_space<vmem>> -> memref<40xi32, #tpu.memory_space<vmem>>
        %dma_wait3A_169 = arith.constant 0 : i32
        %dma_wait3A_170 = arith.constant 0 : i32
        %dma_wait3A_171 = tpu.memref_slice %arg10[%dma_wait3A_169, %dma_wait3A_170] : memref<1000x128xi32, #tpu.memory_space<vmem_shared>> -> memref<1000x128xi32, #tpu.memory_space<vmem_shared>>
        tpu.wait_indirect_dma semaphore(%arg12 : memref<!tpu.dma_semaphore, #tpu.memory_space<semaphore_mem>>) src(%dma_wait3A_171 : memref<1000x128xi32, #tpu.memory_space<vmem_shared>>) dst(%dma_wait3A_167 : memref<40x128xi32, #tpu.memory_space<vmem>>)
        %dma_wait3A_172 = arith.constant 1 : i32
        %dma_wait3A_173 = arith.constant 0 : i32
        %dma_wait3A_174 = arith.constant 0 : i32
        %dma_wait3A_175 = tpu.memref_slice %arg8[%dma_wait3A_172, %dma_wait3A_173, %dma_wait3A_174] : memref<3x40x256xf32, #tpu.memory_space<vmem>> -> memref<1x40x256xf32, #tpu.memory_space<vmem>>
        %dma_wait3A_176 = tpu.memref_squeeze %dma_wait3A_175 : memref<1x40x256xf32, #tpu.memory_space<vmem>> -> memref<40x256xf32, #tpu.memory_space<vmem>>
        %dma_wait3A_177 = arith.constant 0 : i32
        %dma_wait3A_178 = tpu.memref_slice %arg2[%add3A_143, %dma_wait3A_177] : memref<160000x256xf32, #tpu.memory_space<hbm>> -> memref<40x256xf32, #tpu.memory_space<hbm>>
        %dma_wait3A_179 = arith.constant 0 : i32
        %dma_wait3A_180 = arith.constant 0 : i32
        %dma_wait3A_181 = tpu.memref_slice %arg8[%dma_wait3A_172, %dma_wait3A_179, %dma_wait3A_180] : memref<3x40x256xf32, #tpu.memory_space<vmem>> -> memref<1x40x256xf32, #tpu.memory_space<vmem>>
        %dma_wait3A_182 = tpu.memref_squeeze %dma_wait3A_181 : memref<1x40x256xf32, #tpu.memory_space<vmem>> -> memref<40x256xf32, #tpu.memory_space<vmem>>
        %dma_wait3A_183 = arith.constant 0 : i32
        %dma_wait3A_184 = tpu.memref_slice %arg2[%add3A_143, %dma_wait3A_183] : memref<160000x256xf32, #tpu.memory_space<hbm>> -> memref<40x256xf32, #tpu.memory_space<hbm>>
        tpu.wait_dma2 semaphore(%arg15 : memref<!tpu.dma_semaphore, #tpu.memory_space<semaphore_mem>>) src(%dma_wait3A_184 : memref<40x256xf32, #tpu.memory_space<hbm>>) dst(%dma_wait3A_182 : memref<40x256xf32, #tpu.memory_space<vmem>>)
        %ge3A = arith.constant 3 : i32
        %ge3A_185 = arith.cmpi sge, %add3A_140, %ge3A : i32
        %convert_element_type3A_186 = arith.extui %ge3A_185 : i1 to i32
        %cond3A_187 = arith.constant 0 : i32
        %cond3A_188 = arith.cmpi ne, %convert_element_type3A_186, %cond3A_187 : i32
        scf.if %cond3A_188 {
          %dma_wait3A_214 = arith.constant 1 : i32
          %dma_wait3A_215 = arith.constant 0 : i32
          %dma_wait3A_216 = arith.constant 0 : i32
          %dma_wait3A_217 = tpu.memref_slice %arg9[%dma_wait3A_214, %dma_wait3A_215, %dma_wait3A_216] : memref<3x40x256xf32, #tpu.memory_space<vmem>> -> memref<1x40x256xf32, #tpu.memory_space<vmem>>
          %dma_wait3A_218 = tpu.memref_squeeze %dma_wait3A_217 : memref<1x40x256xf32, #tpu.memory_space<vmem>> -> memref<40x256xf32, #tpu.memory_space<vmem>>
          %dma_wait3A_219 = arith.constant 0 : i32
          %dma_wait3A_220 = tpu.memref_slice %arg5[%add3A_143, %dma_wait3A_219] : memref<160000x256xf32, #tpu.memory_space<hbm>> -> memref<40x256xf32, #tpu.memory_space<hbm>>
          %dma_wait3A_221 = arith.constant 0 : i32
          %dma_wait3A_222 = tpu.memref_slice %arg5[%add3A_143, %dma_wait3A_221] : memref<160000x256xf32, #tpu.memory_space<hbm>> -> memref<40x256xf32, #tpu.memory_space<hbm>>
          %dma_wait3A_223 = arith.constant 0 : i32
          %dma_wait3A_224 = arith.constant 0 : i32
          %dma_wait3A_225 = tpu.memref_slice %arg9[%dma_wait3A_214, %dma_wait3A_223, %dma_wait3A_224] : memref<3x40x256xf32, #tpu.memory_space<vmem>> -> memref<1x40x256xf32, #tpu.memory_space<vmem>>
          %dma_wait3A_226 = tpu.memref_squeeze %dma_wait3A_225 : memref<1x40x256xf32, #tpu.memory_space<vmem>> -> memref<40x256xf32, #tpu.memory_space<vmem>>
          tpu.wait_dma2 semaphore(%arg18 : memref<!tpu.dma_semaphore, #tpu.memory_space<semaphore_mem>>) src(%dma_wait3A_226 : memref<40x256xf32, #tpu.memory_space<vmem>>) dst(%dma_wait3A_222 : memref<40x256xf32, #tpu.memory_space<hbm>>)
        } else {
        }
        %parallel_loop3A = arith.constant 0 : i32
        %parallel_loop3A_189 = arith.constant 40 : i32
        %parallel_loop3A_190 = arith.constant 1 : i32
        %parallel_loop3A_191 = arith.constant 1 : i32
        %parallel_loop3A_192 = arith.constant 1 : i32
        %parallel_loop3A_193 = arith.constant 1 : i32
        scf.for %parallel_loop3A_214 = %parallel_loop3A to %parallel_loop3A_189 step %parallel_loop3A_190  : i32 {
          %parallel_loop3A_215 = arith.constant 0 : i32
          %parallel_loop3A_216 = arith.constant 0 : i32
          %parallel_loop3A_217 = tpu.memref_slice %arg7[%parallel_loop3A_191, %parallel_loop3A_215, %parallel_loop3A_216] : memref<3x40x128xi32, #tpu.memory_space<vmem>> -> memref<1x40x128xi32, #tpu.memory_space<vmem>>
          %parallel_loop3A_218 = tpu.memref_squeeze %parallel_loop3A_217 : memref<1x40x128xi32, #tpu.memory_space<vmem>> -> memref<40x128xi32, #tpu.memory_space<vmem>>
          %parallel_loop3A_219 = arith.index_cast %parallel_loop3A_214 : i32 to index
          %parallel_loop3A_220 = arith.constant 0 : index
          %parallel_loop3A_221 = tpu.vector_load %parallel_loop3A_218[%parallel_loop3A_219, %parallel_loop3A_220] {strides = array<i32>} : memref<40x128xi32, #tpu.memory_space<vmem>>, vector<1x16xi32>,
          %parallel_loop3A_222 = vector.shape_cast %parallel_loop3A_221 : vector<1x16xi32> to vector<16xi32>
          %parallel_loop3A_223 = arith.shli %parallel_loop3A_222, %broadcast_in_dim3A_81 : vector<16xi32>
          %parallel_loop3A_224 = tpu.bitcast %parallel_loop3A_223 : vector<16xi32> -> vector<16xf32>
          %parallel_loop3A_225 = arith.andi %parallel_loop3A_222, %broadcast_in_dim3A_79 : vector<16xi32>
          %parallel_loop3A_226 = tpu.bitcast %parallel_loop3A_225 : vector<16xi32> -> vector<16xf32>
          %parallel_loop3A_227 = arith.constant 0 : i32
          %parallel_loop3A_228 = arith.constant 0 : i32
          %parallel_loop3A_229 = tpu.memref_slice %arg8[%parallel_loop3A_192, %parallel_loop3A_227, %parallel_loop3A_228] : memref<3x40x256xf32, #tpu.memory_space<vmem>> -> memref<1x40x256xf32, #tpu.memory_space<vmem>>
          %parallel_loop3A_230 = tpu.memref_squeeze %parallel_loop3A_229 : memref<1x40x256xf32, #tpu.memory_space<vmem>> -> memref<40x256xf32, #tpu.memory_space<vmem>>
          %parallel_loop3A_231 = arith.index_cast %parallel_loop3A_214 : i32 to index
          %parallel_loop3A_232 = arith.constant 0 : index
          %parallel_loop3A_233 = tpu.vector_load %parallel_loop3A_230[%parallel_loop3A_231, %parallel_loop3A_232] {strides = array<i32>} : memref<40x256xf32, #tpu.memory_space<vmem>>, vector<1x16xf32>,
          %parallel_loop3A_234 = vector.shape_cast %parallel_loop3A_233 : vector<1x16xf32> to vector<16xf32>
          %parallel_loop3A_235 = arith.addf %parallel_loop3A_234, %parallel_loop3A_224 : vector<16xf32>
          %parallel_loop3A_236 = arith.constant 0 : i32
          %parallel_loop3A_237 = arith.constant 0 : i32
          %parallel_loop3A_238 = tpu.memref_slice %arg9[%parallel_loop3A_193, %parallel_loop3A_236, %parallel_loop3A_237] : memref<3x40x256xf32, #tpu.memory_space<vmem>> -> memref<1x40x256xf32, #tpu.memory_space<vmem>>
          %parallel_loop3A_239 = tpu.memref_squeeze %parallel_loop3A_238 : memref<1x40x256xf32, #tpu.memory_space<vmem>> -> memref<40x256xf32, #tpu.memory_space<vmem>>
          %parallel_loop3A_240 = arith.index_cast %parallel_loop3A_214 : i32 to index
          %parallel_loop3A_241 = arith.constant 0 : index
          %parallel_loop3A_242 = tpu.vector_load %parallel_loop3A_239[%parallel_loop3A_240, %parallel_loop3A_241] {strides = array<i32>} : memref<40x256xf32, #tpu.memory_space<vmem>>, vector<1x16xf32>,
          %parallel_loop3A_243 = vector.shape_cast %parallel_loop3A_242 : vector<1x16xf32> to vector<16xf32>
          %parallel_loop3A_244 = vector.shape_cast %parallel_loop3A_235 : vector<16xf32> to vector<1x16xf32>
          tpu.vector_store %parallel_loop3A_239[%parallel_loop3A_240, %parallel_loop3A_241], %parallel_loop3A_244 {strides = array<i32>} : memref<40x256xf32, #tpu.memory_space<vmem>>, vector<1x16xf32>,
          %parallel_loop3A_245 = arith.constant 0 : i32
          %parallel_loop3A_246 = arith.constant 0 : i32
          %parallel_loop3A_247 = tpu.memref_slice %arg8[%parallel_loop3A_192, %parallel_loop3A_245, %parallel_loop3A_246] : memref<3x40x256xf32, #tpu.memory_space<vmem>> -> memref<1x40x256xf32, #tpu.memory_space<vmem>>
          %parallel_loop3A_248 = tpu.memref_squeeze %parallel_loop3A_247 : memref<1x40x256xf32, #tpu.memory_space<vmem>> -> memref<40x256xf32, #tpu.memory_space<vmem>>
          %parallel_loop3A_249 = arith.index_cast %parallel_loop3A_214 : i32 to index
          %parallel_loop3A_250 = arith.constant 16 : index
          %parallel_loop3A_251 = tpu.vector_load %parallel_loop3A_248[%parallel_loop3A_249, %parallel_loop3A_250] {strides = array<i32>} : memref<40x256xf32, #tpu.memory_space<vmem>>, vector<1x16xf32>,
          %parallel_loop3A_252 = vector.shape_cast %parallel_loop3A_251 : vector<1x16xf32> to vector<16xf32>
          %parallel_loop3A_253 = arith.addf %parallel_loop3A_252, %parallel_loop3A_226 : vector<16xf32>
          %parallel_loop3A_254 = arith.constant 0 : i32
          %parallel_loop3A_255 = arith.constant 0 : i32
          %parallel_loop3A_256 = tpu.memref_slice %arg9[%parallel_loop3A_193, %parallel_loop3A_254, %parallel_loop3A_255] : memref<3x40x256xf32, #tpu.memory_space<vmem>> -> memref<1x40x256xf32, #tpu.memory_space<vmem>>
          %parallel_loop3A_257 = tpu.memref_squeeze %parallel_loop3A_256 : memref<1x40x256xf32, #tpu.memory_space<vmem>> -> memref<40x256xf32, #tpu.memory_space<vmem>>
          %parallel_loop3A_258 = arith.index_cast %parallel_loop3A_214 : i32 to index
          %parallel_loop3A_259 = arith.constant 16 : index
          %parallel_loop3A_260 = tpu.vector_load %parallel_loop3A_257[%parallel_loop3A_258, %parallel_loop3A_259] {strides = array<i32>} : memref<40x256xf32, #tpu.memory_space<vmem>>, vector<1x16xf32>,
          %parallel_loop3A_261 = vector.shape_cast %parallel_loop3A_260 : vector<1x16xf32> to vector<16xf32>
          %parallel_loop3A_262 = vector.shape_cast %parallel_loop3A_253 : vector<16xf32> to vector<1x16xf32>
          tpu.vector_store %parallel_loop3A_257[%parallel_loop3A_258, %parallel_loop3A_259], %parallel_loop3A_262 {strides = array<i32>} : memref<40x256xf32, #tpu.memory_space<vmem>>, vector<1x16xf32>,
          %parallel_loop3A_263 = arith.constant 0 : i32
          %parallel_loop3A_264 = arith.constant 0 : i32
          %parallel_loop3A_265 = tpu.memref_slice %arg7[%parallel_loop3A_191, %parallel_loop3A_263, %parallel_loop3A_264] : memref<3x40x128xi32, #tpu.memory_space<vmem>> -> memref<1x40x128xi32, #tpu.memory_space<vmem>>
          %parallel_loop3A_266 = tpu.memref_squeeze %parallel_loop3A_265 : memref<1x40x128xi32, #tpu.memory_space<vmem>> -> memref<40x128xi32, #tpu.memory_space<vmem>>
          %parallel_loop3A_267 = arith.index_cast %parallel_loop3A_214 : i32 to index
          %parallel_loop3A_268 = arith.constant 16 : index
          %parallel_loop3A_269 = tpu.vector_load %parallel_loop3A_266[%parallel_loop3A_267, %parallel_loop3A_268] {strides = array<i32>} : memref<40x128xi32, #tpu.memory_space<vmem>>, vector<1x16xi32>,
          %parallel_loop3A_270 = vector.shape_cast %parallel_loop3A_269 : vector<1x16xi32> to vector<16xi32>
          %parallel_loop3A_271 = arith.shli %parallel_loop3A_270, %broadcast_in_dim3A_81 : vector<16xi32>
          %parallel_loop3A_272 = tpu.bitcast %parallel_loop3A_271 : vector<16xi32> -> vector<16xf32>
          %parallel_loop3A_273 = arith.andi %parallel_loop3A_270, %broadcast_in_dim3A_79 : vector<16xi32>
          %parallel_loop3A_274 = tpu.bitcast %parallel_loop3A_273 : vector<16xi32> -> vector<16xf32>
          %parallel_loop3A_275 = arith.constant 0 : i32
          %parallel_loop3A_276 = arith.constant 0 : i32
          %parallel_loop3A_277 = tpu.memref_slice %arg8[%parallel_loop3A_192, %parallel_loop3A_275, %parallel_loop3A_276] : memref<3x40x256xf32, #tpu.memory_space<vmem>> -> memref<1x40x256xf32, #tpu.memory_space<vmem>>
          %parallel_loop3A_278 = tpu.memref_squeeze %parallel_loop3A_277 : memref<1x40x256xf32, #tpu.memory_space<vmem>> -> memref<40x256xf32, #tpu.memory_space<vmem>>
          %parallel_loop3A_279 = arith.index_cast %parallel_loop3A_214 : i32 to index
          %parallel_loop3A_280 = arith.constant 32 : index
          %parallel_loop3A_281 = tpu.vector_load %parallel_loop3A_278[%parallel_loop3A_279, %parallel_loop3A_280] {strides = array<i32>} : memref<40x256xf32, #tpu.memory_space<vmem>>, vector<1x16xf32>,
          %parallel_loop3A_282 = vector.shape_cast %parallel_loop3A_281 : vector<1x16xf32> to vector<16xf32>
          %parallel_loop3A_283 = arith.addf %parallel_loop3A_282, %parallel_loop3A_272 : vector<16xf32>
          %parallel_loop3A_284 = arith.constant 0 : i32
          %parallel_loop3A_285 = arith.constant 0 : i32
          %parallel_loop3A_286 = tpu.memref_slice %arg9[%parallel_loop3A_193, %parallel_loop3A_284, %parallel_loop3A_285] : memref<3x40x256xf32, #tpu.memory_space<vmem>> -> memref<1x40x256xf32, #tpu.memory_space<vmem>>
          %parallel_loop3A_287 = tpu.memref_squeeze %parallel_loop3A_286 : memref<1x40x256xf32, #tpu.memory_space<vmem>> -> memref<40x256xf32, #tpu.memory_space<vmem>>
          %parallel_loop3A_288 = arith.index_cast %parallel_loop3A_214 : i32 to index
          %parallel_loop3A_289 = arith.constant 32 : index
          %parallel_loop3A_290 = tpu.vector_load %parallel_loop3A_287[%parallel_loop3A_288, %parallel_loop3A_289] {strides = array<i32>} : memref<40x256xf32, #tpu.memory_space<vmem>>, vector<1x16xf32>,
          %parallel_loop3A_291 = vector.shape_cast %parallel_loop3A_290 : vector<1x16xf32> to vector<16xf32>
          %parallel_loop3A_292 = vector.shape_cast %parallel_loop3A_283 : vector<16xf32> to vector<1x16xf32>
          tpu.vector_store %parallel_loop3A_287[%parallel_loop3A_288, %parallel_loop3A_289], %parallel_loop3A_292 {strides = array<i32>} : memref<40x256xf32, #tpu.memory_space<vmem>>, vector<1x16xf32>,
          %parallel_loop3A_293 = arith.constant 0 : i32
          %parallel_loop3A_294 = arith.constant 0 : i32
          %parallel_loop3A_295 = tpu.memref_slice %arg8[%parallel_loop3A_192, %parallel_loop3A_293, %parallel_loop3A_294] : memref<3x40x256xf32, #tpu.memory_space<vmem>> -> memref<1x40x256xf32, #tpu.memory_space<vmem>>
          %parallel_loop3A_296 = tpu.memref_squeeze %parallel_loop3A_295 : memref<1x40x256xf32, #tpu.memory_space<vmem>> -> memref<40x256xf32, #tpu.memory_space<vmem>>
          %parallel_loop3A_297 = arith.index_cast %parallel_loop3A_214 : i32 to index
          %parallel_loop3A_298 = arith.constant 48 : index
          %parallel_loop3A_299 = tpu.vector_load %parallel_loop3A_296[%parallel_loop3A_297, %parallel_loop3A_298] {strides = array<i32>} : memref<40x256xf32, #tpu.memory_space<vmem>>, vector<1x16xf32>,
          %parallel_loop3A_300 = vector.shape_cast %parallel_loop3A_299 : vector<1x16xf32> to vector<16xf32>
          %parallel_loop3A_301 = arith.addf %parallel_loop3A_300, %parallel_loop3A_274 : vector<16xf32>
          %parallel_loop3A_302 = arith.constant 0 : i32
          %parallel_loop3A_303 = arith.constant 0 : i32
          %parallel_loop3A_304 = tpu.memref_slice %arg9[%parallel_loop3A_193, %parallel_loop3A_302, %parallel_loop3A_303] : memref<3x40x256xf32, #tpu.memory_space<vmem>> -> memref<1x40x256xf32, #tpu.memory_space<vmem>>
          %parallel_loop3A_305 = tpu.memref_squeeze %parallel_loop3A_304 : memref<1x40x256xf32, #tpu.memory_space<vmem>> -> memref<40x256xf32, #tpu.memory_space<vmem>>
          %parallel_loop3A_306 = arith.index_cast %parallel_loop3A_214 : i32 to index
          %parallel_loop3A_307 = arith.constant 48 : index
          %parallel_loop3A_308 = tpu.vector_load %parallel_loop3A_305[%parallel_loop3A_306, %parallel_loop3A_307] {strides = array<i32>} : memref<40x256xf32, #tpu.memory_space<vmem>>, vector<1x16xf32>,
          %parallel_loop3A_309 = vector.shape_cast %parallel_loop3A_308 : vector<1x16xf32> to vector<16xf32>
          %parallel_loop3A_310 = vector.shape_cast %parallel_loop3A_301 : vector<16xf32> to vector<1x16xf32>
          tpu.vector_store %parallel_loop3A_305[%parallel_loop3A_306, %parallel_loop3A_307], %parallel_loop3A_310 {strides = array<i32>} : memref<40x256xf32, #tpu.memory_space<vmem>>, vector<1x16xf32>,
          %parallel_loop3A_311 = arith.constant 0 : i32
          %parallel_loop3A_312 = arith.constant 0 : i32
          %parallel_loop3A_313 = tpu.memref_slice %arg7[%parallel_loop3A_191, %parallel_loop3A_311, %parallel_loop3A_312] : memref<3x40x128xi32, #tpu.memory_space<vmem>> -> memref<1x40x128xi32, #tpu.memory_space<vmem>>
          %parallel_loop3A_314 = tpu.memref_squeeze %parallel_loop3A_313 : memref<1x40x128xi32, #tpu.memory_space<vmem>> -> memref<40x128xi32, #tpu.memory_space<vmem>>
          %parallel_loop3A_315 = arith.index_cast %parallel_loop3A_214 : i32 to index
          %parallel_loop3A_316 = arith.constant 32 : index
          %parallel_loop3A_317 = tpu.vector_load %parallel_loop3A_314[%parallel_loop3A_315, %parallel_loop3A_316] {strides = array<i32>} : memref<40x128xi32, #tpu.memory_space<vmem>>, vector<1x16xi32>,
          %parallel_loop3A_318 = vector.shape_cast %parallel_loop3A_317 : vector<1x16xi32> to vector<16xi32>
          %parallel_loop3A_319 = arith.shli %parallel_loop3A_318, %broadcast_in_dim3A_81 : vector<16xi32>
          %parallel_loop3A_320 = tpu.bitcast %parallel_loop3A_319 : vector<16xi32> -> vector<16xf32>
          %parallel_loop3A_321 = arith.andi %parallel_loop3A_318, %broadcast_in_dim3A_79 : vector<16xi32>
          %parallel_loop3A_322 = tpu.bitcast %parallel_loop3A_321 : vector<16xi32> -> vector<16xf32>
          %parallel_loop3A_323 = arith.constant 0 : i32
          %parallel_loop3A_324 = arith.constant 0 : i32
          %parallel_loop3A_325 = tpu.memref_slice %arg8[%parallel_loop3A_192, %parallel_loop3A_323, %parallel_loop3A_324] : memref<3x40x256xf32, #tpu.memory_space<vmem>> -> memref<1x40x256xf32, #tpu.memory_space<vmem>>
          %parallel_loop3A_326 = tpu.memref_squeeze %parallel_loop3A_325 : memref<1x40x256xf32, #tpu.memory_space<vmem>> -> memref<40x256xf32, #tpu.memory_space<vmem>>
          %parallel_loop3A_327 = arith.index_cast %parallel_loop3A_214 : i32 to index
          %parallel_loop3A_328 = arith.constant 64 : index
          %parallel_loop3A_329 = tpu.vector_load %parallel_loop3A_326[%parallel_loop3A_327, %parallel_loop3A_328] {strides = array<i32>} : memref<40x256xf32, #tpu.memory_space<vmem>>, vector<1x16xf32>,
          %parallel_loop3A_330 = vector.shape_cast %parallel_loop3A_329 : vector<1x16xf32> to vector<16xf32>
          %parallel_loop3A_331 = arith.addf %parallel_loop3A_330, %parallel_loop3A_320 : vector<16xf32>
          %parallel_loop3A_332 = arith.constant 0 : i32
          %parallel_loop3A_333 = arith.constant 0 : i32
          %parallel_loop3A_334 = tpu.memref_slice %arg9[%parallel_loop3A_193, %parallel_loop3A_332, %parallel_loop3A_333] : memref<3x40x256xf32, #tpu.memory_space<vmem>> -> memref<1x40x256xf32, #tpu.memory_space<vmem>>
          %parallel_loop3A_335 = tpu.memref_squeeze %parallel_loop3A_334 : memref<1x40x256xf32, #tpu.memory_space<vmem>> -> memref<40x256xf32, #tpu.memory_space<vmem>>
          %parallel_loop3A_336 = arith.index_cast %parallel_loop3A_214 : i32 to index
          %parallel_loop3A_337 = arith.constant 64 : index
          %parallel_loop3A_338 = tpu.vector_load %parallel_loop3A_335[%parallel_loop3A_336, %parallel_loop3A_337] {strides = array<i32>} : memref<40x256xf32, #tpu.memory_space<vmem>>, vector<1x16xf32>,
          %parallel_loop3A_339 = vector.shape_cast %parallel_loop3A_338 : vector<1x16xf32> to vector<16xf32>
          %parallel_loop3A_340 = vector.shape_cast %parallel_loop3A_331 : vector<16xf32> to vector<1x16xf32>
          tpu.vector_store %parallel_loop3A_335[%parallel_loop3A_336, %parallel_loop3A_337], %parallel_loop3A_340 {strides = array<i32>} : memref<40x256xf32, #tpu.memory_space<vmem>>, vector<1x16xf32>,
          %parallel_loop3A_341 = arith.constant 0 : i32
          %parallel_loop3A_342 = arith.constant 0 : i32
          %parallel_loop3A_343 = tpu.memref_slice %arg8[%parallel_loop3A_192, %parallel_loop3A_341, %parallel_loop3A_342] : memref<3x40x256xf32, #tpu.memory_space<vmem>> -> memref<1x40x256xf32, #tpu.memory_space<vmem>>
          %parallel_loop3A_344 = tpu.memref_squeeze %parallel_loop3A_343 : memref<1x40x256xf32, #tpu.memory_space<vmem>> -> memref<40x256xf32, #tpu.memory_space<vmem>>
          %parallel_loop3A_345 = arith.index_cast %parallel_loop3A_214 : i32 to index
          %parallel_loop3A_346 = arith.constant 80 : index
          %parallel_loop3A_347 = tpu.vector_load %parallel_loop3A_344[%parallel_loop3A_345, %parallel_loop3A_346] {strides = array<i32>} : memref<40x256xf32, #tpu.memory_space<vmem>>, vector<1x16xf32>,
          %parallel_loop3A_348 = vector.shape_cast %parallel_loop3A_347 : vector<1x16xf32> to vector<16xf32>
          %parallel_loop3A_349 = arith.addf %parallel_loop3A_348, %parallel_loop3A_322 : vector<16xf32>
          %parallel_loop3A_350 = arith.constant 0 : i32
          %parallel_loop3A_351 = arith.constant 0 : i32
          %parallel_loop3A_352 = tpu.memref_slice %arg9[%parallel_loop3A_193, %parallel_loop3A_350, %parallel_loop3A_351] : memref<3x40x256xf32, #tpu.memory_space<vmem>> -> memref<1x40x256xf32, #tpu.memory_space<vmem>>
          %parallel_loop3A_353 = tpu.memref_squeeze %parallel_loop3A_352 : memref<1x40x256xf32, #tpu.memory_space<vmem>> -> memref<40x256xf32, #tpu.memory_space<vmem>>
          %parallel_loop3A_354 = arith.index_cast %parallel_loop3A_214 : i32 to index
          %parallel_loop3A_355 = arith.constant 80 : index
          %parallel_loop3A_356 = tpu.vector_load %parallel_loop3A_353[%parallel_loop3A_354, %parallel_loop3A_355] {strides = array<i32>} : memref<40x256xf32, #tpu.memory_space<vmem>>, vector<1x16xf32>,
          %parallel_loop3A_357 = vector.shape_cast %parallel_loop3A_356 : vector<1x16xf32> to vector<16xf32>
          %parallel_loop3A_358 = vector.shape_cast %parallel_loop3A_349 : vector<16xf32> to vector<1x16xf32>
          tpu.vector_store %parallel_loop3A_353[%parallel_loop3A_354, %parallel_loop3A_355], %parallel_loop3A_358 {strides = array<i32>} : memref<40x256xf32, #tpu.memory_space<vmem>>, vector<1x16xf32>,
          %parallel_loop3A_359 = arith.constant 0 : i32
          %parallel_loop3A_360 = arith.constant 0 : i32
          %parallel_loop3A_361 = tpu.memref_slice %arg7[%parallel_loop3A_191, %parallel_loop3A_359, %parallel_loop3A_360] : memref<3x40x128xi32, #tpu.memory_space<vmem>> -> memref<1x40x128xi32, #tpu.memory_space<vmem>>
          %parallel_loop3A_362 = tpu.memref_squeeze %parallel_loop3A_361 : memref<1x40x128xi32, #tpu.memory_space<vmem>> -> memref<40x128xi32, #tpu.memory_space<vmem>>
          %parallel_loop3A_363 = arith.index_cast %parallel_loop3A_214 : i32 to index
          %parallel_loop3A_364 = arith.constant 48 : index
          %parallel_loop3A_365 = tpu.vector_load %parallel_loop3A_362[%parallel_loop3A_363, %parallel_loop3A_364] {strides = array<i32>} : memref<40x128xi32, #tpu.memory_space<vmem>>, vector<1x16xi32>,
          %parallel_loop3A_366 = vector.shape_cast %parallel_loop3A_365 : vector<1x16xi32> to vector<16xi32>
          %parallel_loop3A_367 = arith.shli %parallel_loop3A_366, %broadcast_in_dim3A_81 : vector<16xi32>
          %parallel_loop3A_368 = tpu.bitcast %parallel_loop3A_367 : vector<16xi32> -> vector<16xf32>
          %parallel_loop3A_369 = arith.andi %parallel_loop3A_366, %broadcast_in_dim3A_79 : vector<16xi32>
          %parallel_loop3A_370 = tpu.bitcast %parallel_loop3A_369 : vector<16xi32> -> vector<16xf32>
          %parallel_loop3A_371 = arith.constant 0 : i32
          %parallel_loop3A_372 = arith.constant 0 : i32
          %parallel_loop3A_373 = tpu.memref_slice %arg8[%parallel_loop3A_192, %parallel_loop3A_371, %parallel_loop3A_372] : memref<3x40x256xf32, #tpu.memory_space<vmem>> -> memref<1x40x256xf32, #tpu.memory_space<vmem>>
          %parallel_loop3A_374 = tpu.memref_squeeze %parallel_loop3A_373 : memref<1x40x256xf32, #tpu.memory_space<vmem>> -> memref<40x256xf32, #tpu.memory_space<vmem>>
          %parallel_loop3A_375 = arith.index_cast %parallel_loop3A_214 : i32 to index
          %parallel_loop3A_376 = arith.constant 96 : index
          %parallel_loop3A_377 = tpu.vector_load %parallel_loop3A_374[%parallel_loop3A_375, %parallel_loop3A_376] {strides = array<i32>} : memref<40x256xf32, #tpu.memory_space<vmem>>, vector<1x16xf32>,
          %parallel_loop3A_378 = vector.shape_cast %parallel_loop3A_377 : vector<1x16xf32> to vector<16xf32>
          %parallel_loop3A_379 = arith.addf %parallel_loop3A_378, %parallel_loop3A_368 : vector<16xf32>
          %parallel_loop3A_380 = arith.constant 0 : i32
          %parallel_loop3A_381 = arith.constant 0 : i32
          %parallel_loop3A_382 = tpu.memref_slice %arg9[%parallel_loop3A_193, %parallel_loop3A_380, %parallel_loop3A_381] : memref<3x40x256xf32, #tpu.memory_space<vmem>> -> memref<1x40x256xf32, #tpu.memory_space<vmem>>
          %parallel_loop3A_383 = tpu.memref_squeeze %parallel_loop3A_382 : memref<1x40x256xf32, #tpu.memory_space<vmem>> -> memref<40x256xf32, #tpu.memory_space<vmem>>
          %parallel_loop3A_384 = arith.index_cast %parallel_loop3A_214 : i32 to index
          %parallel_loop3A_385 = arith.constant 96 : index
          %parallel_loop3A_386 = tpu.vector_load %parallel_loop3A_383[%parallel_loop3A_384, %parallel_loop3A_385] {strides = array<i32>} : memref<40x256xf32, #tpu.memory_space<vmem>>, vector<1x16xf32>,
          %parallel_loop3A_387 = vector.shape_cast %parallel_loop3A_386 : vector<1x16xf32> to vector<16xf32>
          %parallel_loop3A_388 = vector.shape_cast %parallel_loop3A_379 : vector<16xf32> to vector<1x16xf32>
          tpu.vector_store %parallel_loop3A_383[%parallel_loop3A_384, %parallel_loop3A_385], %parallel_loop3A_388 {strides = array<i32>} : memref<40x256xf32, #tpu.memory_space<vmem>>, vector<1x16xf32>,
          %parallel_loop3A_389 = arith.constant 0 : i32
          %parallel_loop3A_390 = arith.constant 0 : i32
          %parallel_loop3A_391 = tpu.memref_slice %arg8[%parallel_loop3A_192, %parallel_loop3A_389, %parallel_loop3A_390] : memref<3x40x256xf32, #tpu.memory_space<vmem>> -> memref<1x40x256xf32, #tpu.memory_space<vmem>>
          %parallel_loop3A_392 = tpu.memref_squeeze %parallel_loop3A_391 : memref<1x40x256xf32, #tpu.memory_space<vmem>> -> memref<40x256xf32, #tpu.memory_space<vmem>>
          %parallel_loop3A_393 = arith.index_cast %parallel_loop3A_214 : i32 to index
          %parallel_loop3A_394 = arith.constant 112 : index
          %parallel_loop3A_395 = tpu.vector_load %parallel_loop3A_392[%parallel_loop3A_393, %parallel_loop3A_394] {strides = array<i32>} : memref<40x256xf32, #tpu.memory_space<vmem>>, vector<1x16xf32>,
          %parallel_loop3A_396 = vector.shape_cast %parallel_loop3A_395 : vector<1x16xf32> to vector<16xf32>
          %parallel_loop3A_397 = arith.addf %parallel_loop3A_396, %parallel_loop3A_370 : vector<16xf32>
          %parallel_loop3A_398 = arith.constant 0 : i32
          %parallel_loop3A_399 = arith.constant 0 : i32
          %parallel_loop3A_400 = tpu.memref_slice %arg9[%parallel_loop3A_193, %parallel_loop3A_398, %parallel_loop3A_399] : memref<3x40x256xf32, #tpu.memory_space<vmem>> -> memref<1x40x256xf32, #tpu.memory_space<vmem>>
          %parallel_loop3A_401 = tpu.memref_squeeze %parallel_loop3A_400 : memref<1x40x256xf32, #tpu.memory_space<vmem>> -> memref<40x256xf32, #tpu.memory_space<vmem>>
          %parallel_loop3A_402 = arith.index_cast %parallel_loop3A_214 : i32 to index
          %parallel_loop3A_403 = arith.constant 112 : index
          %parallel_loop3A_404 = tpu.vector_load %parallel_loop3A_401[%parallel_loop3A_402, %parallel_loop3A_403] {strides = array<i32>} : memref<40x256xf32, #tpu.memory_space<vmem>>, vector<1x16xf32>,
          %parallel_loop3A_405 = vector.shape_cast %parallel_loop3A_404 : vector<1x16xf32> to vector<16xf32>
          %parallel_loop3A_406 = vector.shape_cast %parallel_loop3A_397 : vector<16xf32> to vector<1x16xf32>
          tpu.vector_store %parallel_loop3A_401[%parallel_loop3A_402, %parallel_loop3A_403], %parallel_loop3A_406 {strides = array<i32>} : memref<40x256xf32, #tpu.memory_space<vmem>>, vector<1x16xf32>,
          %parallel_loop3A_407 = arith.constant 0 : i32
          %parallel_loop3A_408 = arith.constant 0 : i32
          %parallel_loop3A_409 = tpu.memref_slice %arg7[%parallel_loop3A_191, %parallel_loop3A_407, %parallel_loop3A_408] : memref<3x40x128xi32, #tpu.memory_space<vmem>> -> memref<1x40x128xi32, #tpu.memory_space<vmem>>
          %parallel_loop3A_410 = tpu.memref_squeeze %parallel_loop3A_409 : memref<1x40x128xi32, #tpu.memory_space<vmem>> -> memref<40x128xi32, #tpu.memory_space<vmem>>
          %parallel_loop3A_411 = arith.index_cast %parallel_loop3A_214 : i32 to index
          %parallel_loop3A_412 = arith.constant 64 : index
          %parallel_loop3A_413 = tpu.vector_load %parallel_loop3A_410[%parallel_loop3A_411, %parallel_loop3A_412] {strides = array<i32>} : memref<40x128xi32, #tpu.memory_space<vmem>>, vector<1x16xi32>,
          %parallel_loop3A_414 = vector.shape_cast %parallel_loop3A_413 : vector<1x16xi32> to vector<16xi32>
          %parallel_loop3A_415 = arith.shli %parallel_loop3A_414, %broadcast_in_dim3A_81 : vector<16xi32>
          %parallel_loop3A_416 = tpu.bitcast %parallel_loop3A_415 : vector<16xi32> -> vector<16xf32>
          %parallel_loop3A_417 = arith.andi %parallel_loop3A_414, %broadcast_in_dim3A_79 : vector<16xi32>
          %parallel_loop3A_418 = tpu.bitcast %parallel_loop3A_417 : vector<16xi32> -> vector<16xf32>
          %parallel_loop3A_419 = arith.constant 0 : i32
          %parallel_loop3A_420 = arith.constant 0 : i32
          %parallel_loop3A_421 = tpu.memref_slice %arg8[%parallel_loop3A_192, %parallel_loop3A_419, %parallel_loop3A_420] : memref<3x40x256xf32, #tpu.memory_space<vmem>> -> memref<1x40x256xf32, #tpu.memory_space<vmem>>
          %parallel_loop3A_422 = tpu.memref_squeeze %parallel_loop3A_421 : memref<1x40x256xf32, #tpu.memory_space<vmem>> -> memref<40x256xf32, #tpu.memory_space<vmem>>
          %parallel_loop3A_423 = arith.index_cast %parallel_loop3A_214 : i32 to index
          %parallel_loop3A_424 = arith.constant 128 : index
          %parallel_loop3A_425 = tpu.vector_load %parallel_loop3A_422[%parallel_loop3A_423, %parallel_loop3A_424] {strides = array<i32>} : memref<40x256xf32, #tpu.memory_space<vmem>>, vector<1x16xf32>,
          %parallel_loop3A_426 = vector.shape_cast %parallel_loop3A_425 : vector<1x16xf32> to vector<16xf32>
          %parallel_loop3A_427 = arith.addf %parallel_loop3A_426, %parallel_loop3A_416 : vector<16xf32>
          %parallel_loop3A_428 = arith.constant 0 : i32
          %parallel_loop3A_429 = arith.constant 0 : i32
          %parallel_loop3A_430 = tpu.memref_slice %arg9[%parallel_loop3A_193, %parallel_loop3A_428, %parallel_loop3A_429] : memref<3x40x256xf32, #tpu.memory_space<vmem>> -> memref<1x40x256xf32, #tpu.memory_space<vmem>>
          %parallel_loop3A_431 = tpu.memref_squeeze %parallel_loop3A_430 : memref<1x40x256xf32, #tpu.memory_space<vmem>> -> memref<40x256xf32, #tpu.memory_space<vmem>>
          %parallel_loop3A_432 = arith.index_cast %parallel_loop3A_214 : i32 to index
          %parallel_loop3A_433 = arith.constant 128 : index
          %parallel_loop3A_434 = tpu.vector_load %parallel_loop3A_431[%parallel_loop3A_432, %parallel_loop3A_433] {strides = array<i32>} : memref<40x256xf32, #tpu.memory_space<vmem>>, vector<1x16xf32>,
          %parallel_loop3A_435 = vector.shape_cast %parallel_loop3A_434 : vector<1x16xf32> to vector<16xf32>
          %parallel_loop3A_436 = vector.shape_cast %parallel_loop3A_427 : vector<16xf32> to vector<1x16xf32>
          tpu.vector_store %parallel_loop3A_431[%parallel_loop3A_432, %parallel_loop3A_433], %parallel_loop3A_436 {strides = array<i32>} : memref<40x256xf32, #tpu.memory_space<vmem>>, vector<1x16xf32>,
          %parallel_loop3A_437 = arith.constant 0 : i32
          %parallel_loop3A_438 = arith.constant 0 : i32
          %parallel_loop3A_439 = tpu.memref_slice %arg8[%parallel_loop3A_192, %parallel_loop3A_437, %parallel_loop3A_438] : memref<3x40x256xf32, #tpu.memory_space<vmem>> -> memref<1x40x256xf32, #tpu.memory_space<vmem>>
          %parallel_loop3A_440 = tpu.memref_squeeze %parallel_loop3A_439 : memref<1x40x256xf32, #tpu.memory_space<vmem>> -> memref<40x256xf32, #tpu.memory_space<vmem>>
          %parallel_loop3A_441 = arith.index_cast %parallel_loop3A_214 : i32 to index
          %parallel_loop3A_442 = arith.constant 144 : index
          %parallel_loop3A_443 = tpu.vector_load %parallel_loop3A_440[%parallel_loop3A_441, %parallel_loop3A_442] {strides = array<i32>} : memref<40x256xf32, #tpu.memory_space<vmem>>, vector<1x16xf32>,
          %parallel_loop3A_444 = vector.shape_cast %parallel_loop3A_443 : vector<1x16xf32> to vector<16xf32>
          %parallel_loop3A_445 = arith.addf %parallel_loop3A_444, %parallel_loop3A_418 : vector<16xf32>
          %parallel_loop3A_446 = arith.constant 0 : i32
          %parallel_loop3A_447 = arith.constant 0 : i32
          %parallel_loop3A_448 = tpu.memref_slice %arg9[%parallel_loop3A_193, %parallel_loop3A_446, %parallel_loop3A_447] : memref<3x40x256xf32, #tpu.memory_space<vmem>> -> memref<1x40x256xf32, #tpu.memory_space<vmem>>
          %parallel_loop3A_449 = tpu.memref_squeeze %parallel_loop3A_448 : memref<1x40x256xf32, #tpu.memory_space<vmem>> -> memref<40x256xf32, #tpu.memory_space<vmem>>
          %parallel_loop3A_450 = arith.index_cast %parallel_loop3A_214 : i32 to index
          %parallel_loop3A_451 = arith.constant 144 : index
          %parallel_loop3A_452 = tpu.vector_load %parallel_loop3A_449[%parallel_loop3A_450, %parallel_loop3A_451] {strides = array<i32>} : memref<40x256xf32, #tpu.memory_space<vmem>>, vector<1x16xf32>,
          %parallel_loop3A_453 = vector.shape_cast %parallel_loop3A_452 : vector<1x16xf32> to vector<16xf32>
          %parallel_loop3A_454 = vector.shape_cast %parallel_loop3A_445 : vector<16xf32> to vector<1x16xf32>
          tpu.vector_store %parallel_loop3A_449[%parallel_loop3A_450, %parallel_loop3A_451], %parallel_loop3A_454 {strides = array<i32>} : memref<40x256xf32, #tpu.memory_space<vmem>>, vector<1x16xf32>,
          %parallel_loop3A_455 = arith.constant 0 : i32
          %parallel_loop3A_456 = arith.constant 0 : i32
          %parallel_loop3A_457 = tpu.memref_slice %arg7[%parallel_loop3A_191, %parallel_loop3A_455, %parallel_loop3A_456] : memref<3x40x128xi32, #tpu.memory_space<vmem>> -> memref<1x40x128xi32, #tpu.memory_space<vmem>>
          %parallel_loop3A_458 = tpu.memref_squeeze %parallel_loop3A_457 : memref<1x40x128xi32, #tpu.memory_space<vmem>> -> memref<40x128xi32, #tpu.memory_space<vmem>>
          %parallel_loop3A_459 = arith.index_cast %parallel_loop3A_214 : i32 to index
          %parallel_loop3A_460 = arith.constant 80 : index
          %parallel_loop3A_461 = tpu.vector_load %parallel_loop3A_458[%parallel_loop3A_459, %parallel_loop3A_460] {strides = array<i32>} : memref<40x128xi32, #tpu.memory_space<vmem>>, vector<1x16xi32>,
          %parallel_loop3A_462 = vector.shape_cast %parallel_loop3A_461 : vector<1x16xi32> to vector<16xi32>
          %parallel_loop3A_463 = arith.shli %parallel_loop3A_462, %broadcast_in_dim3A_81 : vector<16xi32>
          %parallel_loop3A_464 = tpu.bitcast %parallel_loop3A_463 : vector<16xi32> -> vector<16xf32>
          %parallel_loop3A_465 = arith.andi %parallel_loop3A_462, %broadcast_in_dim3A_79 : vector<16xi32>
          %parallel_loop3A_466 = tpu.bitcast %parallel_loop3A_465 : vector<16xi32> -> vector<16xf32>
          %parallel_loop3A_467 = arith.constant 0 : i32
          %parallel_loop3A_468 = arith.constant 0 : i32
          %parallel_loop3A_469 = tpu.memref_slice %arg8[%parallel_loop3A_192, %parallel_loop3A_467, %parallel_loop3A_468] : memref<3x40x256xf32, #tpu.memory_space<vmem>> -> memref<1x40x256xf32, #tpu.memory_space<vmem>>
          %parallel_loop3A_470 = tpu.memref_squeeze %parallel_loop3A_469 : memref<1x40x256xf32, #tpu.memory_space<vmem>> -> memref<40x256xf32, #tpu.memory_space<vmem>>
          %parallel_loop3A_471 = arith.index_cast %parallel_loop3A_214 : i32 to index
          %parallel_loop3A_472 = arith.constant 160 : index
          %parallel_loop3A_473 = tpu.vector_load %parallel_loop3A_470[%parallel_loop3A_471, %parallel_loop3A_472] {strides = array<i32>} : memref<40x256xf32, #tpu.memory_space<vmem>>, vector<1x16xf32>,
          %parallel_loop3A_474 = vector.shape_cast %parallel_loop3A_473 : vector<1x16xf32> to vector<16xf32>
          %parallel_loop3A_475 = arith.addf %parallel_loop3A_474, %parallel_loop3A_464 : vector<16xf32>
          %parallel_loop3A_476 = arith.constant 0 : i32
          %parallel_loop3A_477 = arith.constant 0 : i32
          %parallel_loop3A_478 = tpu.memref_slice %arg9[%parallel_loop3A_193, %parallel_loop3A_476, %parallel_loop3A_477] : memref<3x40x256xf32, #tpu.memory_space<vmem>> -> memref<1x40x256xf32, #tpu.memory_space<vmem>>
          %parallel_loop3A_479 = tpu.memref_squeeze %parallel_loop3A_478 : memref<1x40x256xf32, #tpu.memory_space<vmem>> -> memref<40x256xf32, #tpu.memory_space<vmem>>
          %parallel_loop3A_480 = arith.index_cast %parallel_loop3A_214 : i32 to index
          %parallel_loop3A_481 = arith.constant 160 : index
          %parallel_loop3A_482 = tpu.vector_load %parallel_loop3A_479[%parallel_loop3A_480, %parallel_loop3A_481] {strides = array<i32>} : memref<40x256xf32, #tpu.memory_space<vmem>>, vector<1x16xf32>,
          %parallel_loop3A_483 = vector.shape_cast %parallel_loop3A_482 : vector<1x16xf32> to vector<16xf32>
          %parallel_loop3A_484 = vector.shape_cast %parallel_loop3A_475 : vector<16xf32> to vector<1x16xf32>
          tpu.vector_store %parallel_loop3A_479[%parallel_loop3A_480, %parallel_loop3A_481], %parallel_loop3A_484 {strides = array<i32>} : memref<40x256xf32, #tpu.memory_space<vmem>>, vector<1x16xf32>,
          %parallel_loop3A_485 = arith.constant 0 : i32
          %parallel_loop3A_486 = arith.constant 0 : i32
          %parallel_loop3A_487 = tpu.memref_slice %arg8[%parallel_loop3A_192, %parallel_loop3A_485, %parallel_loop3A_486] : memref<3x40x256xf32, #tpu.memory_space<vmem>> -> memref<1x40x256xf32, #tpu.memory_space<vmem>>
          %parallel_loop3A_488 = tpu.memref_squeeze %parallel_loop3A_487 : memref<1x40x256xf32, #tpu.memory_space<vmem>> -> memref<40x256xf32, #tpu.memory_space<vmem>>
          %parallel_loop3A_489 = arith.index_cast %parallel_loop3A_214 : i32 to index
          %parallel_loop3A_490 = arith.constant 176 : index
          %parallel_loop3A_491 = tpu.vector_load %parallel_loop3A_488[%parallel_loop3A_489, %parallel_loop3A_490] {strides = array<i32>} : memref<40x256xf32, #tpu.memory_space<vmem>>, vector<1x16xf32>,
          %parallel_loop3A_492 = vector.shape_cast %parallel_loop3A_491 : vector<1x16xf32> to vector<16xf32>
          %parallel_loop3A_493 = arith.addf %parallel_loop3A_492, %parallel_loop3A_466 : vector<16xf32>
          %parallel_loop3A_494 = arith.constant 0 : i32
          %parallel_loop3A_495 = arith.constant 0 : i32
          %parallel_loop3A_496 = tpu.memref_slice %arg9[%parallel_loop3A_193, %parallel_loop3A_494, %parallel_loop3A_495] : memref<3x40x256xf32, #tpu.memory_space<vmem>> -> memref<1x40x256xf32, #tpu.memory_space<vmem>>
          %parallel_loop3A_497 = tpu.memref_squeeze %parallel_loop3A_496 : memref<1x40x256xf32, #tpu.memory_space<vmem>> -> memref<40x256xf32, #tpu.memory_space<vmem>>
          %parallel_loop3A_498 = arith.index_cast %parallel_loop3A_214 : i32 to index
          %parallel_loop3A_499 = arith.constant 176 : index
          %parallel_loop3A_500 = tpu.vector_load %parallel_loop3A_497[%parallel_loop3A_498, %parallel_loop3A_499] {strides = array<i32>} : memref<40x256xf32, #tpu.memory_space<vmem>>, vector<1x16xf32>,
          %parallel_loop3A_501 = vector.shape_cast %parallel_loop3A_500 : vector<1x16xf32> to vector<16xf32>
          %parallel_loop3A_502 = vector.shape_cast %parallel_loop3A_493 : vector<16xf32> to vector<1x16xf32>
          tpu.vector_store %parallel_loop3A_497[%parallel_loop3A_498, %parallel_loop3A_499], %parallel_loop3A_502 {strides = array<i32>} : memref<40x256xf32, #tpu.memory_space<vmem>>, vector<1x16xf32>,
          %parallel_loop3A_503 = arith.constant 0 : i32
          %parallel_loop3A_504 = arith.constant 0 : i32
          %parallel_loop3A_505 = tpu.memref_slice %arg7[%parallel_loop3A_191, %parallel_loop3A_503, %parallel_loop3A_504] : memref<3x40x128xi32, #tpu.memory_space<vmem>> -> memref<1x40x128xi32, #tpu.memory_space<vmem>>
          %parallel_loop3A_506 = tpu.memref_squeeze %parallel_loop3A_505 : memref<1x40x128xi32, #tpu.memory_space<vmem>> -> memref<40x128xi32, #tpu.memory_space<vmem>>
          %parallel_loop3A_507 = arith.index_cast %parallel_loop3A_214 : i32 to index
          %parallel_loop3A_508 = arith.constant 96 : index
          %parallel_loop3A_509 = tpu.vector_load %parallel_loop3A_506[%parallel_loop3A_507, %parallel_loop3A_508] {strides = array<i32>} : memref<40x128xi32, #tpu.memory_space<vmem>>, vector<1x16xi32>,
          %parallel_loop3A_510 = vector.shape_cast %parallel_loop3A_509 : vector<1x16xi32> to vector<16xi32>
          %parallel_loop3A_511 = arith.shli %parallel_loop3A_510, %broadcast_in_dim3A_81 : vector<16xi32>
          %parallel_loop3A_512 = tpu.bitcast %parallel_loop3A_511 : vector<16xi32> -> vector<16xf32>
          %parallel_loop3A_513 = arith.andi %parallel_loop3A_510, %broadcast_in_dim3A_79 : vector<16xi32>
          %parallel_loop3A_514 = tpu.bitcast %parallel_loop3A_513 : vector<16xi32> -> vector<16xf32>
          %parallel_loop3A_515 = arith.constant 0 : i32
          %parallel_loop3A_516 = arith.constant 0 : i32
          %parallel_loop3A_517 = tpu.memref_slice %arg8[%parallel_loop3A_192, %parallel_loop3A_515, %parallel_loop3A_516] : memref<3x40x256xf32, #tpu.memory_space<vmem>> -> memref<1x40x256xf32, #tpu.memory_space<vmem>>
          %parallel_loop3A_518 = tpu.memref_squeeze %parallel_loop3A_517 : memref<1x40x256xf32, #tpu.memory_space<vmem>> -> memref<40x256xf32, #tpu.memory_space<vmem>>
          %parallel_loop3A_519 = arith.index_cast %parallel_loop3A_214 : i32 to index
          %parallel_loop3A_520 = arith.constant 192 : index
          %parallel_loop3A_521 = tpu.vector_load %parallel_loop3A_518[%parallel_loop3A_519, %parallel_loop3A_520] {strides = array<i32>} : memref<40x256xf32, #tpu.memory_space<vmem>>, vector<1x16xf32>,
          %parallel_loop3A_522 = vector.shape_cast %parallel_loop3A_521 : vector<1x16xf32> to vector<16xf32>
          %parallel_loop3A_523 = arith.addf %parallel_loop3A_522, %parallel_loop3A_512 : vector<16xf32>
          %parallel_loop3A_524 = arith.constant 0 : i32
          %parallel_loop3A_525 = arith.constant 0 : i32
          %parallel_loop3A_526 = tpu.memref_slice %arg9[%parallel_loop3A_193, %parallel_loop3A_524, %parallel_loop3A_525] : memref<3x40x256xf32, #tpu.memory_space<vmem>> -> memref<1x40x256xf32, #tpu.memory_space<vmem>>
          %parallel_loop3A_527 = tpu.memref_squeeze %parallel_loop3A_526 : memref<1x40x256xf32, #tpu.memory_space<vmem>> -> memref<40x256xf32, #tpu.memory_space<vmem>>
          %parallel_loop3A_528 = arith.index_cast %parallel_loop3A_214 : i32 to index
          %parallel_loop3A_529 = arith.constant 192 : index
          %parallel_loop3A_530 = tpu.vector_load %parallel_loop3A_527[%parallel_loop3A_528, %parallel_loop3A_529] {strides = array<i32>} : memref<40x256xf32, #tpu.memory_space<vmem>>, vector<1x16xf32>,
          %parallel_loop3A_531 = vector.shape_cast %parallel_loop3A_530 : vector<1x16xf32> to vector<16xf32>
          %parallel_loop3A_532 = vector.shape_cast %parallel_loop3A_523 : vector<16xf32> to vector<1x16xf32>
          tpu.vector_store %parallel_loop3A_527[%parallel_loop3A_528, %parallel_loop3A_529], %parallel_loop3A_532 {strides = array<i32>} : memref<40x256xf32, #tpu.memory_space<vmem>>, vector<1x16xf32>,
          %parallel_loop3A_533 = arith.constant 0 : i32
          %parallel_loop3A_534 = arith.constant 0 : i32
          %parallel_loop3A_535 = tpu.memref_slice %arg8[%parallel_loop3A_192, %parallel_loop3A_533, %parallel_loop3A_534] : memref<3x40x256xf32, #tpu.memory_space<vmem>> -> memref<1x40x256xf32, #tpu.memory_space<vmem>>
          %parallel_loop3A_536 = tpu.memref_squeeze %parallel_loop3A_535 : memref<1x40x256xf32, #tpu.memory_space<vmem>> -> memref<40x256xf32, #tpu.memory_space<vmem>>
          %parallel_loop3A_537 = arith.index_cast %parallel_loop3A_214 : i32 to index
          %parallel_loop3A_538 = arith.constant 208 : index
          %parallel_loop3A_539 = tpu.vector_load %parallel_loop3A_536[%parallel_loop3A_537, %parallel_loop3A_538] {strides = array<i32>} : memref<40x256xf32, #tpu.memory_space<vmem>>, vector<1x16xf32>,
          %parallel_loop3A_540 = vector.shape_cast %parallel_loop3A_539 : vector<1x16xf32> to vector<16xf32>
          %parallel_loop3A_541 = arith.addf %parallel_loop3A_540, %parallel_loop3A_514 : vector<16xf32>
          %parallel_loop3A_542 = arith.constant 0 : i32
          %parallel_loop3A_543 = arith.constant 0 : i32
          %parallel_loop3A_544 = tpu.memref_slice %arg9[%parallel_loop3A_193, %parallel_loop3A_542, %parallel_loop3A_543] : memref<3x40x256xf32, #tpu.memory_space<vmem>> -> memref<1x40x256xf32, #tpu.memory_space<vmem>>
          %parallel_loop3A_545 = tpu.memref_squeeze %parallel_loop3A_544 : memref<1x40x256xf32, #tpu.memory_space<vmem>> -> memref<40x256xf32, #tpu.memory_space<vmem>>
          %parallel_loop3A_546 = arith.index_cast %parallel_loop3A_214 : i32 to index
          %parallel_loop3A_547 = arith.constant 208 : index
          %parallel_loop3A_548 = tpu.vector_load %parallel_loop3A_545[%parallel_loop3A_546, %parallel_loop3A_547] {strides = array<i32>} : memref<40x256xf32, #tpu.memory_space<vmem>>, vector<1x16xf32>,
          %parallel_loop3A_549 = vector.shape_cast %parallel_loop3A_548 : vector<1x16xf32> to vector<16xf32>
          %parallel_loop3A_550 = vector.shape_cast %parallel_loop3A_541 : vector<16xf32> to vector<1x16xf32>
          tpu.vector_store %parallel_loop3A_545[%parallel_loop3A_546, %parallel_loop3A_547], %parallel_loop3A_550 {strides = array<i32>} : memref<40x256xf32, #tpu.memory_space<vmem>>, vector<1x16xf32>,
          %parallel_loop3A_551 = arith.constant 0 : i32
          %parallel_loop3A_552 = arith.constant 0 : i32
          %parallel_loop3A_553 = tpu.memref_slice %arg7[%parallel_loop3A_191, %parallel_loop3A_551, %parallel_loop3A_552] : memref<3x40x128xi32, #tpu.memory_space<vmem>> -> memref<1x40x128xi32, #tpu.memory_space<vmem>>
          %parallel_loop3A_554 = tpu.memref_squeeze %parallel_loop3A_553 : memref<1x40x128xi32, #tpu.memory_space<vmem>> -> memref<40x128xi32, #tpu.memory_space<vmem>>
          %parallel_loop3A_555 = arith.index_cast %parallel_loop3A_214 : i32 to index
          %parallel_loop3A_556 = arith.constant 112 : index
          %parallel_loop3A_557 = tpu.vector_load %parallel_loop3A_554[%parallel_loop3A_555, %parallel_loop3A_556] {strides = array<i32>} : memref<40x128xi32, #tpu.memory_space<vmem>>, vector<1x16xi32>,
          %parallel_loop3A_558 = vector.shape_cast %parallel_loop3A_557 : vector<1x16xi32> to vector<16xi32>
          %parallel_loop3A_559 = arith.shli %parallel_loop3A_558, %broadcast_in_dim3A_81 : vector<16xi32>
          %parallel_loop3A_560 = tpu.bitcast %parallel_loop3A_559 : vector<16xi32> -> vector<16xf32>
          %parallel_loop3A_561 = arith.andi %parallel_loop3A_558, %broadcast_in_dim3A_79 : vector<16xi32>
          %parallel_loop3A_562 = tpu.bitcast %parallel_loop3A_561 : vector<16xi32> -> vector<16xf32>
          %parallel_loop3A_563 = arith.constant 0 : i32
          %parallel_loop3A_564 = arith.constant 0 : i32
          %parallel_loop3A_565 = tpu.memref_slice %arg8[%parallel_loop3A_192, %parallel_loop3A_563, %parallel_loop3A_564] : memref<3x40x256xf32, #tpu.memory_space<vmem>> -> memref<1x40x256xf32, #tpu.memory_space<vmem>>
          %parallel_loop3A_566 = tpu.memref_squeeze %parallel_loop3A_565 : memref<1x40x256xf32, #tpu.memory_space<vmem>> -> memref<40x256xf32, #tpu.memory_space<vmem>>
          %parallel_loop3A_567 = arith.index_cast %parallel_loop3A_214 : i32 to index
          %parallel_loop3A_568 = arith.constant 224 : index
          %parallel_loop3A_569 = tpu.vector_load %parallel_loop3A_566[%parallel_loop3A_567, %parallel_loop3A_568] {strides = array<i32>} : memref<40x256xf32, #tpu.memory_space<vmem>>, vector<1x16xf32>,
          %parallel_loop3A_570 = vector.shape_cast %parallel_loop3A_569 : vector<1x16xf32> to vector<16xf32>
          %parallel_loop3A_571 = arith.addf %parallel_loop3A_570, %parallel_loop3A_560 : vector<16xf32>
          %parallel_loop3A_572 = arith.constant 0 : i32
          %parallel_loop3A_573 = arith.constant 0 : i32
          %parallel_loop3A_574 = tpu.memref_slice %arg9[%parallel_loop3A_193, %parallel_loop3A_572, %parallel_loop3A_573] : memref<3x40x256xf32, #tpu.memory_space<vmem>> -> memref<1x40x256xf32, #tpu.memory_space<vmem>>
          %parallel_loop3A_575 = tpu.memref_squeeze %parallel_loop3A_574 : memref<1x40x256xf32, #tpu.memory_space<vmem>> -> memref<40x256xf32, #tpu.memory_space<vmem>>
          %parallel_loop3A_576 = arith.index_cast %parallel_loop3A_214 : i32 to index
          %parallel_loop3A_577 = arith.constant 224 : index
          %parallel_loop3A_578 = tpu.vector_load %parallel_loop3A_575[%parallel_loop3A_576, %parallel_loop3A_577] {strides = array<i32>} : memref<40x256xf32, #tpu.memory_space<vmem>>, vector<1x16xf32>,
          %parallel_loop3A_579 = vector.shape_cast %parallel_loop3A_578 : vector<1x16xf32> to vector<16xf32>
          %parallel_loop3A_580 = vector.shape_cast %parallel_loop3A_571 : vector<16xf32> to vector<1x16xf32>
          tpu.vector_store %parallel_loop3A_575[%parallel_loop3A_576, %parallel_loop3A_577], %parallel_loop3A_580 {strides = array<i32>} : memref<40x256xf32, #tpu.memory_space<vmem>>, vector<1x16xf32>,
          %parallel_loop3A_581 = arith.constant 0 : i32
          %parallel_loop3A_582 = arith.constant 0 : i32
          %parallel_loop3A_583 = tpu.memref_slice %arg8[%parallel_loop3A_192, %parallel_loop3A_581, %parallel_loop3A_582] : memref<3x40x256xf32, #tpu.memory_space<vmem>> -> memref<1x40x256xf32, #tpu.memory_space<vmem>>
          %parallel_loop3A_584 = tpu.memref_squeeze %parallel_loop3A_583 : memref<1x40x256xf32, #tpu.memory_space<vmem>> -> memref<40x256xf32, #tpu.memory_space<vmem>>
          %parallel_loop3A_585 = arith.index_cast %parallel_loop3A_214 : i32 to index
          %parallel_loop3A_586 = arith.constant 240 : index
          %parallel_loop3A_587 = tpu.vector_load %parallel_loop3A_584[%parallel_loop3A_585, %parallel_loop3A_586] {strides = array<i32>} : memref<40x256xf32, #tpu.memory_space<vmem>>, vector<1x16xf32>,
          %parallel_loop3A_588 = vector.shape_cast %parallel_loop3A_587 : vector<1x16xf32> to vector<16xf32>
          %parallel_loop3A_589 = arith.addf %parallel_loop3A_588, %parallel_loop3A_562 : vector<16xf32>
          %parallel_loop3A_590 = arith.constant 0 : i32
          %parallel_loop3A_591 = arith.constant 0 : i32
          %parallel_loop3A_592 = tpu.memref_slice %arg9[%parallel_loop3A_193, %parallel_loop3A_590, %parallel_loop3A_591] : memref<3x40x256xf32, #tpu.memory_space<vmem>> -> memref<1x40x256xf32, #tpu.memory_space<vmem>>
          %parallel_loop3A_593 = tpu.memref_squeeze %parallel_loop3A_592 : memref<1x40x256xf32, #tpu.memory_space<vmem>> -> memref<40x256xf32, #tpu.memory_space<vmem>>
          %parallel_loop3A_594 = arith.index_cast %parallel_loop3A_214 : i32 to index
          %parallel_loop3A_595 = arith.constant 240 : index
          %parallel_loop3A_596 = tpu.vector_load %parallel_loop3A_593[%parallel_loop3A_594, %parallel_loop3A_595] {strides = array<i32>} : memref<40x256xf32, #tpu.memory_space<vmem>>, vector<1x16xf32>,
          %parallel_loop3A_597 = vector.shape_cast %parallel_loop3A_596 : vector<1x16xf32> to vector<16xf32>
          %parallel_loop3A_598 = vector.shape_cast %parallel_loop3A_589 : vector<16xf32> to vector<1x16xf32>
          tpu.vector_store %parallel_loop3A_593[%parallel_loop3A_594, %parallel_loop3A_595], %parallel_loop3A_598 {strides = array<i32>} : memref<40x256xf32, #tpu.memory_space<vmem>>, vector<1x16xf32>,
        } {sc.loop_unroll_factor = 2 : i64, sc.parallel_access}
        %dma_start3A_194 = arith.constant 1 : i32
        %dma_start3A_195 = arith.constant 0 : i32
        %dma_start3A_196 = arith.constant 0 : i32
        %dma_start3A_197 = tpu.memref_slice %arg9[%dma_start3A_194, %dma_start3A_195, %dma_start3A_196] : memref<3x40x256xf32, #tpu.memory_space<vmem>> -> memref<1x40x256xf32, #tpu.memory_space<vmem>>
        %dma_start3A_198 = tpu.memref_squeeze %dma_start3A_197 : memref<1x40x256xf32, #tpu.memory_space<vmem>> -> memref<40x256xf32, #tpu.memory_space<vmem>>
        %dma_start3A_199 = arith.constant 0 : i32
        %dma_start3A_200 = tpu.memref_slice %arg5[%add3A_143, %dma_start3A_199] : memref<160000x256xf32, #tpu.memory_space<hbm>> -> memref<40x256xf32, #tpu.memory_space<hbm>>
        %dma_start3A_201 = arith.constant 0 : i32
        %dma_start3A_202 = tpu.memref_slice %arg5[%add3A_143, %dma_start3A_201] : memref<160000x256xf32, #tpu.memory_space<hbm>> -> memref<40x256xf32, #tpu.memory_space<hbm>>
        %dma_start3A_203 = arith.constant 0 : i32
        %dma_start3A_204 = arith.constant 0 : i32
        %dma_start3A_205 = tpu.memref_slice %arg9[%dma_start3A_194, %dma_start3A_203, %dma_start3A_204] : memref<3x40x256xf32, #tpu.memory_space<vmem>> -> memref<1x40x256xf32, #tpu.memory_space<vmem>>
        %dma_start3A_206 = tpu.memref_squeeze %dma_start3A_205 : memref<1x40x256xf32, #tpu.memory_space<vmem>> -> memref<40x256xf32, #tpu.memory_space<vmem>>
        tpu.enqueue_dma source(%dma_start3A_206 : memref<40x256xf32, #tpu.memory_space<vmem>>) target(%dma_start3A_202 : memref<40x256xf32, #tpu.memory_space<hbm>>) target_semaphore(%arg18 : memref<!tpu.dma_semaphore, #tpu.memory_space<semaphore_mem>>)
        %add3A_207 = arith.constant 3 : i32
        %add3A_208 = arith.addi %add3A_140, %add3A_207 : i32
        %lt3A_209 = arith.constant 125 : i32
        %lt3A_210 = arith.cmpi slt, %add3A_208, %lt3A_209 : i32
        %convert_element_type3A_211 = arith.extui %lt3A_210 : i1 to i32
        %cond3A_212 = arith.constant 0 : i32
        %cond3A_213 = arith.cmpi ne, %convert_element_type3A_211, %cond3A_212 : i32
        scf.if %cond3A_213 {
          %add3A_214 = arith.constant 3 : i32
          %add3A_215 = arith.addi %add3A_140, %add3A_214 : i32
          %mul3A_216 = arith.constant 40 : i32
          %mul3A_217 = arith.muli %add3A_215, %mul3A_216 : i32
          %add3A_218 = arith.addi %mul3A_2, %mul3A_217 : i32
          %mul3A_219 = arith.constant 40 : i32
          %mul3A_220 = arith.muli %add3A_215, %mul3A_219 : i32
          %dma_start3A_221 = arith.constant 1 : i32
          %dma_start3A_222 = arith.constant 0 : i32
          %dma_start3A_223 = arith.constant 0 : i32
          %dma_start3A_224 = tpu.memref_slice %arg7[%dma_start3A_221, %dma_start3A_222, %dma_start3A_223] : memref<3x40x128xi32, #tpu.memory_space<vmem>> -> memref<1x40x128xi32, #tpu.memory_space<vmem>>
          %dma_start3A_225 = tpu.memref_squeeze %dma_start3A_224 : memref<1x40x128xi32, #tpu.memory_space<vmem>> -> memref<40x128xi32, #tpu.memory_space<vmem>>
          %dma_start3A_226 = tpu.memref_slice %arg6[%mul3A_220] : memref<5000xi32, #tpu.memory_space<vmem>> -> memref<40xi32, #tpu.memory_space<vmem>>
          %dma_start3A_227 = arith.constant 0 : i32
          %dma_start3A_228 = arith.constant 0 : i32
          %dma_start3A_229 = tpu.memref_slice %arg10[%dma_start3A_227, %dma_start3A_228] : memref<1000x128xi32, #tpu.memory_space<vmem_shared>> -> memref<1000x128xi32, #tpu.memory_space<vmem_shared>>
          tpu.enqueue_indirect_dma source(%dma_start3A_229 : memref<1000x128xi32, #tpu.memory_space<vmem_shared>>) target(%dma_start3A_225 : memref<40x128xi32, #tpu.memory_space<vmem>>) offsets(%dma_start3A_226 : memref<40xi32, #tpu.memory_space<vmem>>) semaphore(%arg12 : memref<!tpu.dma_semaphore, #tpu.memory_space<semaphore_mem>>)
          %dma_start3A_230 = arith.constant 1 : i32
          %dma_start3A_231 = arith.constant 0 : i32
          %dma_start3A_232 = arith.constant 0 : i32
          %dma_start3A_233 = tpu.memref_slice %arg8[%dma_start3A_230, %dma_start3A_231, %dma_start3A_232] : memref<3x40x256xf32, #tpu.memory_space<vmem>> -> memref<1x40x256xf32, #tpu.memory_space<vmem>>
          %dma_start3A_234 = tpu.memref_squeeze %dma_start3A_233 : memref<1x40x256xf32, #tpu.memory_space<vmem>> -> memref<40x256xf32, #tpu.memory_space<vmem>>
          %dma_start3A_235 = arith.constant 0 : i32
          %dma_start3A_236 = tpu.memref_slice %arg2[%add3A_218, %dma_start3A_235] : memref<160000x256xf32, #tpu.memory_space<hbm>> -> memref<40x256xf32, #tpu.memory_space<hbm>>
          %dma_start3A_237 = arith.constant 0 : i32
          %dma_start3A_238 = arith.constant 0 : i32
          %dma_start3A_239 = tpu.memref_slice %arg8[%dma_start3A_230, %dma_start3A_237, %dma_start3A_238] : memref<3x40x256xf32, #tpu.memory_space<vmem>> -> memref<1x40x256xf32, #tpu.memory_space<vmem>>
          %dma_start3A_240 = tpu.memref_squeeze %dma_start3A_239 : memref<1x40x256xf32, #tpu.memory_space<vmem>> -> memref<40x256xf32, #tpu.memory_space<vmem>>
          %dma_start3A_241 = arith.constant 0 : i32
          %dma_start3A_242 = tpu.memref_slice %arg2[%add3A_218, %dma_start3A_241] : memref<160000x256xf32, #tpu.memory_space<hbm>> -> memref<40x256xf32, #tpu.memory_space<hbm>>
          tpu.enqueue_dma source(%dma_start3A_242 : memref<40x256xf32, #tpu.memory_space<hbm>>) target(%dma_start3A_240 : memref<40x256xf32, #tpu.memory_space<vmem>>) target_semaphore(%arg15 : memref<!tpu.dma_semaphore, #tpu.memory_space<semaphore_mem>>)
        } else {
        }
      } else {
      }
      %mul3A_149 = arith.constant 3 : i32
      %mul3A_150 = arith.muli %scan3A_125, %mul3A_149 : i32
      %add3A_151 = arith.constant 2 : i32
      %add3A_152 = arith.addi %mul3A_150, %add3A_151 : i32
      %mul3A_153 = arith.constant 40 : i32
      %mul3A_154 = arith.muli %add3A_152, %mul3A_153 : i32
      %add3A_155 = arith.addi %mul3A_2, %mul3A_154 : i32
      %lt3A_156 = arith.constant 125 : i32
      %lt3A_157 = arith.cmpi slt, %add3A_152, %lt3A_156 : i32
      %convert_element_type3A_158 = arith.extui %lt3A_157 : i1 to i32
      %cond3A_159 = arith.constant 0 : i32
      %cond3A_160 = arith.cmpi ne, %convert_element_type3A_158, %cond3A_159 : i32
      scf.if %cond3A_160 {
        %mul3A_161 = arith.constant 40 : i32
        %mul3A_162 = arith.muli %add3A_152, %mul3A_161 : i32
        %dma_wait3A_163 = arith.constant 2 : i32
        %dma_wait3A_164 = arith.constant 0 : i32
        %dma_wait3A_165 = arith.constant 0 : i32
        %dma_wait3A_166 = tpu.memref_slice %arg7[%dma_wait3A_163, %dma_wait3A_164, %dma_wait3A_165] : memref<3x40x128xi32, #tpu.memory_space<vmem>> -> memref<1x40x128xi32, #tpu.memory_space<vmem>>
        %dma_wait3A_167 = tpu.memref_squeeze %dma_wait3A_166 : memref<1x40x128xi32, #tpu.memory_space<vmem>> -> memref<40x128xi32, #tpu.memory_space<vmem>>
        %dma_wait3A_168 = tpu.memref_slice %arg6[%mul3A_162] : memref<5000xi32, #tpu.memory_space<vmem>> -> memref<40xi32, #tpu.memory_space<vmem>>
        %dma_wait3A_169 = arith.constant 0 : i32
        %dma_wait3A_170 = arith.constant 0 : i32
        %dma_wait3A_171 = tpu.memref_slice %arg10[%dma_wait3A_169, %dma_wait3A_170] : memref<1000x128xi32, #tpu.memory_space<vmem_shared>> -> memref<1000x128xi32, #tpu.memory_space<vmem_shared>>
        tpu.wait_indirect_dma semaphore(%arg13 : memref<!tpu.dma_semaphore, #tpu.memory_space<semaphore_mem>>) src(%dma_wait3A_171 : memref<1000x128xi32, #tpu.memory_space<vmem_shared>>) dst(%dma_wait3A_167 : memref<40x128xi32, #tpu.memory_space<vmem>>)
        %dma_wait3A_172 = arith.constant 2 : i32
        %dma_wait3A_173 = arith.constant 0 : i32
        %dma_wait3A_174 = arith.constant 0 : i32
        %dma_wait3A_175 = tpu.memref_slice %arg8[%dma_wait3A_172, %dma_wait3A_173, %dma_wait3A_174] : memref<3x40x256xf32, #tpu.memory_space<vmem>> -> memref<1x40x256xf32, #tpu.memory_space<vmem>>
        %dma_wait3A_176 = tpu.memref_squeeze %dma_wait3A_175 : memref<1x40x256xf32, #tpu.memory_space<vmem>> -> memref<40x256xf32, #tpu.memory_space<vmem>>
        %dma_wait3A_177 = arith.constant 0 : i32
        %dma_wait3A_178 = tpu.memref_slice %arg2[%add3A_155, %dma_wait3A_177] : memref<160000x256xf32, #tpu.memory_space<hbm>> -> memref<40x256xf32, #tpu.memory_space<hbm>>
        %dma_wait3A_179 = arith.constant 0 : i32
        %dma_wait3A_180 = arith.constant 0 : i32
        %dma_wait3A_181 = tpu.memref_slice %arg8[%dma_wait3A_172, %dma_wait3A_179, %dma_wait3A_180] : memref<3x40x256xf32, #tpu.memory_space<vmem>> -> memref<1x40x256xf32, #tpu.memory_space<vmem>>
        %dma_wait3A_182 = tpu.memref_squeeze %dma_wait3A_181 : memref<1x40x256xf32, #tpu.memory_space<vmem>> -> memref<40x256xf32, #tpu.memory_space<vmem>>
        %dma_wait3A_183 = arith.constant 0 : i32
        %dma_wait3A_184 = tpu.memref_slice %arg2[%add3A_155, %dma_wait3A_183] : memref<160000x256xf32, #tpu.memory_space<hbm>> -> memref<40x256xf32, #tpu.memory_space<hbm>>
        tpu.wait_dma2 semaphore(%arg16 : memref<!tpu.dma_semaphore, #tpu.memory_space<semaphore_mem>>) src(%dma_wait3A_184 : memref<40x256xf32, #tpu.memory_space<hbm>>) dst(%dma_wait3A_182 : memref<40x256xf32, #tpu.memory_space<vmem>>)
        %ge3A = arith.constant 3 : i32
        %ge3A_185 = arith.cmpi sge, %add3A_152, %ge3A : i32
        %convert_element_type3A_186 = arith.extui %ge3A_185 : i1 to i32
        %cond3A_187 = arith.constant 0 : i32
        %cond3A_188 = arith.cmpi ne, %convert_element_type3A_186, %cond3A_187 : i32
        scf.if %cond3A_188 {
          %dma_wait3A_214 = arith.constant 2 : i32
          %dma_wait3A_215 = arith.constant 0 : i32
          %dma_wait3A_216 = arith.constant 0 : i32
          %dma_wait3A_217 = tpu.memref_slice %arg9[%dma_wait3A_214, %dma_wait3A_215, %dma_wait3A_216] : memref<3x40x256xf32, #tpu.memory_space<vmem>> -> memref<1x40x256xf32, #tpu.memory_space<vmem>>
          %dma_wait3A_218 = tpu.memref_squeeze %dma_wait3A_217 : memref<1x40x256xf32, #tpu.memory_space<vmem>> -> memref<40x256xf32, #tpu.memory_space<vmem>>
          %dma_wait3A_219 = arith.constant 0 : i32
          %dma_wait3A_220 = tpu.memref_slice %arg5[%add3A_155, %dma_wait3A_219] : memref<160000x256xf32, #tpu.memory_space<hbm>> -> memref<40x256xf32, #tpu.memory_space<hbm>>
          %dma_wait3A_221 = arith.constant 0 : i32
          %dma_wait3A_222 = tpu.memref_slice %arg5[%add3A_155, %dma_wait3A_221] : memref<160000x256xf32, #tpu.memory_space<hbm>> -> memref<40x256xf32, #tpu.memory_space<hbm>>
          %dma_wait3A_223 = arith.constant 0 : i32
          %dma_wait3A_224 = arith.constant 0 : i32
          %dma_wait3A_225 = tpu.memref_slice %arg9[%dma_wait3A_214, %dma_wait3A_223, %dma_wait3A_224] : memref<3x40x256xf32, #tpu.memory_space<vmem>> -> memref<1x40x256xf32, #tpu.memory_space<vmem>>
          %dma_wait3A_226 = tpu.memref_squeeze %dma_wait3A_225 : memref<1x40x256xf32, #tpu.memory_space<vmem>> -> memref<40x256xf32, #tpu.memory_space<vmem>>
          tpu.wait_dma2 semaphore(%arg19 : memref<!tpu.dma_semaphore, #tpu.memory_space<semaphore_mem>>) src(%dma_wait3A_226 : memref<40x256xf32, #tpu.memory_space<vmem>>) dst(%dma_wait3A_222 : memref<40x256xf32, #tpu.memory_space<hbm>>)
        } else {
        }
        %parallel_loop3A = arith.constant 0 : i32
        %parallel_loop3A_189 = arith.constant 40 : i32
        %parallel_loop3A_190 = arith.constant 1 : i32
        %parallel_loop3A_191 = arith.constant 2 : i32
        %parallel_loop3A_192 = arith.constant 2 : i32
        %parallel_loop3A_193 = arith.constant 2 : i32
        scf.for %parallel_loop3A_214 = %parallel_loop3A to %parallel_loop3A_189 step %parallel_loop3A_190  : i32 {
          %parallel_loop3A_215 = arith.constant 0 : i32
          %parallel_loop3A_216 = arith.constant 0 : i32
          %parallel_loop3A_217 = tpu.memref_slice %arg7[%parallel_loop3A_191, %parallel_loop3A_215, %parallel_loop3A_216] : memref<3x40x128xi32, #tpu.memory_space<vmem>> -> memref<1x40x128xi32, #tpu.memory_space<vmem>>
          %parallel_loop3A_218 = tpu.memref_squeeze %parallel_loop3A_217 : memref<1x40x128xi32, #tpu.memory_space<vmem>> -> memref<40x128xi32, #tpu.memory_space<vmem>>
          %parallel_loop3A_219 = arith.index_cast %parallel_loop3A_214 : i32 to index
          %parallel_loop3A_220 = arith.constant 0 : index
          %parallel_loop3A_221 = tpu.vector_load %parallel_loop3A_218[%parallel_loop3A_219, %parallel_loop3A_220] {strides = array<i32>} : memref<40x128xi32, #tpu.memory_space<vmem>>, vector<1x16xi32>,
          %parallel_loop3A_222 = vector.shape_cast %parallel_loop3A_221 : vector<1x16xi32> to vector<16xi32>
          %parallel_loop3A_223 = arith.shli %parallel_loop3A_222, %broadcast_in_dim3A_81 : vector<16xi32>
          %parallel_loop3A_224 = tpu.bitcast %parallel_loop3A_223 : vector<16xi32> -> vector<16xf32>
          %parallel_loop3A_225 = arith.andi %parallel_loop3A_222, %broadcast_in_dim3A_79 : vector<16xi32>
          %parallel_loop3A_226 = tpu.bitcast %parallel_loop3A_225 : vector<16xi32> -> vector<16xf32>
          %parallel_loop3A_227 = arith.constant 0 : i32
          %parallel_loop3A_228 = arith.constant 0 : i32
          %parallel_loop3A_229 = tpu.memref_slice %arg8[%parallel_loop3A_192, %parallel_loop3A_227, %parallel_loop3A_228] : memref<3x40x256xf32, #tpu.memory_space<vmem>> -> memref<1x40x256xf32, #tpu.memory_space<vmem>>
          %parallel_loop3A_230 = tpu.memref_squeeze %parallel_loop3A_229 : memref<1x40x256xf32, #tpu.memory_space<vmem>> -> memref<40x256xf32, #tpu.memory_space<vmem>>
          %parallel_loop3A_231 = arith.index_cast %parallel_loop3A_214 : i32 to index
          %parallel_loop3A_232 = arith.constant 0 : index
          %parallel_loop3A_233 = tpu.vector_load %parallel_loop3A_230[%parallel_loop3A_231, %parallel_loop3A_232] {strides = array<i32>} : memref<40x256xf32, #tpu.memory_space<vmem>>, vector<1x16xf32>,
          %parallel_loop3A_234 = vector.shape_cast %parallel_loop3A_233 : vector<1x16xf32> to vector<16xf32>
          %parallel_loop3A_235 = arith.addf %parallel_loop3A_234, %parallel_loop3A_224 : vector<16xf32>
          %parallel_loop3A_236 = arith.constant 0 : i32
          %parallel_loop3A_237 = arith.constant 0 : i32
          %parallel_loop3A_238 = tpu.memref_slice %arg9[%parallel_loop3A_193, %parallel_loop3A_236, %parallel_loop3A_237] : memref<3x40x256xf32, #tpu.memory_space<vmem>> -> memref<1x40x256xf32, #tpu.memory_space<vmem>>
          %parallel_loop3A_239 = tpu.memref_squeeze %parallel_loop3A_238 : memref<1x40x256xf32, #tpu.memory_space<vmem>> -> memref<40x256xf32, #tpu.memory_space<vmem>>
          %parallel_loop3A_240 = arith.index_cast %parallel_loop3A_214 : i32 to index
          %parallel_loop3A_241 = arith.constant 0 : index
          %parallel_loop3A_242 = tpu.vector_load %parallel_loop3A_239[%parallel_loop3A_240, %parallel_loop3A_241] {strides = array<i32>} : memref<40x256xf32, #tpu.memory_space<vmem>>, vector<1x16xf32>,
          %parallel_loop3A_243 = vector.shape_cast %parallel_loop3A_242 : vector<1x16xf32> to vector<16xf32>
          %parallel_loop3A_244 = vector.shape_cast %parallel_loop3A_235 : vector<16xf32> to vector<1x16xf32>
          tpu.vector_store %parallel_loop3A_239[%parallel_loop3A_240, %parallel_loop3A_241], %parallel_loop3A_244 {strides = array<i32>} : memref<40x256xf32, #tpu.memory_space<vmem>>, vector<1x16xf32>,
          %parallel_loop3A_245 = arith.constant 0 : i32
          %parallel_loop3A_246 = arith.constant 0 : i32
          %parallel_loop3A_247 = tpu.memref_slice %arg8[%parallel_loop3A_192, %parallel_loop3A_245, %parallel_loop3A_246] : memref<3x40x256xf32, #tpu.memory_space<vmem>> -> memref<1x40x256xf32, #tpu.memory_space<vmem>>
          %parallel_loop3A_248 = tpu.memref_squeeze %parallel_loop3A_247 : memref<1x40x256xf32, #tpu.memory_space<vmem>> -> memref<40x256xf32, #tpu.memory_space<vmem>>
          %parallel_loop3A_249 = arith.index_cast %parallel_loop3A_214 : i32 to index
          %parallel_loop3A_250 = arith.constant 16 : index
          %parallel_loop3A_251 = tpu.vector_load %parallel_loop3A_248[%parallel_loop3A_249, %parallel_loop3A_250] {strides = array<i32>} : memref<40x256xf32, #tpu.memory_space<vmem>>, vector<1x16xf32>,
          %parallel_loop3A_252 = vector.shape_cast %parallel_loop3A_251 : vector<1x16xf32> to vector<16xf32>
          %parallel_loop3A_253 = arith.addf %parallel_loop3A_252, %parallel_loop3A_226 : vector<16xf32>
          %parallel_loop3A_254 = arith.constant 0 : i32
          %parallel_loop3A_255 = arith.constant 0 : i32
          %parallel_loop3A_256 = tpu.memref_slice %arg9[%parallel_loop3A_193, %parallel_loop3A_254, %parallel_loop3A_255] : memref<3x40x256xf32, #tpu.memory_space<vmem>> -> memref<1x40x256xf32, #tpu.memory_space<vmem>>
          %parallel_loop3A_257 = tpu.memref_squeeze %parallel_loop3A_256 : memref<1x40x256xf32, #tpu.memory_space<vmem>> -> memref<40x256xf32, #tpu.memory_space<vmem>>
          %parallel_loop3A_258 = arith.index_cast %parallel_loop3A_214 : i32 to index
          %parallel_loop3A_259 = arith.constant 16 : index
          %parallel_loop3A_260 = tpu.vector_load %parallel_loop3A_257[%parallel_loop3A_258, %parallel_loop3A_259] {strides = array<i32>} : memref<40x256xf32, #tpu.memory_space<vmem>>, vector<1x16xf32>,
          %parallel_loop3A_261 = vector.shape_cast %parallel_loop3A_260 : vector<1x16xf32> to vector<16xf32>
          %parallel_loop3A_262 = vector.shape_cast %parallel_loop3A_253 : vector<16xf32> to vector<1x16xf32>
          tpu.vector_store %parallel_loop3A_257[%parallel_loop3A_258, %parallel_loop3A_259], %parallel_loop3A_262 {strides = array<i32>} : memref<40x256xf32, #tpu.memory_space<vmem>>, vector<1x16xf32>,
          %parallel_loop3A_263 = arith.constant 0 : i32
          %parallel_loop3A_264 = arith.constant 0 : i32
          %parallel_loop3A_265 = tpu.memref_slice %arg7[%parallel_loop3A_191, %parallel_loop3A_263, %parallel_loop3A_264] : memref<3x40x128xi32, #tpu.memory_space<vmem>> -> memref<1x40x128xi32, #tpu.memory_space<vmem>>
          %parallel_loop3A_266 = tpu.memref_squeeze %parallel_loop3A_265 : memref<1x40x128xi32, #tpu.memory_space<vmem>> -> memref<40x128xi32, #tpu.memory_space<vmem>>
          %parallel_loop3A_267 = arith.index_cast %parallel_loop3A_214 : i32 to index
          %parallel_loop3A_268 = arith.constant 16 : index
          %parallel_loop3A_269 = tpu.vector_load %parallel_loop3A_266[%parallel_loop3A_267, %parallel_loop3A_268] {strides = array<i32>} : memref<40x128xi32, #tpu.memory_space<vmem>>, vector<1x16xi32>,
          %parallel_loop3A_270 = vector.shape_cast %parallel_loop3A_269 : vector<1x16xi32> to vector<16xi32>
          %parallel_loop3A_271 = arith.shli %parallel_loop3A_270, %broadcast_in_dim3A_81 : vector<16xi32>
          %parallel_loop3A_272 = tpu.bitcast %parallel_loop3A_271 : vector<16xi32> -> vector<16xf32>
          %parallel_loop3A_273 = arith.andi %parallel_loop3A_270, %broadcast_in_dim3A_79 : vector<16xi32>
          %parallel_loop3A_274 = tpu.bitcast %parallel_loop3A_273 : vector<16xi32> -> vector<16xf32>
          %parallel_loop3A_275 = arith.constant 0 : i32
          %parallel_loop3A_276 = arith.constant 0 : i32
          %parallel_loop3A_277 = tpu.memref_slice %arg8[%parallel_loop3A_192, %parallel_loop3A_275, %parallel_loop3A_276] : memref<3x40x256xf32, #tpu.memory_space<vmem>> -> memref<1x40x256xf32, #tpu.memory_space<vmem>>
          %parallel_loop3A_278 = tpu.memref_squeeze %parallel_loop3A_277 : memref<1x40x256xf32, #tpu.memory_space<vmem>> -> memref<40x256xf32, #tpu.memory_space<vmem>>
          %parallel_loop3A_279 = arith.index_cast %parallel_loop3A_214 : i32 to index
          %parallel_loop3A_280 = arith.constant 32 : index
          %parallel_loop3A_281 = tpu.vector_load %parallel_loop3A_278[%parallel_loop3A_279, %parallel_loop3A_280] {strides = array<i32>} : memref<40x256xf32, #tpu.memory_space<vmem>>, vector<1x16xf32>,
          %parallel_loop3A_282 = vector.shape_cast %parallel_loop3A_281 : vector<1x16xf32> to vector<16xf32>
          %parallel_loop3A_283 = arith.addf %parallel_loop3A_282, %parallel_loop3A_272 : vector<16xf32>
          %parallel_loop3A_284 = arith.constant 0 : i32
          %parallel_loop3A_285 = arith.constant 0 : i32
          %parallel_loop3A_286 = tpu.memref_slice %arg9[%parallel_loop3A_193, %parallel_loop3A_284, %parallel_loop3A_285] : memref<3x40x256xf32, #tpu.memory_space<vmem>> -> memref<1x40x256xf32, #tpu.memory_space<vmem>>
          %parallel_loop3A_287 = tpu.memref_squeeze %parallel_loop3A_286 : memref<1x40x256xf32, #tpu.memory_space<vmem>> -> memref<40x256xf32, #tpu.memory_space<vmem>>
          %parallel_loop3A_288 = arith.index_cast %parallel_loop3A_214 : i32 to index
          %parallel_loop3A_289 = arith.constant 32 : index
          %parallel_loop3A_290 = tpu.vector_load %parallel_loop3A_287[%parallel_loop3A_288, %parallel_loop3A_289] {strides = array<i32>} : memref<40x256xf32, #tpu.memory_space<vmem>>, vector<1x16xf32>,
          %parallel_loop3A_291 = vector.shape_cast %parallel_loop3A_290 : vector<1x16xf32> to vector<16xf32>
          %parallel_loop3A_292 = vector.shape_cast %parallel_loop3A_283 : vector<16xf32> to vector<1x16xf32>
          tpu.vector_store %parallel_loop3A_287[%parallel_loop3A_288, %parallel_loop3A_289], %parallel_loop3A_292 {strides = array<i32>} : memref<40x256xf32, #tpu.memory_space<vmem>>, vector<1x16xf32>,
          %parallel_loop3A_293 = arith.constant 0 : i32
          %parallel_loop3A_294 = arith.constant 0 : i32
          %parallel_loop3A_295 = tpu.memref_slice %arg8[%parallel_loop3A_192, %parallel_loop3A_293, %parallel_loop3A_294] : memref<3x40x256xf32, #tpu.memory_space<vmem>> -> memref<1x40x256xf32, #tpu.memory_space<vmem>>
          %parallel_loop3A_296 = tpu.memref_squeeze %parallel_loop3A_295 : memref<1x40x256xf32, #tpu.memory_space<vmem>> -> memref<40x256xf32, #tpu.memory_space<vmem>>
          %parallel_loop3A_297 = arith.index_cast %parallel_loop3A_214 : i32 to index
          %parallel_loop3A_298 = arith.constant 48 : index
          %parallel_loop3A_299 = tpu.vector_load %parallel_loop3A_296[%parallel_loop3A_297, %parallel_loop3A_298] {strides = array<i32>} : memref<40x256xf32, #tpu.memory_space<vmem>>, vector<1x16xf32>,
          %parallel_loop3A_300 = vector.shape_cast %parallel_loop3A_299 : vector<1x16xf32> to vector<16xf32>
          %parallel_loop3A_301 = arith.addf %parallel_loop3A_300, %parallel_loop3A_274 : vector<16xf32>
          %parallel_loop3A_302 = arith.constant 0 : i32
          %parallel_loop3A_303 = arith.constant 0 : i32
          %parallel_loop3A_304 = tpu.memref_slice %arg9[%parallel_loop3A_193, %parallel_loop3A_302, %parallel_loop3A_303] : memref<3x40x256xf32, #tpu.memory_space<vmem>> -> memref<1x40x256xf32, #tpu.memory_space<vmem>>
          %parallel_loop3A_305 = tpu.memref_squeeze %parallel_loop3A_304 : memref<1x40x256xf32, #tpu.memory_space<vmem>> -> memref<40x256xf32, #tpu.memory_space<vmem>>
          %parallel_loop3A_306 = arith.index_cast %parallel_loop3A_214 : i32 to index
          %parallel_loop3A_307 = arith.constant 48 : index
          %parallel_loop3A_308 = tpu.vector_load %parallel_loop3A_305[%parallel_loop3A_306, %parallel_loop3A_307] {strides = array<i32>} : memref<40x256xf32, #tpu.memory_space<vmem>>, vector<1x16xf32>,
          %parallel_loop3A_309 = vector.shape_cast %parallel_loop3A_308 : vector<1x16xf32> to vector<16xf32>
          %parallel_loop3A_310 = vector.shape_cast %parallel_loop3A_301 : vector<16xf32> to vector<1x16xf32>
          tpu.vector_store %parallel_loop3A_305[%parallel_loop3A_306, %parallel_loop3A_307], %parallel_loop3A_310 {strides = array<i32>} : memref<40x256xf32, #tpu.memory_space<vmem>>, vector<1x16xf32>,
          %parallel_loop3A_311 = arith.constant 0 : i32
          %parallel_loop3A_312 = arith.constant 0 : i32
          %parallel_loop3A_313 = tpu.memref_slice %arg7[%parallel_loop3A_191, %parallel_loop3A_311, %parallel_loop3A_312] : memref<3x40x128xi32, #tpu.memory_space<vmem>> -> memref<1x40x128xi32, #tpu.memory_space<vmem>>
          %parallel_loop3A_314 = tpu.memref_squeeze %parallel_loop3A_313 : memref<1x40x128xi32, #tpu.memory_space<vmem>> -> memref<40x128xi32, #tpu.memory_space<vmem>>
          %parallel_loop3A_315 = arith.index_cast %parallel_loop3A_214 : i32 to index
          %parallel_loop3A_316 = arith.constant 32 : index
          %parallel_loop3A_317 = tpu.vector_load %parallel_loop3A_314[%parallel_loop3A_315, %parallel_loop3A_316] {strides = array<i32>} : memref<40x128xi32, #tpu.memory_space<vmem>>, vector<1x16xi32>,
          %parallel_loop3A_318 = vector.shape_cast %parallel_loop3A_317 : vector<1x16xi32> to vector<16xi32>
          %parallel_loop3A_319 = arith.shli %parallel_loop3A_318, %broadcast_in_dim3A_81 : vector<16xi32>
          %parallel_loop3A_320 = tpu.bitcast %parallel_loop3A_319 : vector<16xi32> -> vector<16xf32>
          %parallel_loop3A_321 = arith.andi %parallel_loop3A_318, %broadcast_in_dim3A_79 : vector<16xi32>
          %parallel_loop3A_322 = tpu.bitcast %parallel_loop3A_321 : vector<16xi32> -> vector<16xf32>
          %parallel_loop3A_323 = arith.constant 0 : i32
          %parallel_loop3A_324 = arith.constant 0 : i32
          %parallel_loop3A_325 = tpu.memref_slice %arg8[%parallel_loop3A_192, %parallel_loop3A_323, %parallel_loop3A_324] : memref<3x40x256xf32, #tpu.memory_space<vmem>> -> memref<1x40x256xf32, #tpu.memory_space<vmem>>
          %parallel_loop3A_326 = tpu.memref_squeeze %parallel_loop3A_325 : memref<1x40x256xf32, #tpu.memory_space<vmem>> -> memref<40x256xf32, #tpu.memory_space<vmem>>
          %parallel_loop3A_327 = arith.index_cast %parallel_loop3A_214 : i32 to index
          %parallel_loop3A_328 = arith.constant 64 : index
          %parallel_loop3A_329 = tpu.vector_load %parallel_loop3A_326[%parallel_loop3A_327, %parallel_loop3A_328] {strides = array<i32>} : memref<40x256xf32, #tpu.memory_space<vmem>>, vector<1x16xf32>,
          %parallel_loop3A_330 = vector.shape_cast %parallel_loop3A_329 : vector<1x16xf32> to vector<16xf32>
          %parallel_loop3A_331 = arith.addf %parallel_loop3A_330, %parallel_loop3A_320 : vector<16xf32>
          %parallel_loop3A_332 = arith.constant 0 : i32
          %parallel_loop3A_333 = arith.constant 0 : i32
          %parallel_loop3A_334 = tpu.memref_slice %arg9[%parallel_loop3A_193, %parallel_loop3A_332, %parallel_loop3A_333] : memref<3x40x256xf32, #tpu.memory_space<vmem>> -> memref<1x40x256xf32, #tpu.memory_space<vmem>>
          %parallel_loop3A_335 = tpu.memref_squeeze %parallel_loop3A_334 : memref<1x40x256xf32, #tpu.memory_space<vmem>> -> memref<40x256xf32, #tpu.memory_space<vmem>>
          %parallel_loop3A_336 = arith.index_cast %parallel_loop3A_214 : i32 to index
          %parallel_loop3A_337 = arith.constant 64 : index
          %parallel_loop3A_338 = tpu.vector_load %parallel_loop3A_335[%parallel_loop3A_336, %parallel_loop3A_337] {strides = array<i32>} : memref<40x256xf32, #tpu.memory_space<vmem>>, vector<1x16xf32>,
          %parallel_loop3A_339 = vector.shape_cast %parallel_loop3A_338 : vector<1x16xf32> to vector<16xf32>
          %parallel_loop3A_340 = vector.shape_cast %parallel_loop3A_331 : vector<16xf32> to vector<1x16xf32>
          tpu.vector_store %parallel_loop3A_335[%parallel_loop3A_336, %parallel_loop3A_337], %parallel_loop3A_340 {strides = array<i32>} : memref<40x256xf32, #tpu.memory_space<vmem>>, vector<1x16xf32>,
          %parallel_loop3A_341 = arith.constant 0 : i32
          %parallel_loop3A_342 = arith.constant 0 : i32
          %parallel_loop3A_343 = tpu.memref_slice %arg8[%parallel_loop3A_192, %parallel_loop3A_341, %parallel_loop3A_342] : memref<3x40x256xf32, #tpu.memory_space<vmem>> -> memref<1x40x256xf32, #tpu.memory_space<vmem>>
          %parallel_loop3A_344 = tpu.memref_squeeze %parallel_loop3A_343 : memref<1x40x256xf32, #tpu.memory_space<vmem>> -> memref<40x256xf32, #tpu.memory_space<vmem>>
          %parallel_loop3A_345 = arith.index_cast %parallel_loop3A_214 : i32 to index
          %parallel_loop3A_346 = arith.constant 80 : index
          %parallel_loop3A_347 = tpu.vector_load %parallel_loop3A_344[%parallel_loop3A_345, %parallel_loop3A_346] {strides = array<i32>} : memref<40x256xf32, #tpu.memory_space<vmem>>, vector<1x16xf32>,
          %parallel_loop3A_348 = vector.shape_cast %parallel_loop3A_347 : vector<1x16xf32> to vector<16xf32>
          %parallel_loop3A_349 = arith.addf %parallel_loop3A_348, %parallel_loop3A_322 : vector<16xf32>
          %parallel_loop3A_350 = arith.constant 0 : i32
          %parallel_loop3A_351 = arith.constant 0 : i32
          %parallel_loop3A_352 = tpu.memref_slice %arg9[%parallel_loop3A_193, %parallel_loop3A_350, %parallel_loop3A_351] : memref<3x40x256xf32, #tpu.memory_space<vmem>> -> memref<1x40x256xf32, #tpu.memory_space<vmem>>
          %parallel_loop3A_353 = tpu.memref_squeeze %parallel_loop3A_352 : memref<1x40x256xf32, #tpu.memory_space<vmem>> -> memref<40x256xf32, #tpu.memory_space<vmem>>
          %parallel_loop3A_354 = arith.index_cast %parallel_loop3A_214 : i32 to index
          %parallel_loop3A_355 = arith.constant 80 : index
          %parallel_loop3A_356 = tpu.vector_load %parallel_loop3A_353[%parallel_loop3A_354, %parallel_loop3A_355] {strides = array<i32>} : memref<40x256xf32, #tpu.memory_space<vmem>>, vector<1x16xf32>,
          %parallel_loop3A_357 = vector.shape_cast %parallel_loop3A_356 : vector<1x16xf32> to vector<16xf32>
          %parallel_loop3A_358 = vector.shape_cast %parallel_loop3A_349 : vector<16xf32> to vector<1x16xf32>
          tpu.vector_store %parallel_loop3A_353[%parallel_loop3A_354, %parallel_loop3A_355], %parallel_loop3A_358 {strides = array<i32>} : memref<40x256xf32, #tpu.memory_space<vmem>>, vector<1x16xf32>,
          %parallel_loop3A_359 = arith.constant 0 : i32
          %parallel_loop3A_360 = arith.constant 0 : i32
          %parallel_loop3A_361 = tpu.memref_slice %arg7[%parallel_loop3A_191, %parallel_loop3A_359, %parallel_loop3A_360] : memref<3x40x128xi32, #tpu.memory_space<vmem>> -> memref<1x40x128xi32, #tpu.memory_space<vmem>>
          %parallel_loop3A_362 = tpu.memref_squeeze %parallel_loop3A_361 : memref<1x40x128xi32, #tpu.memory_space<vmem>> -> memref<40x128xi32, #tpu.memory_space<vmem>>
          %parallel_loop3A_363 = arith.index_cast %parallel_loop3A_214 : i32 to index
          %parallel_loop3A_364 = arith.constant 48 : index
          %parallel_loop3A_365 = tpu.vector_load %parallel_loop3A_362[%parallel_loop3A_363, %parallel_loop3A_364] {strides = array<i32>} : memref<40x128xi32, #tpu.memory_space<vmem>>, vector<1x16xi32>,
          %parallel_loop3A_366 = vector.shape_cast %parallel_loop3A_365 : vector<1x16xi32> to vector<16xi32>
          %parallel_loop3A_367 = arith.shli %parallel_loop3A_366, %broadcast_in_dim3A_81 : vector<16xi32>
          %parallel_loop3A_368 = tpu.bitcast %parallel_loop3A_367 : vector<16xi32> -> vector<16xf32>
          %parallel_loop3A_369 = arith.andi %parallel_loop3A_366, %broadcast_in_dim3A_79 : vector<16xi32>
          %parallel_loop3A_370 = tpu.bitcast %parallel_loop3A_369 : vector<16xi32> -> vector<16xf32>
          %parallel_loop3A_371 = arith.constant 0 : i32
          %parallel_loop3A_372 = arith.constant 0 : i32
          %parallel_loop3A_373 = tpu.memref_slice %arg8[%parallel_loop3A_192, %parallel_loop3A_371, %parallel_loop3A_372] : memref<3x40x256xf32, #tpu.memory_space<vmem>> -> memref<1x40x256xf32, #tpu.memory_space<vmem>>
          %parallel_loop3A_374 = tpu.memref_squeeze %parallel_loop3A_373 : memref<1x40x256xf32, #tpu.memory_space<vmem>> -> memref<40x256xf32, #tpu.memory_space<vmem>>
          %parallel_loop3A_375 = arith.index_cast %parallel_loop3A_214 : i32 to index
          %parallel_loop3A_376 = arith.constant 96 : index
          %parallel_loop3A_377 = tpu.vector_load %parallel_loop3A_374[%parallel_loop3A_375, %parallel_loop3A_376] {strides = array<i32>} : memref<40x256xf32, #tpu.memory_space<vmem>>, vector<1x16xf32>,
          %parallel_loop3A_378 = vector.shape_cast %parallel_loop3A_377 : vector<1x16xf32> to vector<16xf32>
          %parallel_loop3A_379 = arith.addf %parallel_loop3A_378, %parallel_loop3A_368 : vector<16xf32>
          %parallel_loop3A_380 = arith.constant 0 : i32
          %parallel_loop3A_381 = arith.constant 0 : i32
          %parallel_loop3A_382 = tpu.memref_slice %arg9[%parallel_loop3A_193, %parallel_loop3A_380, %parallel_loop3A_381] : memref<3x40x256xf32, #tpu.memory_space<vmem>> -> memref<1x40x256xf32, #tpu.memory_space<vmem>>
          %parallel_loop3A_383 = tpu.memref_squeeze %parallel_loop3A_382 : memref<1x40x256xf32, #tpu.memory_space<vmem>> -> memref<40x256xf32, #tpu.memory_space<vmem>>
          %parallel_loop3A_384 = arith.index_cast %parallel_loop3A_214 : i32 to index
          %parallel_loop3A_385 = arith.constant 96 : index
          %parallel_loop3A_386 = tpu.vector_load %parallel_loop3A_383[%parallel_loop3A_384, %parallel_loop3A_385] {strides = array<i32>} : memref<40x256xf32, #tpu.memory_space<vmem>>, vector<1x16xf32>,
          %parallel_loop3A_387 = vector.shape_cast %parallel_loop3A_386 : vector<1x16xf32> to vector<16xf32>
          %parallel_loop3A_388 = vector.shape_cast %parallel_loop3A_379 : vector<16xf32> to vector<1x16xf32>
          tpu.vector_store %parallel_loop3A_383[%parallel_loop3A_384, %parallel_loop3A_385], %parallel_loop3A_388 {strides = array<i32>} : memref<40x256xf32, #tpu.memory_space<vmem>>, vector<1x16xf32>,
          %parallel_loop3A_389 = arith.constant 0 : i32
          %parallel_loop3A_390 = arith.constant 0 : i32
          %parallel_loop3A_391 = tpu.memref_slice %arg8[%parallel_loop3A_192, %parallel_loop3A_389, %parallel_loop3A_390] : memref<3x40x256xf32, #tpu.memory_space<vmem>> -> memref<1x40x256xf32, #tpu.memory_space<vmem>>
          %parallel_loop3A_392 = tpu.memref_squeeze %parallel_loop3A_391 : memref<1x40x256xf32, #tpu.memory_space<vmem>> -> memref<40x256xf32, #tpu.memory_space<vmem>>
          %parallel_loop3A_393 = arith.index_cast %parallel_loop3A_214 : i32 to index
          %parallel_loop3A_394 = arith.constant 112 : index
          %parallel_loop3A_395 = tpu.vector_load %parallel_loop3A_392[%parallel_loop3A_393, %parallel_loop3A_394] {strides = array<i32>} : memref<40x256xf32, #tpu.memory_space<vmem>>, vector<1x16xf32>,
          %parallel_loop3A_396 = vector.shape_cast %parallel_loop3A_395 : vector<1x16xf32> to vector<16xf32>
          %parallel_loop3A_397 = arith.addf %parallel_loop3A_396, %parallel_loop3A_370 : vector<16xf32>
          %parallel_loop3A_398 = arith.constant 0 : i32
          %parallel_loop3A_399 = arith.constant 0 : i32
          %parallel_loop3A_400 = tpu.memref_slice %arg9[%parallel_loop3A_193, %parallel_loop3A_398, %parallel_loop3A_399] : memref<3x40x256xf32, #tpu.memory_space<vmem>> -> memref<1x40x256xf32, #tpu.memory_space<vmem>>
          %parallel_loop3A_401 = tpu.memref_squeeze %parallel_loop3A_400 : memref<1x40x256xf32, #tpu.memory_space<vmem>> -> memref<40x256xf32, #tpu.memory_space<vmem>>
          %parallel_loop3A_402 = arith.index_cast %parallel_loop3A_214 : i32 to index
          %parallel_loop3A_403 = arith.constant 112 : index
          %parallel_loop3A_404 = tpu.vector_load %parallel_loop3A_401[%parallel_loop3A_402, %parallel_loop3A_403] {strides = array<i32>} : memref<40x256xf32, #tpu.memory_space<vmem>>, vector<1x16xf32>,
          %parallel_loop3A_405 = vector.shape_cast %parallel_loop3A_404 : vector<1x16xf32> to vector<16xf32>
          %parallel_loop3A_406 = vector.shape_cast %parallel_loop3A_397 : vector<16xf32> to vector<1x16xf32>
          tpu.vector_store %parallel_loop3A_401[%parallel_loop3A_402, %parallel_loop3A_403], %parallel_loop3A_406 {strides = array<i32>} : memref<40x256xf32, #tpu.memory_space<vmem>>, vector<1x16xf32>,
          %parallel_loop3A_407 = arith.constant 0 : i32
          %parallel_loop3A_408 = arith.constant 0 : i32
          %parallel_loop3A_409 = tpu.memref_slice %arg7[%parallel_loop3A_191, %parallel_loop3A_407, %parallel_loop3A_408] : memref<3x40x128xi32, #tpu.memory_space<vmem>> -> memref<1x40x128xi32, #tpu.memory_space<vmem>>
          %parallel_loop3A_410 = tpu.memref_squeeze %parallel_loop3A_409 : memref<1x40x128xi32, #tpu.memory_space<vmem>> -> memref<40x128xi32, #tpu.memory_space<vmem>>
          %parallel_loop3A_411 = arith.index_cast %parallel_loop3A_214 : i32 to index
          %parallel_loop3A_412 = arith.constant 64 : index
          %parallel_loop3A_413 = tpu.vector_load %parallel_loop3A_410[%parallel_loop3A_411, %parallel_loop3A_412] {strides = array<i32>} : memref<40x128xi32, #tpu.memory_space<vmem>>, vector<1x16xi32>,
          %parallel_loop3A_414 = vector.shape_cast %parallel_loop3A_413 : vector<1x16xi32> to vector<16xi32>
          %parallel_loop3A_415 = arith.shli %parallel_loop3A_414, %broadcast_in_dim3A_81 : vector<16xi32>
          %parallel_loop3A_416 = tpu.bitcast %parallel_loop3A_415 : vector<16xi32> -> vector<16xf32>
          %parallel_loop3A_417 = arith.andi %parallel_loop3A_414, %broadcast_in_dim3A_79 : vector<16xi32>
          %parallel_loop3A_418 = tpu.bitcast %parallel_loop3A_417 : vector<16xi32> -> vector<16xf32>
          %parallel_loop3A_419 = arith.constant 0 : i32
          %parallel_loop3A_420 = arith.constant 0 : i32
          %parallel_loop3A_421 = tpu.memref_slice %arg8[%parallel_loop3A_192, %parallel_loop3A_419, %parallel_loop3A_420] : memref<3x40x256xf32, #tpu.memory_space<vmem>> -> memref<1x40x256xf32, #tpu.memory_space<vmem>>
          %parallel_loop3A_422 = tpu.memref_squeeze %parallel_loop3A_421 : memref<1x40x256xf32, #tpu.memory_space<vmem>> -> memref<40x256xf32, #tpu.memory_space<vmem>>
          %parallel_loop3A_423 = arith.index_cast %parallel_loop3A_214 : i32 to index
          %parallel_loop3A_424 = arith.constant 128 : index
          %parallel_loop3A_425 = tpu.vector_load %parallel_loop3A_422[%parallel_loop3A_423, %parallel_loop3A_424] {strides = array<i32>} : memref<40x256xf32, #tpu.memory_space<vmem>>, vector<1x16xf32>,
          %parallel_loop3A_426 = vector.shape_cast %parallel_loop3A_425 : vector<1x16xf32> to vector<16xf32>
          %parallel_loop3A_427 = arith.addf %parallel_loop3A_426, %parallel_loop3A_416 : vector<16xf32>
          %parallel_loop3A_428 = arith.constant 0 : i32
          %parallel_loop3A_429 = arith.constant 0 : i32
          %parallel_loop3A_430 = tpu.memref_slice %arg9[%parallel_loop3A_193, %parallel_loop3A_428, %parallel_loop3A_429] : memref<3x40x256xf32, #tpu.memory_space<vmem>> -> memref<1x40x256xf32, #tpu.memory_space<vmem>>
          %parallel_loop3A_431 = tpu.memref_squeeze %parallel_loop3A_430 : memref<1x40x256xf32, #tpu.memory_space<vmem>> -> memref<40x256xf32, #tpu.memory_space<vmem>>
          %parallel_loop3A_432 = arith.index_cast %parallel_loop3A_214 : i32 to index
          %parallel_loop3A_433 = arith.constant 128 : index
          %parallel_loop3A_434 = tpu.vector_load %parallel_loop3A_431[%parallel_loop3A_432, %parallel_loop3A_433] {strides = array<i32>} : memref<40x256xf32, #tpu.memory_space<vmem>>, vector<1x16xf32>,
          %parallel_loop3A_435 = vector.shape_cast %parallel_loop3A_434 : vector<1x16xf32> to vector<16xf32>
          %parallel_loop3A_436 = vector.shape_cast %parallel_loop3A_427 : vector<16xf32> to vector<1x16xf32>
          tpu.vector_store %parallel_loop3A_431[%parallel_loop3A_432, %parallel_loop3A_433], %parallel_loop3A_436 {strides = array<i32>} : memref<40x256xf32, #tpu.memory_space<vmem>>, vector<1x16xf32>,
          %parallel_loop3A_437 = arith.constant 0 : i32
          %parallel_loop3A_438 = arith.constant 0 : i32
          %parallel_loop3A_439 = tpu.memref_slice %arg8[%parallel_loop3A_192, %parallel_loop3A_437, %parallel_loop3A_438] : memref<3x40x256xf32, #tpu.memory_space<vmem>> -> memref<1x40x256xf32, #tpu.memory_space<vmem>>
          %parallel_loop3A_440 = tpu.memref_squeeze %parallel_loop3A_439 : memref<1x40x256xf32, #tpu.memory_space<vmem>> -> memref<40x256xf32, #tpu.memory_space<vmem>>
          %parallel_loop3A_441 = arith.index_cast %parallel_loop3A_214 : i32 to index
          %parallel_loop3A_442 = arith.constant 144 : index
          %parallel_loop3A_443 = tpu.vector_load %parallel_loop3A_440[%parallel_loop3A_441, %parallel_loop3A_442] {strides = array<i32>} : memref<40x256xf32, #tpu.memory_space<vmem>>, vector<1x16xf32>,
          %parallel_loop3A_444 = vector.shape_cast %parallel_loop3A_443 : vector<1x16xf32> to vector<16xf32>
          %parallel_loop3A_445 = arith.addf %parallel_loop3A_444, %parallel_loop3A_418 : vector<16xf32>
          %parallel_loop3A_446 = arith.constant 0 : i32
          %parallel_loop3A_447 = arith.constant 0 : i32
          %parallel_loop3A_448 = tpu.memref_slice %arg9[%parallel_loop3A_193, %parallel_loop3A_446, %parallel_loop3A_447] : memref<3x40x256xf32, #tpu.memory_space<vmem>> -> memref<1x40x256xf32, #tpu.memory_space<vmem>>
          %parallel_loop3A_449 = tpu.memref_squeeze %parallel_loop3A_448 : memref<1x40x256xf32, #tpu.memory_space<vmem>> -> memref<40x256xf32, #tpu.memory_space<vmem>>
          %parallel_loop3A_450 = arith.index_cast %parallel_loop3A_214 : i32 to index
          %parallel_loop3A_451 = arith.constant 144 : index
          %parallel_loop3A_452 = tpu.vector_load %parallel_loop3A_449[%parallel_loop3A_450, %parallel_loop3A_451] {strides = array<i32>} : memref<40x256xf32, #tpu.memory_space<vmem>>, vector<1x16xf32>,
          %parallel_loop3A_453 = vector.shape_cast %parallel_loop3A_452 : vector<1x16xf32> to vector<16xf32>
          %parallel_loop3A_454 = vector.shape_cast %parallel_loop3A_445 : vector<16xf32> to vector<1x16xf32>
          tpu.vector_store %parallel_loop3A_449[%parallel_loop3A_450, %parallel_loop3A_451], %parallel_loop3A_454 {strides = array<i32>} : memref<40x256xf32, #tpu.memory_space<vmem>>, vector<1x16xf32>,
          %parallel_loop3A_455 = arith.constant 0 : i32
          %parallel_loop3A_456 = arith.constant 0 : i32
          %parallel_loop3A_457 = tpu.memref_slice %arg7[%parallel_loop3A_191, %parallel_loop3A_455, %parallel_loop3A_456] : memref<3x40x128xi32, #tpu.memory_space<vmem>> -> memref<1x40x128xi32, #tpu.memory_space<vmem>>
          %parallel_loop3A_458 = tpu.memref_squeeze %parallel_loop3A_457 : memref<1x40x128xi32, #tpu.memory_space<vmem>> -> memref<40x128xi32, #tpu.memory_space<vmem>>
          %parallel_loop3A_459 = arith.index_cast %parallel_loop3A_214 : i32 to index
          %parallel_loop3A_460 = arith.constant 80 : index
          %parallel_loop3A_461 = tpu.vector_load %parallel_loop3A_458[%parallel_loop3A_459, %parallel_loop3A_460] {strides = array<i32>} : memref<40x128xi32, #tpu.memory_space<vmem>>, vector<1x16xi32>,
          %parallel_loop3A_462 = vector.shape_cast %parallel_loop3A_461 : vector<1x16xi32> to vector<16xi32>
          %parallel_loop3A_463 = arith.shli %parallel_loop3A_462, %broadcast_in_dim3A_81 : vector<16xi32>
          %parallel_loop3A_464 = tpu.bitcast %parallel_loop3A_463 : vector<16xi32> -> vector<16xf32>
          %parallel_loop3A_465 = arith.andi %parallel_loop3A_462, %broadcast_in_dim3A_79 : vector<16xi32>
          %parallel_loop3A_466 = tpu.bitcast %parallel_loop3A_465 : vector<16xi32> -> vector<16xf32>
          %parallel_loop3A_467 = arith.constant 0 : i32
          %parallel_loop3A_468 = arith.constant 0 : i32
          %parallel_loop3A_469 = tpu.memref_slice %arg8[%parallel_loop3A_192, %parallel_loop3A_467, %parallel_loop3A_468] : memref<3x40x256xf32, #tpu.memory_space<vmem>> -> memref<1x40x256xf32, #tpu.memory_space<vmem>>
          %parallel_loop3A_470 = tpu.memref_squeeze %parallel_loop3A_469 : memref<1x40x256xf32, #tpu.memory_space<vmem>> -> memref<40x256xf32, #tpu.memory_space<vmem>>
          %parallel_loop3A_471 = arith.index_cast %parallel_loop3A_214 : i32 to index
          %parallel_loop3A_472 = arith.constant 160 : index
          %parallel_loop3A_473 = tpu.vector_load %parallel_loop3A_470[%parallel_loop3A_471, %parallel_loop3A_472] {strides = array<i32>} : memref<40x256xf32, #tpu.memory_space<vmem>>, vector<1x16xf32>,
          %parallel_loop3A_474 = vector.shape_cast %parallel_loop3A_473 : vector<1x16xf32> to vector<16xf32>
          %parallel_loop3A_475 = arith.addf %parallel_loop3A_474, %parallel_loop3A_464 : vector<16xf32>
          %parallel_loop3A_476 = arith.constant 0 : i32
          %parallel_loop3A_477 = arith.constant 0 : i32
          %parallel_loop3A_478 = tpu.memref_slice %arg9[%parallel_loop3A_193, %parallel_loop3A_476, %parallel_loop3A_477] : memref<3x40x256xf32, #tpu.memory_space<vmem>> -> memref<1x40x256xf32, #tpu.memory_space<vmem>>
          %parallel_loop3A_479 = tpu.memref_squeeze %parallel_loop3A_478 : memref<1x40x256xf32, #tpu.memory_space<vmem>> -> memref<40x256xf32, #tpu.memory_space<vmem>>
          %parallel_loop3A_480 = arith.index_cast %parallel_loop3A_214 : i32 to index
          %parallel_loop3A_481 = arith.constant 160 : index
          %parallel_loop3A_482 = tpu.vector_load %parallel_loop3A_479[%parallel_loop3A_480, %parallel_loop3A_481] {strides = array<i32>} : memref<40x256xf32, #tpu.memory_space<vmem>>, vector<1x16xf32>,
          %parallel_loop3A_483 = vector.shape_cast %parallel_loop3A_482 : vector<1x16xf32> to vector<16xf32>
          %parallel_loop3A_484 = vector.shape_cast %parallel_loop3A_475 : vector<16xf32> to vector<1x16xf32>
          tpu.vector_store %parallel_loop3A_479[%parallel_loop3A_480, %parallel_loop3A_481], %parallel_loop3A_484 {strides = array<i32>} : memref<40x256xf32, #tpu.memory_space<vmem>>, vector<1x16xf32>,
          %parallel_loop3A_485 = arith.constant 0 : i32
          %parallel_loop3A_486 = arith.constant 0 : i32
          %parallel_loop3A_487 = tpu.memref_slice %arg8[%parallel_loop3A_192, %parallel_loop3A_485, %parallel_loop3A_486] : memref<3x40x256xf32, #tpu.memory_space<vmem>> -> memref<1x40x256xf32, #tpu.memory_space<vmem>>
          %parallel_loop3A_488 = tpu.memref_squeeze %parallel_loop3A_487 : memref<1x40x256xf32, #tpu.memory_space<vmem>> -> memref<40x256xf32, #tpu.memory_space<vmem>>
          %parallel_loop3A_489 = arith.index_cast %parallel_loop3A_214 : i32 to index
          %parallel_loop3A_490 = arith.constant 176 : index
          %parallel_loop3A_491 = tpu.vector_load %parallel_loop3A_488[%parallel_loop3A_489, %parallel_loop3A_490] {strides = array<i32>} : memref<40x256xf32, #tpu.memory_space<vmem>>, vector<1x16xf32>,
          %parallel_loop3A_492 = vector.shape_cast %parallel_loop3A_491 : vector<1x16xf32> to vector<16xf32>
          %parallel_loop3A_493 = arith.addf %parallel_loop3A_492, %parallel_loop3A_466 : vector<16xf32>
          %parallel_loop3A_494 = arith.constant 0 : i32
          %parallel_loop3A_495 = arith.constant 0 : i32
          %parallel_loop3A_496 = tpu.memref_slice %arg9[%parallel_loop3A_193, %parallel_loop3A_494, %parallel_loop3A_495] : memref<3x40x256xf32, #tpu.memory_space<vmem>> -> memref<1x40x256xf32, #tpu.memory_space<vmem>>
          %parallel_loop3A_497 = tpu.memref_squeeze %parallel_loop3A_496 : memref<1x40x256xf32, #tpu.memory_space<vmem>> -> memref<40x256xf32, #tpu.memory_space<vmem>>
          %parallel_loop3A_498 = arith.index_cast %parallel_loop3A_214 : i32 to index
          %parallel_loop3A_499 = arith.constant 176 : index
          %parallel_loop3A_500 = tpu.vector_load %parallel_loop3A_497[%parallel_loop3A_498, %parallel_loop3A_499] {strides = array<i32>} : memref<40x256xf32, #tpu.memory_space<vmem>>, vector<1x16xf32>,
          %parallel_loop3A_501 = vector.shape_cast %parallel_loop3A_500 : vector<1x16xf32> to vector<16xf32>
          %parallel_loop3A_502 = vector.shape_cast %parallel_loop3A_493 : vector<16xf32> to vector<1x16xf32>
          tpu.vector_store %parallel_loop3A_497[%parallel_loop3A_498, %parallel_loop3A_499], %parallel_loop3A_502 {strides = array<i32>} : memref<40x256xf32, #tpu.memory_space<vmem>>, vector<1x16xf32>,
          %parallel_loop3A_503 = arith.constant 0 : i32
          %parallel_loop3A_504 = arith.constant 0 : i32
          %parallel_loop3A_505 = tpu.memref_slice %arg7[%parallel_loop3A_191, %parallel_loop3A_503, %parallel_loop3A_504] : memref<3x40x128xi32, #tpu.memory_space<vmem>> -> memref<1x40x128xi32, #tpu.memory_space<vmem>>
          %parallel_loop3A_506 = tpu.memref_squeeze %parallel_loop3A_505 : memref<1x40x128xi32, #tpu.memory_space<vmem>> -> memref<40x128xi32, #tpu.memory_space<vmem>>
          %parallel_loop3A_507 = arith.index_cast %parallel_loop3A_214 : i32 to index
          %parallel_loop3A_508 = arith.constant 96 : index
          %parallel_loop3A_509 = tpu.vector_load %parallel_loop3A_506[%parallel_loop3A_507, %parallel_loop3A_508] {strides = array<i32>} : memref<40x128xi32, #tpu.memory_space<vmem>>, vector<1x16xi32>,
          %parallel_loop3A_510 = vector.shape_cast %parallel_loop3A_509 : vector<1x16xi32> to vector<16xi32>
          %parallel_loop3A_511 = arith.shli %parallel_loop3A_510, %broadcast_in_dim3A_81 : vector<16xi32>
          %parallel_loop3A_512 = tpu.bitcast %parallel_loop3A_511 : vector<16xi32> -> vector<16xf32>
          %parallel_loop3A_513 = arith.andi %parallel_loop3A_510, %broadcast_in_dim3A_79 : vector<16xi32>
          %parallel_loop3A_514 = tpu.bitcast %parallel_loop3A_513 : vector<16xi32> -> vector<16xf32>
          %parallel_loop3A_515 = arith.constant 0 : i32
          %parallel_loop3A_516 = arith.constant 0 : i32
          %parallel_loop3A_517 = tpu.memref_slice %arg8[%parallel_loop3A_192, %parallel_loop3A_515, %parallel_loop3A_516] : memref<3x40x256xf32, #tpu.memory_space<vmem>> -> memref<1x40x256xf32, #tpu.memory_space<vmem>>
          %parallel_loop3A_518 = tpu.memref_squeeze %parallel_loop3A_517 : memref<1x40x256xf32, #tpu.memory_space<vmem>> -> memref<40x256xf32, #tpu.memory_space<vmem>>
          %parallel_loop3A_519 = arith.index_cast %parallel_loop3A_214 : i32 to index
          %parallel_loop3A_520 = arith.constant 192 : index
          %parallel_loop3A_521 = tpu.vector_load %parallel_loop3A_518[%parallel_loop3A_519, %parallel_loop3A_520] {strides = array<i32>} : memref<40x256xf32, #tpu.memory_space<vmem>>, vector<1x16xf32>,
          %parallel_loop3A_522 = vector.shape_cast %parallel_loop3A_521 : vector<1x16xf32> to vector<16xf32>
          %parallel_loop3A_523 = arith.addf %parallel_loop3A_522, %parallel_loop3A_512 : vector<16xf32>
          %parallel_loop3A_524 = arith.constant 0 : i32
          %parallel_loop3A_525 = arith.constant 0 : i32
          %parallel_loop3A_526 = tpu.memref_slice %arg9[%parallel_loop3A_193, %parallel_loop3A_524, %parallel_loop3A_525] : memref<3x40x256xf32, #tpu.memory_space<vmem>> -> memref<1x40x256xf32, #tpu.memory_space<vmem>>
          %parallel_loop3A_527 = tpu.memref_squeeze %parallel_loop3A_526 : memref<1x40x256xf32, #tpu.memory_space<vmem>> -> memref<40x256xf32, #tpu.memory_space<vmem>>
          %parallel_loop3A_528 = arith.index_cast %parallel_loop3A_214 : i32 to index
          %parallel_loop3A_529 = arith.constant 192 : index
          %parallel_loop3A_530 = tpu.vector_load %parallel_loop3A_527[%parallel_loop3A_528, %parallel_loop3A_529] {strides = array<i32>} : memref<40x256xf32, #tpu.memory_space<vmem>>, vector<1x16xf32>,
          %parallel_loop3A_531 = vector.shape_cast %parallel_loop3A_530 : vector<1x16xf32> to vector<16xf32>
          %parallel_loop3A_532 = vector.shape_cast %parallel_loop3A_523 : vector<16xf32> to vector<1x16xf32>
          tpu.vector_store %parallel_loop3A_527[%parallel_loop3A_528, %parallel_loop3A_529], %parallel_loop3A_532 {strides = array<i32>} : memref<40x256xf32, #tpu.memory_space<vmem>>, vector<1x16xf32>,
          %parallel_loop3A_533 = arith.constant 0 : i32
          %parallel_loop3A_534 = arith.constant 0 : i32
          %parallel_loop3A_535 = tpu.memref_slice %arg8[%parallel_loop3A_192, %parallel_loop3A_533, %parallel_loop3A_534] : memref<3x40x256xf32, #tpu.memory_space<vmem>> -> memref<1x40x256xf32, #tpu.memory_space<vmem>>
          %parallel_loop3A_536 = tpu.memref_squeeze %parallel_loop3A_535 : memref<1x40x256xf32, #tpu.memory_space<vmem>> -> memref<40x256xf32, #tpu.memory_space<vmem>>
          %parallel_loop3A_537 = arith.index_cast %parallel_loop3A_214 : i32 to index
          %parallel_loop3A_538 = arith.constant 208 : index
          %parallel_loop3A_539 = tpu.vector_load %parallel_loop3A_536[%parallel_loop3A_537, %parallel_loop3A_538] {strides = array<i32>} : memref<40x256xf32, #tpu.memory_space<vmem>>, vector<1x16xf32>,
          %parallel_loop3A_540 = vector.shape_cast %parallel_loop3A_539 : vector<1x16xf32> to vector<16xf32>
          %parallel_loop3A_541 = arith.addf %parallel_loop3A_540, %parallel_loop3A_514 : vector<16xf32>
          %parallel_loop3A_542 = arith.constant 0 : i32
          %parallel_loop3A_543 = arith.constant 0 : i32
          %parallel_loop3A_544 = tpu.memref_slice %arg9[%parallel_loop3A_193, %parallel_loop3A_542, %parallel_loop3A_543] : memref<3x40x256xf32, #tpu.memory_space<vmem>> -> memref<1x40x256xf32, #tpu.memory_space<vmem>>
          %parallel_loop3A_545 = tpu.memref_squeeze %parallel_loop3A_544 : memref<1x40x256xf32, #tpu.memory_space<vmem>> -> memref<40x256xf32, #tpu.memory_space<vmem>>
          %parallel_loop3A_546 = arith.index_cast %parallel_loop3A_214 : i32 to index
          %parallel_loop3A_547 = arith.constant 208 : index
          %parallel_loop3A_548 = tpu.vector_load %parallel_loop3A_545[%parallel_loop3A_546, %parallel_loop3A_547] {strides = array<i32>} : memref<40x256xf32, #tpu.memory_space<vmem>>, vector<1x16xf32>,
          %parallel_loop3A_549 = vector.shape_cast %parallel_loop3A_548 : vector<1x16xf32> to vector<16xf32>
          %parallel_loop3A_550 = vector.shape_cast %parallel_loop3A_541 : vector<16xf32> to vector<1x16xf32>
          tpu.vector_store %parallel_loop3A_545[%parallel_loop3A_546, %parallel_loop3A_547], %parallel_loop3A_550 {strides = array<i32>} : memref<40x256xf32, #tpu.memory_space<vmem>>, vector<1x16xf32>,
          %parallel_loop3A_551 = arith.constant 0 : i32
          %parallel_loop3A_552 = arith.constant 0 : i32
          %parallel_loop3A_553 = tpu.memref_slice %arg7[%parallel_loop3A_191, %parallel_loop3A_551, %parallel_loop3A_552] : memref<3x40x128xi32, #tpu.memory_space<vmem>> -> memref<1x40x128xi32, #tpu.memory_space<vmem>>
          %parallel_loop3A_554 = tpu.memref_squeeze %parallel_loop3A_553 : memref<1x40x128xi32, #tpu.memory_space<vmem>> -> memref<40x128xi32, #tpu.memory_space<vmem>>
          %parallel_loop3A_555 = arith.index_cast %parallel_loop3A_214 : i32 to index
          %parallel_loop3A_556 = arith.constant 112 : index
          %parallel_loop3A_557 = tpu.vector_load %parallel_loop3A_554[%parallel_loop3A_555, %parallel_loop3A_556] {strides = array<i32>} : memref<40x128xi32, #tpu.memory_space<vmem>>, vector<1x16xi32>,
          %parallel_loop3A_558 = vector.shape_cast %parallel_loop3A_557 : vector<1x16xi32> to vector<16xi32>
          %parallel_loop3A_559 = arith.shli %parallel_loop3A_558, %broadcast_in_dim3A_81 : vector<16xi32>
          %parallel_loop3A_560 = tpu.bitcast %parallel_loop3A_559 : vector<16xi32> -> vector<16xf32>
          %parallel_loop3A_561 = arith.andi %parallel_loop3A_558, %broadcast_in_dim3A_79 : vector<16xi32>
          %parallel_loop3A_562 = tpu.bitcast %parallel_loop3A_561 : vector<16xi32> -> vector<16xf32>
          %parallel_loop3A_563 = arith.constant 0 : i32
          %parallel_loop3A_564 = arith.constant 0 : i32
          %parallel_loop3A_565 = tpu.memref_slice %arg8[%parallel_loop3A_192, %parallel_loop3A_563, %parallel_loop3A_564] : memref<3x40x256xf32, #tpu.memory_space<vmem>> -> memref<1x40x256xf32, #tpu.memory_space<vmem>>
          %parallel_loop3A_566 = tpu.memref_squeeze %parallel_loop3A_565 : memref<1x40x256xf32, #tpu.memory_space<vmem>> -> memref<40x256xf32, #tpu.memory_space<vmem>>
          %parallel_loop3A_567 = arith.index_cast %parallel_loop3A_214 : i32 to index
          %parallel_loop3A_568 = arith.constant 224 : index
          %parallel_loop3A_569 = tpu.vector_load %parallel_loop3A_566[%parallel_loop3A_567, %parallel_loop3A_568] {strides = array<i32>} : memref<40x256xf32, #tpu.memory_space<vmem>>, vector<1x16xf32>,
          %parallel_loop3A_570 = vector.shape_cast %parallel_loop3A_569 : vector<1x16xf32> to vector<16xf32>
          %parallel_loop3A_571 = arith.addf %parallel_loop3A_570, %parallel_loop3A_560 : vector<16xf32>
          %parallel_loop3A_572 = arith.constant 0 : i32
          %parallel_loop3A_573 = arith.constant 0 : i32
          %parallel_loop3A_574 = tpu.memref_slice %arg9[%parallel_loop3A_193, %parallel_loop3A_572, %parallel_loop3A_573] : memref<3x40x256xf32, #tpu.memory_space<vmem>> -> memref<1x40x256xf32, #tpu.memory_space<vmem>>
          %parallel_loop3A_575 = tpu.memref_squeeze %parallel_loop3A_574 : memref<1x40x256xf32, #tpu.memory_space<vmem>> -> memref<40x256xf32, #tpu.memory_space<vmem>>
          %parallel_loop3A_576 = arith.index_cast %parallel_loop3A_214 : i32 to index
          %parallel_loop3A_577 = arith.constant 224 : index
          %parallel_loop3A_578 = tpu.vector_load %parallel_loop3A_575[%parallel_loop3A_576, %parallel_loop3A_577] {strides = array<i32>} : memref<40x256xf32, #tpu.memory_space<vmem>>, vector<1x16xf32>,
          %parallel_loop3A_579 = vector.shape_cast %parallel_loop3A_578 : vector<1x16xf32> to vector<16xf32>
          %parallel_loop3A_580 = vector.shape_cast %parallel_loop3A_571 : vector<16xf32> to vector<1x16xf32>
          tpu.vector_store %parallel_loop3A_575[%parallel_loop3A_576, %parallel_loop3A_577], %parallel_loop3A_580 {strides = array<i32>} : memref<40x256xf32, #tpu.memory_space<vmem>>, vector<1x16xf32>,
          %parallel_loop3A_581 = arith.constant 0 : i32
          %parallel_loop3A_582 = arith.constant 0 : i32
          %parallel_loop3A_583 = tpu.memref_slice %arg8[%parallel_loop3A_192, %parallel_loop3A_581, %parallel_loop3A_582] : memref<3x40x256xf32, #tpu.memory_space<vmem>> -> memref<1x40x256xf32, #tpu.memory_space<vmem>>
          %parallel_loop3A_584 = tpu.memref_squeeze %parallel_loop3A_583 : memref<1x40x256xf32, #tpu.memory_space<vmem>> -> memref<40x256xf32, #tpu.memory_space<vmem>>
          %parallel_loop3A_585 = arith.index_cast %parallel_loop3A_214 : i32 to index
          %parallel_loop3A_586 = arith.constant 240 : index
          %parallel_loop3A_587 = tpu.vector_load %parallel_loop3A_584[%parallel_loop3A_585, %parallel_loop3A_586] {strides = array<i32>} : memref<40x256xf32, #tpu.memory_space<vmem>>, vector<1x16xf32>,
          %parallel_loop3A_588 = vector.shape_cast %parallel_loop3A_587 : vector<1x16xf32> to vector<16xf32>
          %parallel_loop3A_589 = arith.addf %parallel_loop3A_588, %parallel_loop3A_562 : vector<16xf32>
          %parallel_loop3A_590 = arith.constant 0 : i32
          %parallel_loop3A_591 = arith.constant 0 : i32
          %parallel_loop3A_592 = tpu.memref_slice %arg9[%parallel_loop3A_193, %parallel_loop3A_590, %parallel_loop3A_591] : memref<3x40x256xf32, #tpu.memory_space<vmem>> -> memref<1x40x256xf32, #tpu.memory_space<vmem>>
          %parallel_loop3A_593 = tpu.memref_squeeze %parallel_loop3A_592 : memref<1x40x256xf32, #tpu.memory_space<vmem>> -> memref<40x256xf32, #tpu.memory_space<vmem>>
          %parallel_loop3A_594 = arith.index_cast %parallel_loop3A_214 : i32 to index
          %parallel_loop3A_595 = arith.constant 240 : index
          %parallel_loop3A_596 = tpu.vector_load %parallel_loop3A_593[%parallel_loop3A_594, %parallel_loop3A_595] {strides = array<i32>} : memref<40x256xf32, #tpu.memory_space<vmem>>, vector<1x16xf32>,
          %parallel_loop3A_597 = vector.shape_cast %parallel_loop3A_596 : vector<1x16xf32> to vector<16xf32>
          %parallel_loop3A_598 = vector.shape_cast %parallel_loop3A_589 : vector<16xf32> to vector<1x16xf32>
          tpu.vector_store %parallel_loop3A_593[%parallel_loop3A_594, %parallel_loop3A_595], %parallel_loop3A_598 {strides = array<i32>} : memref<40x256xf32, #tpu.memory_space<vmem>>, vector<1x16xf32>,
        } {sc.loop_unroll_factor = 2 : i64, sc.parallel_access}
        %dma_start3A_194 = arith.constant 2 : i32
        %dma_start3A_195 = arith.constant 0 : i32
        %dma_start3A_196 = arith.constant 0 : i32
        %dma_start3A_197 = tpu.memref_slice %arg9[%dma_start3A_194, %dma_start3A_195, %dma_start3A_196] : memref<3x40x256xf32, #tpu.memory_space<vmem>> -> memref<1x40x256xf32, #tpu.memory_space<vmem>>
        %dma_start3A_198 = tpu.memref_squeeze %dma_start3A_197 : memref<1x40x256xf32, #tpu.memory_space<vmem>> -> memref<40x256xf32, #tpu.memory_space<vmem>>
        %dma_start3A_199 = arith.constant 0 : i32
        %dma_start3A_200 = tpu.memref_slice %arg5[%add3A_155, %dma_start3A_199] : memref<160000x256xf32, #tpu.memory_space<hbm>> -> memref<40x256xf32, #tpu.memory_space<hbm>>
        %dma_start3A_201 = arith.constant 0 : i32
        %dma_start3A_202 = tpu.memref_slice %arg5[%add3A_155, %dma_start3A_201] : memref<160000x256xf32, #tpu.memory_space<hbm>> -> memref<40x256xf32, #tpu.memory_space<hbm>>
        %dma_start3A_203 = arith.constant 0 : i32
        %dma_start3A_204 = arith.constant 0 : i32
        %dma_start3A_205 = tpu.memref_slice %arg9[%dma_start3A_194, %dma_start3A_203, %dma_start3A_204] : memref<3x40x256xf32, #tpu.memory_space<vmem>> -> memref<1x40x256xf32, #tpu.memory_space<vmem>>
        %dma_start3A_206 = tpu.memref_squeeze %dma_start3A_205 : memref<1x40x256xf32, #tpu.memory_space<vmem>> -> memref<40x256xf32, #tpu.memory_space<vmem>>
        tpu.enqueue_dma source(%dma_start3A_206 : memref<40x256xf32, #tpu.memory_space<vmem>>) target(%dma_start3A_202 : memref<40x256xf32, #tpu.memory_space<hbm>>) target_semaphore(%arg19 : memref<!tpu.dma_semaphore, #tpu.memory_space<semaphore_mem>>)
        %add3A_207 = arith.constant 3 : i32
        %add3A_208 = arith.addi %add3A_152, %add3A_207 : i32
        %lt3A_209 = arith.constant 125 : i32
        %lt3A_210 = arith.cmpi slt, %add3A_208, %lt3A_209 : i32
        %convert_element_type3A_211 = arith.extui %lt3A_210 : i1 to i32
        %cond3A_212 = arith.constant 0 : i32
        %cond3A_213 = arith.cmpi ne, %convert_element_type3A_211, %cond3A_212 : i32
        scf.if %cond3A_213 {
          %add3A_214 = arith.constant 3 : i32
          %add3A_215 = arith.addi %add3A_152, %add3A_214 : i32
          %mul3A_216 = arith.constant 40 : i32
          %mul3A_217 = arith.muli %add3A_215, %mul3A_216 : i32
          %add3A_218 = arith.addi %mul3A_2, %mul3A_217 : i32
          %mul3A_219 = arith.constant 40 : i32
          %mul3A_220 = arith.muli %add3A_215, %mul3A_219 : i32
          %dma_start3A_221 = arith.constant 2 : i32
          %dma_start3A_222 = arith.constant 0 : i32
          %dma_start3A_223 = arith.constant 0 : i32
          %dma_start3A_224 = tpu.memref_slice %arg7[%dma_start3A_221, %dma_start3A_222, %dma_start3A_223] : memref<3x40x128xi32, #tpu.memory_space<vmem>> -> memref<1x40x128xi32, #tpu.memory_space<vmem>>
          %dma_start3A_225 = tpu.memref_squeeze %dma_start3A_224 : memref<1x40x128xi32, #tpu.memory_space<vmem>> -> memref<40x128xi32, #tpu.memory_space<vmem>>
          %dma_start3A_226 = tpu.memref_slice %arg6[%mul3A_220] : memref<5000xi32, #tpu.memory_space<vmem>> -> memref<40xi32, #tpu.memory_space<vmem>>
          %dma_start3A_227 = arith.constant 0 : i32
          %dma_start3A_228 = arith.constant 0 : i32
          %dma_start3A_229 = tpu.memref_slice %arg10[%dma_start3A_227, %dma_start3A_228] : memref<1000x128xi32, #tpu.memory_space<vmem_shared>> -> memref<1000x128xi32, #tpu.memory_space<vmem_shared>>
          tpu.enqueue_indirect_dma source(%dma_start3A_229 : memref<1000x128xi32, #tpu.memory_space<vmem_shared>>) target(%dma_start3A_225 : memref<40x128xi32, #tpu.memory_space<vmem>>) offsets(%dma_start3A_226 : memref<40xi32, #tpu.memory_space<vmem>>) semaphore(%arg13 : memref<!tpu.dma_semaphore, #tpu.memory_space<semaphore_mem>>)
          %dma_start3A_230 = arith.constant 2 : i32
          %dma_start3A_231 = arith.constant 0 : i32
          %dma_start3A_232 = arith.constant 0 : i32
          %dma_start3A_233 = tpu.memref_slice %arg8[%dma_start3A_230, %dma_start3A_231, %dma_start3A_232] : memref<3x40x256xf32, #tpu.memory_space<vmem>> -> memref<1x40x256xf32, #tpu.memory_space<vmem>>
          %dma_start3A_234 = tpu.memref_squeeze %dma_start3A_233 : memref<1x40x256xf32, #tpu.memory_space<vmem>> -> memref<40x256xf32, #tpu.memory_space<vmem>>
          %dma_start3A_235 = arith.constant 0 : i32
          %dma_start3A_236 = tpu.memref_slice %arg2[%add3A_218, %dma_start3A_235] : memref<160000x256xf32, #tpu.memory_space<hbm>> -> memref<40x256xf32, #tpu.memory_space<hbm>>
          %dma_start3A_237 = arith.constant 0 : i32
          %dma_start3A_238 = arith.constant 0 : i32
          %dma_start3A_239 = tpu.memref_slice %arg8[%dma_start3A_230, %dma_start3A_237, %dma_start3A_238] : memref<3x40x256xf32, #tpu.memory_space<vmem>> -> memref<1x40x256xf32, #tpu.memory_space<vmem>>
          %dma_start3A_240 = tpu.memref_squeeze %dma_start3A_239 : memref<1x40x256xf32, #tpu.memory_space<vmem>> -> memref<40x256xf32, #tpu.memory_space<vmem>>
          %dma_start3A_241 = arith.constant 0 : i32
          %dma_start3A_242 = tpu.memref_slice %arg2[%add3A_218, %dma_start3A_241] : memref<160000x256xf32, #tpu.memory_space<hbm>> -> memref<40x256xf32, #tpu.memory_space<hbm>>
          tpu.enqueue_dma source(%dma_start3A_242 : memref<40x256xf32, #tpu.memory_space<hbm>>) target(%dma_start3A_240 : memref<40x256xf32, #tpu.memory_space<vmem>>) target_semaphore(%arg16 : memref<!tpu.dma_semaphore, #tpu.memory_space<semaphore_mem>>)
        } else {
        }
      } else {
      }
    }
    %scan3A_86 = arith.constant 42 : i32
    %dma_wait3A = arith.constant 0 : i32
    %dma_wait3A_87 = arith.constant 0 : i32
    %dma_wait3A_88 = arith.constant 0 : i32
    %dma_wait3A_89 = tpu.memref_slice %arg9[%dma_wait3A, %dma_wait3A_87, %dma_wait3A_88] : memref<3x40x256xf32, #tpu.memory_space<vmem>> -> memref<1x40x256xf32, #tpu.memory_space<vmem>>
    %dma_wait3A_90 = tpu.memref_squeeze %dma_wait3A_89 : memref<1x40x256xf32, #tpu.memory_space<vmem>> -> memref<40x256xf32, #tpu.memory_space<vmem>>
    %dma_wait3A_91 = arith.constant 0 : i32
    %dma_wait3A_92 = tpu.memref_slice %arg5[%mul3A_2, %dma_wait3A_91] : memref<160000x256xf32, #tpu.memory_space<hbm>> -> memref<40x256xf32, #tpu.memory_space<hbm>>
    %dma_wait3A_93 = arith.constant 0 : i32
    %dma_wait3A_94 = tpu.memref_slice %arg5[%mul3A_2, %dma_wait3A_93] : memref<160000x256xf32, #tpu.memory_space<hbm>> -> memref<40x256xf32, #tpu.memory_space<hbm>>
    %dma_wait3A_95 = arith.constant 0 : i32
    %dma_wait3A_96 = arith.constant 0 : i32
    %dma_wait3A_97 = tpu.memref_slice %arg9[%dma_wait3A, %dma_wait3A_95, %dma_wait3A_96] : memref<3x40x256xf32, #tpu.memory_space<vmem>> -> memref<1x40x256xf32, #tpu.memory_space<vmem>>
    %dma_wait3A_98 = tpu.memref_squeeze %dma_wait3A_97 : memref<1x40x256xf32, #tpu.memory_space<vmem>> -> memref<40x256xf32, #tpu.memory_space<vmem>>
    tpu.wait_dma2 semaphore(%arg17 : memref<!tpu.dma_semaphore, #tpu.memory_space<semaphore_mem>>) src(%dma_wait3A_98 : memref<40x256xf32, #tpu.memory_space<vmem>>) dst(%dma_wait3A_94 : memref<40x256xf32, #tpu.memory_space<hbm>>)
    %dma_wait3A_99 = arith.constant 1 : i32
    %dma_wait3A_100 = arith.constant 0 : i32
    %dma_wait3A_101 = arith.constant 0 : i32
    %dma_wait3A_102 = tpu.memref_slice %arg9[%dma_wait3A_99, %dma_wait3A_100, %dma_wait3A_101] : memref<3x40x256xf32, #tpu.memory_space<vmem>> -> memref<1x40x256xf32, #tpu.memory_space<vmem>>
    %dma_wait3A_103 = tpu.memref_squeeze %dma_wait3A_102 : memref<1x40x256xf32, #tpu.memory_space<vmem>> -> memref<40x256xf32, #tpu.memory_space<vmem>>
    %dma_wait3A_104 = arith.constant 0 : i32
    %dma_wait3A_105 = tpu.memref_slice %arg5[%mul3A_2, %dma_wait3A_104] : memref<160000x256xf32, #tpu.memory_space<hbm>> -> memref<40x256xf32, #tpu.memory_space<hbm>>
    %dma_wait3A_106 = arith.constant 0 : i32
    %dma_wait3A_107 = tpu.memref_slice %arg5[%mul3A_2, %dma_wait3A_106] : memref<160000x256xf32, #tpu.memory_space<hbm>> -> memref<40x256xf32, #tpu.memory_space<hbm>>
    %dma_wait3A_108 = arith.constant 0 : i32
    %dma_wait3A_109 = arith.constant 0 : i32
    %dma_wait3A_110 = tpu.memref_slice %arg9[%dma_wait3A_99, %dma_wait3A_108, %dma_wait3A_109] : memref<3x40x256xf32, #tpu.memory_space<vmem>> -> memref<1x40x256xf32, #tpu.memory_space<vmem>>
    %dma_wait3A_111 = tpu.memref_squeeze %dma_wait3A_110 : memref<1x40x256xf32, #tpu.memory_space<vmem>> -> memref<40x256xf32, #tpu.memory_space<vmem>>
    tpu.wait_dma2 semaphore(%arg18 : memref<!tpu.dma_semaphore, #tpu.memory_space<semaphore_mem>>) src(%dma_wait3A_111 : memref<40x256xf32, #tpu.memory_space<vmem>>) dst(%dma_wait3A_107 : memref<40x256xf32, #tpu.memory_space<hbm>>)
    %dma_wait3A_112 = arith.constant 2 : i32
    %dma_wait3A_113 = arith.constant 0 : i32
    %dma_wait3A_114 = arith.constant 0 : i32
    %dma_wait3A_115 = tpu.memref_slice %arg9[%dma_wait3A_112, %dma_wait3A_113, %dma_wait3A_114] : memref<3x40x256xf32, #tpu.memory_space<vmem>> -> memref<1x40x256xf32, #tpu.memory_space<vmem>>
    %dma_wait3A_116 = tpu.memref_squeeze %dma_wait3A_115 : memref<1x40x256xf32, #tpu.memory_space<vmem>> -> memref<40x256xf32, #tpu.memory_space<vmem>>
    %dma_wait3A_117 = arith.constant 0 : i32
    %dma_wait3A_118 = tpu.memref_slice %arg5[%mul3A_2, %dma_wait3A_117] : memref<160000x256xf32, #tpu.memory_space<hbm>> -> memref<40x256xf32, #tpu.memory_space<hbm>>
    %dma_wait3A_119 = arith.constant 0 : i32
    %dma_wait3A_120 = tpu.memref_slice %arg5[%mul3A_2, %dma_wait3A_119] : memref<160000x256xf32, #tpu.memory_space<hbm>> -> memref<40x256xf32, #tpu.memory_space<hbm>>
    %dma_wait3A_121 = arith.constant 0 : i32
    %dma_wait3A_122 = arith.constant 0 : i32
    %dma_wait3A_123 = tpu.memref_slice %arg9[%dma_wait3A_112, %dma_wait3A_121, %dma_wait3A_122] : memref<3x40x256xf32, #tpu.memory_space<vmem>> -> memref<1x40x256xf32, #tpu.memory_space<vmem>>
    %dma_wait3A_124 = tpu.memref_squeeze %dma_wait3A_123 : memref<1x40x256xf32, #tpu.memory_space<vmem>> -> memref<40x256xf32, #tpu.memory_space<vmem>>
    tpu.wait_dma2 semaphore(%arg19 : memref<!tpu.dma_semaphore, #tpu.memory_space<semaphore_mem>>) src(%dma_wait3A_124 : memref<40x256xf32, #tpu.memory_space<vmem>>) dst(%dma_wait3A_120 : memref<40x256xf32, #tpu.memory_space<hbm>>)
    return
  }
}

</mosaic_0001>

<sc_bundles>
// kernel: kernel.3.cloned.1.call-start
scs
__scs_entry_jumppad:
0x0: {  	(pc) =	sbr.rel $0x88, $3  }
0x1: {  	(tag) =	ssettag $0x0;
	lr =	simm.s32 $0x1  }
0x2: {  	[smem:$0x3F9E] =	sst lr;
	_ =	strace $0xD0000000  }
0x3: {  	_ = 	snop  }
0x4: {  	_ = 	snop  }
0x5: {  	_ = 	snop  }
0x6: {  	_ = 	snop  }
0x7: {  	_ = 	snop  }
__scs_overlays_trampoline_lowered:
0x8: {  	[smem:$0x3FAD] =	sst s0  }
0x9: {  	[smem:$0x3FAE] =	sst s1  }
0xa: {  	[smem:$0x3FAF] =	sst s2  }
0xb: {  	[smem:$0x3FB0] =	sst s3  }
0xc: {  	[smem:$0x3FB1] =	sst s4  }
0xd: {  	[smem:$0x3FB2] =	sst s5  }
0xe: {  	[smem:$0x3FB3] =	sst s6  }
0xf: {  	[smem:$0x3FB4] =	sst s7  }
0x10: {  	[smem:$0x3FB5] =	sst s8  }
0x11: {  	[smem:$0x3FB6] =	sst s9;
	s0 =	simm.s32 @!p0 $0x0  }
0x12: {  	s1 =	sld [smem:$0x3F9C];
	s0 =	simm.s32 @p0 $0x1  }
0x13: {  	[smem:$0x3FB7] =	sst s0;
	s0 =	simm.s32 @!p1 $0x0  }
0x14: {  	s2 =	sld [smem:$0x3F9B];
	s0 =	simm.s32 @p1 $0x1  }
0x15: {  	[smem:$0x3FB8] =	sst s0;
	s0 =	simm.s32 @!p2 $0x0  }
0x16: {  	s3 =	sld [smem:$0x3FDB];
	s0 =	simm.s32 @p2 $0x1  }
0x17: {  	s4 =	simm.s32 $0x1BF5;
	[smem:$0x3FBA] =	sst s0  }
0x18: {  	s0 =	sld [smem:$0x3F9D];
	_ =	swait.ge [sflag:s4], $0x0  }
0x19: {  	s7 =	sld [smem:$0x3F9E]  }
0x1a: {  	s8 =	sadd.s32 $0xFFFFE003, lr  }
0x1b: {  	s9 =	sadd.s32 $0xFFFFFEF7, lr;
	s5 =	simm.s32 $0xFFFFFFFF;
	p2 =	slt.u32 s8, $0xFFFFF086  }
0x1c: {  	p1 =	slt.u32 s9, $0xF7A;
	s5 =	simm.s32 @!p2 $0x0  }
0x1d: {  	s5 =	simm.s32 @p1 $0x1;
	p0 =	seq.s32 s7, s2  }
0x1e: {  	s7 =	smul.u32 @!p0 $0xF7A, s2;
	p2 =	seq.s32 @!p0 s5, $0x0  }
0x1f: {  	s9 =	smul.u32 $0xF7A, s1;
	s8 =	simm.s32 @!p0 $0x1BF5;
	p2 =	por !p2, p0  }
0x20: {  	[sflag:s8] =	ssyncset.s32 @!p0 $0xFFFFF086;
	s6 =	sadd.s32 @!p0 s3, s7;
	s7 =	simm.s32 @!p0 $0x108  }
0x21: {  	s3 =	sadd.s32 s3, s9;
	s6 =	sadd.s32 @!p0 $0x88, s6;
	s7 =	simm.s32 @p2 $0x1082  }
0x22: {  	[simem:s7], [sflag:s8] =	dma.local @!p0 [hbm:s6], $0xF7A  }
0x23: {  	s9 =	sor.u32 $0xD0000000, s2;
	s6 =	simm.s32 $0x108;
	_ =	swait.ge @!p0 [sflag:s8], $0x0  }
0x24: {  	s3 =	sadd.s32 $0x88, s3;
	s6 =	simm.s32 @!p1 $0x1082;
	[sflag:s4] =	ssyncset.s32 $0xFFFFF086  }
0x25: {  	[simem:s6], [sflag:s4] =	dma.local [hbm:s3], $0xF7A  }
0x26: {  	[smem:$0x3F9E] =	sst s1;
	(tag) =	ssettag s2;
	_ =	strace s9  }
0x27: {  	s1 =	sld [smem:$0x3FAE]  }
0x28: {  	s2 =	sld [smem:$0x3FAF]  }
0x29: {  	s4 =	sld [smem:$0x3FB1]  }
0x2a: {  	p0 =	seq.s32 s5, $0x0;
	s5 =	sld [smem:$0x3FB2]  }
0x2b: {  	s6 =	sld [smem:$0x3FB3]  }
0x2c: {  	s7 =	sld [smem:$0x3FB4]  }
0x2d: {  	s3 =	simm.s32 $0x108;
	s8 =	sld [smem:$0x3FB5]  }
0x2e: {  	s3 =	simm.s32 @!p0 $0x1082;
	s9 =	sld [smem:$0x3FB6]  }
0x2f: {  	lr =	sadd.s32 s0, s3;
	s0 =	sld [smem:$0x3FAD]  }
0x30: {  	s3 =	sld [smem:$0x3FB0]  }
0x31: {  	[smem:$0x3FB9] =	sst s10  }
0x32: {  	s10 =	sld [smem:$0x3FB7];
	_ =	sdelay $0x3  }
0x33: {  	p0 =	seq.s32 s10, $0x1;
	s10 =	sld [smem:$0x3FB9];
	_ =	sdelay $0x3  }
0x34: {  	[smem:$0x3FB9] =	sst s10  }
0x35: {  	s10 =	sld [smem:$0x3FB8];
	_ =	sdelay $0x3  }
0x36: {  	p1 =	seq.s32 s10, $0x1;
	s10 =	sld [smem:$0x3FB9];
	_ =	sdelay $0x3  }
0x37: {  	[smem:$0x3FB9] =	sst s10  }
0x38: {  	s10 =	sld [smem:$0x3FBA]  }
0x39: {  	_ = 	snop;
	(pc) =	sbr.ind lr, $3  }
0x3a: {  	_ = 	snop  }
0x3b: {  	_ = 	snop  }
0x3c: {  	p2 =	seq.s32 s10, $0x1;
	s10 =	sld [smem:$0x3FB9]  }
0x3d: {  	_ =	shalt  }
0x3e: {  	_ =	shalt  }
0x3f: {  	_ =	shalt  }
0x40: {  	_ =	shalt  }
0x41: {  	_ =	shalt  }
0x42: {  	_ =	shalt  }
0x43: {  	_ =	shalt  }
0x44: {  	_ =	shalt  }
0x45: {  	_ =	shalt  }
0x46: {  	_ =	shalt  }
0x47: {  	_ =	shalt  }
0x48: {  	_ =	shalt  }
0x49: {  	_ =	shalt  }
0x4a: {  	_ =	shalt  }
0x4b: {  	_ =	shalt  }
0x4c: {  	_ =	shalt  }
0x4d: {  	_ =	shalt  }
0x4e: {  	_ =	shalt  }
0x4f: {  	_ =	shalt  }
0x50: {  	_ =	shalt  }
0x51: {  	_ =	shalt  }
0x52: {  	_ =	shalt  }
0x53: {  	_ =	shalt  }
0x54: {  	_ =	shalt  }
0x55: {  	_ =	shalt  }
0x56: {  	_ =	shalt  }
0x57: {  	_ =	shalt  }
0x58: {  	_ =	shalt  }
0x59: {  	_ =	shalt  }
0x5a: {  	_ =	shalt  }
0x5b: {  	_ =	shalt  }
0x5c: {  	_ =	shalt  }
0x5d: {  	_ =	shalt  }
0x5e: {  	_ =	shalt  }
0x5f: {  	_ =	shalt  }
0x60: {  	_ =	shalt  }
0x61: {  	_ =	shalt  }
0x62: {  	_ =	shalt  }
0x63: {  	_ =	shalt  }
0x64: {  	_ =	shalt  }
0x65: {  	_ =	shalt  }
0x66: {  	_ =	shalt  }
0x67: {  	_ =	shalt  }
0x68: {  	_ =	shalt  }
0x69: {  	_ =	shalt  }
0x6a: {  	_ =	shalt  }
0x6b: {  	_ =	shalt  }
0x6c: {  	_ =	shalt  }
0x6d: {  	_ =	shalt  }
0x6e: {  	_ =	shalt  }
0x6f: {  	_ =	shalt  }
0x70: {  	_ =	shalt  }
0x71: {  	_ =	shalt  }
0x72: {  	_ =	shalt  }
0x73: {  	_ =	shalt  }
0x74: {  	_ =	shalt  }
0x75: {  	_ =	shalt  }
0x76: {  	_ =	shalt  }
0x77: {  	_ =	shalt  }
0x78: {  	_ =	shalt  }
0x79: {  	_ =	shalt  }
0x7a: {  	_ =	shalt  }
0x7b: {  	_ =	shalt  }
0x7c: {  	_ =	shalt  }
0x7d: {  	_ =	shalt  }
0x7e: {  	_ =	shalt  }
0x7f: {  	_ =	shalt  }
0x80: {  	_ =	shalt  }
0x81: {  	_ =	shalt  }
0x82: {  	_ =	shalt  }
0x83: {  	_ =	shalt  }
0x84: {  	_ =	shalt  }
0x85: {  	_ =	shalt  }
0x86: {  	_ =	shalt  }
0x87: {  	_ =	shalt  }
.Lfunc_end0:
.L_simem_size_0:
called_computation_lowered:
.L_overlay_start_0:
0x88: {  	s2 =	sld [smem:$0x3FD9]  }
0x89: {  	s3 =	sld [smem:$0x3FFE];
	_ =	sdelay $0x1  }
0x8a: {  	s1 =	srdreg.scid  }
0x8b: {  	s0 =	sand.u32 $0x1, s1  }
0x8c: {  	s17 =	sshll.u32 s0, $0xA;
	s2 =	sadd.s32 s3, s2  }
0x8d: {  	s2 =	sadd.s32 s2, s17  }
0x8e: {  	[smem:$0x3FC5] =	sst s2  }
0x8f: {  	_ = 	snop  }
0x90: {  	s2 =	sld [smem:$0x3FC9]  }
0x91: {  	s18 =	sld [smem:$0x3FC8]  }
0x92: {  	s4 =	sld [smem:$0x3FD0];
	(tm) =	ssettm $0x1  }
0x93: {  	s5 =	sld [smem:$0x3FFB];
	_ =	sdelay $0x3  }
0x94: {  	_ =	strace s5  }
0x95: {  	s5 =	sld [smem:$0x3FFC];
	_ =	sdelay $0x3  }
0x96: {  	_ =	strace s5  }
0x97: {  	s5 =	sld [smem:$0x3FFD];
	_ =	sdelay $0x3  }
0x98: {  	_ =	strace s5  }
0x99: {  	_ =	strace $0x8FFFFFFF  }
0x9a: {  	s19 =	sld [smem:$0x3FDB];
	_ =	sdelay $0x1  }
0x9b: {  	s6 =	simm.s32 $_scs_section_size  }
0x9c: {  	s7 =	simm.s32 $_size__tile_overlayer_lowered;
	s8 =	simm.s32 $_tile_overlayer_lowered  }
0x9d: {  	s22 =	simm.s32 $0x1BFF;
	s21 =	sshll.u32 s8, $0x1;
	s5 =	sadd.s32 s6, s19  }
0x9e: {  	s9 =	simm.s32 $0x0;
	s20 =	sshll.u32 s7, $0x1;
	s7 =	sadd.s32 s21, s5  }
0x9f: {  	[timem:s9], [sflag:s22] =	dma.local [hbm:s7], s20  }
0xa0: {  	_ =	swait.ge [sflag:s22], s20  }
0xa1: {  	s6 =	ssub.s32 $0x0, s20;
	[sflag:s22] =	ssyncset.done $0x0  }
0xa2: {  	[sflag:s22] =	ssyncadd.s32 s6;
	_ =	sdelay $0x1  }
0xa3: {  	s23 =	simm.s32 $0x1B8B  }
0xa4: {  	_ =	swait.ge [sflag:s23], $0x1  }
0xa5: {  	[sflag:s23] =	ssyncset.done $0x0  }
0xa6: {  	s25 =	simm.s32 $0x1B8E;
	s24 =	sld [smem:$0x3FFE];
	[sflag:s23] =	ssyncadd.s32 $0xFFFFFFFF  }
0xa7: {  	s26 =	simm.s32 $execute0_lowered;
	[smem:$0x3FD2] =	sst s25  }
0xa8: {  	s7 =	sshll.u32 s26, $0x1;
	_ =	strace $0x80000046;
	[dreg:$0x1] =	wrdreg $0xFFFFFFFF  }
0xa9: {  	s28 =	simm.s32 $_size_execute0_lowered;
	s5 =	sadd.s32 s5, s7;
	[dreg:$0x0] =	wrdreg $0x0  }
0xaa: {  	s7 =	sshll.u32 s28, $0x1;
	[dreg:$0x2] =	wrdreg s5  }
0xab: {  	[dreg:$0x3] =	wrdreg s7  }
0xac: {  	[dreg:$0x4] =	wrdreg $0xC0  }
0xad: {  	_ =	task [dreg:s9], $0x5FFFF  }
0xae: {  	[dreg:$0x1] =	wrdreg $0xFFFFFFFF  }
0xaf: {  	[dreg:$0x0] =	wrdreg $0x60  }
0xb0: {  	[dreg:$0x2] =	wrdreg s2  }
0xb1: {  	[dreg:$0x3] =	wrdreg s18  }
0xb2: {  	[dreg:$0x4] =	wrdreg s24  }
0xb3: {  	[dreg:$0x5] =	wrdreg s4  }
0xb4: {  	[dreg:$0x6] =	wrdreg $0x140000  }
0xb5: {  	[dreg:$0x7] =	wrdreg $0x9  }
0xb6: {  	_ =	task.clear_ibuf [dreg:s9], $0x8FFFF;
	_ =	strace $0x90000046  }
0xb7: {  	s29 =	simm.s32 $0x9;
	_ =	strace $0x80000048  }
0xb8: {  	_ =	swait.ge [sflag:s29], $0x1  }
0xb9: {  	[sflag:s29] =	ssyncadd.s32 $0xFFFFFFFF  }
0xba: {  	_ =	strace $0x90000048  }
0xbb: {  	_ =	sfence  }
0xbc: {  	s30 =	sld [smem:$0x0];
	_ =	sdelay $0x2  }
0xbd: {  	s31 =	sshll.u32 s1, $0xD;
	s1 =	sshrl.u32 s1, $0x2  }
0xbe: {  	s3 =	sand.u32 $0x4000, s31;
	s1 =	sadd.s32 s1, s30  }
0xbf: {  	s0 =	sor.u32 s3, s0;
	s1 =	sshll.u32 s1, $0x11  }
0xc0: {  	s0 =	sor.u32 s1, s0  }
0xc1: {  	s0 =	sadd.s32 $0x8F2B, s0  }
0xc2: {  	[sflag:s0] =	ssyncadd.remote.s32 $0x1  }
0xc3: {  	_ =	sfence.sel $0xFFFF  }
0xc4: {  	[dreg:$0x0] =	wrdreg $0xFFFFFFFF;
	(pc) =	sbr.abs _section_cstart, $3  }
0xc5: {  	[dreg:$0x1] =	wrdreg $0xFFFFFFFF  }
0xc6: {  	_ =	task.clear_ibuf [dreg:s9], $0x2FFFF;
	_ =	strace $0x9FFFFFFF  }
0xc7: {  	(tm) =	ssettm $0x7FFFFFFF  }
tec
execute0_lowered:
.L_overlay_start_1:
0x0: {  	(tag) =	ssettag $0x1  }
0x1: {  	s0 =	rddreg [dreg:$0x0]  }
0x2: {  	s1 =	rddreg [dreg:$0x1]  }
0x3: {  	s6 =	rddreg [dreg:$0x2];
	s3 =	srdreg.scid  }
0x4: {  	s7 =	stileid.u32;
	s2 =	rddreg [dreg:$0x3]  }
0x5: {  	s16 =	simm.s32 $0x28;
	s28 =	simm.s32 $0x2;
	s29 =	simm.s32 $0x5  }
0x6: {  	s18 =	simm.s32 $0x3;
	s8 =	sand.u32 $0x1, s3;
	s4 =	sshll.u32 s7, $0x1  }
0x7: {  	s21 =	simm.s32 $0x6;
	s3 =	rddreg [dreg:$0x4];
	s9 =	sor.u32 s8, s4  }
0x8: {  	s6 =	sadd.s32 $0x400, s6;
	p0 =	sne.s32 s7, $0x0;
	s5 =	smul.u32 $0x1388, s9  }
0x9: {  	s4 =	simm.s32 $0x0;
	s8 =	ssub.s32 $0x2, s8;
	s10 =	smul.u32 $0x138800, s9  }
0xa: {  	[smem:$0x7FF] =	sst s4;
	s24 =	sshrl.u32 s8, $0x1;
	s9 =	smul.u32 $0x27100, s9  }
0xb: {  	_ =	strace $0x80000047;
	[dreg:$0x6] =	wrdreg s6;
	s6 =	ssub.s32 s8, s24  }
0xc: {  	s11 =	sshrl.u32 s5, $0x3;
	s10 =	sshrl.u32 s10, $0x3;
	s26 =	sadd.s32 s0, s9  }
0xd: {  	s31 =	smax.u32 s6, $0x1;
	s1 =	sadd.s32 s1, s11;
	[dreg:$0x8] =	wrdreg s26  }
.Ltmp0:
0xe: {  	s25 =	sadd.s32 s0, s10;
	[dreg:$0xb] =	wrdreg s31;
	(pc) =	sbr.rel .LBB2_1-.Ltmp0, $4  }
0xf: {  	s7 =	simm.s32 $0x0;
	[dreg:$0x7] =	wrdreg s1;
	s30 =	sadd.s32 $0x500, s25  }
0x10: {  	s24 =	simm.s32 $0x1;
	s1 =	sadd.s32 $0xA00, s25;
	[dreg:$0x9] =	wrdreg s30  }
0x11: {  	s12 =	sadd.s32 $0x50, s5;
	[dreg:$0xa] =	wrdreg s1;
	s1 =	sshrl.u32 @!p0 s3, $0x3  }
0x12: {  	s11 =	sadd.s32 $0x28, s5;
	s25 =	simm.s32 $0x4;
	[dreg:$0xc] =	wrdreg s1  }
.LBB2_10:
0x13: {  	s1 =	simm.s32 $0x7  }
0x14: {  	_ =	swait.ge [sflag:s1], $0x2800  }
0x15: {  	[sflag:s1] =	ssyncset.done $0x0  }
0x16: {  	s30 =	simm.s32 $0x8;
	[sflag:s1] =	ssyncadd.s32 $0xFFFFD800  }
0x17: {  	_ =	swait.ge [sflag:s30], $0x2800  }
0x18: {  	[sflag:s30] =	ssyncset.done $0x0  }
0x19: {  	s6 =	simm.s32 $0x9;
	[sflag:s30] =	ssyncadd.s32 $0xFFFFD800  }
0x1a: {  	_ =	swait.ge [sflag:s6], $0x2800  }
0x1b: {  	s7 =	rddreg [dreg:$0xd]  }
0x1c: {  	s31 =	rddreg [dreg:$0xb];
	s7 =	sadd.s32 $0x1, s7  }
0x1d: {  	p1 =	sne.s32 s7, s31  }
.Ltmp1:
0x1e: {  	_ = 	snop;
	(pc) =	sbr.rel @!p1 .LBB2_11-.Ltmp1, $3  }
0x1f: {  	_ =	sdelay $0x1  }
0x20: {  	[sflag:s6] =	ssyncset.done $0x0  }
0x21: {  	[sflag:s6] =	ssyncadd.s32 $0xFFFFD800  }
.LBB2_1:
0x22: {  	[dreg:$0xd] =	wrdreg s7  }
0x23: {  	s6 =	rddreg [dreg:$0x6]  }
0x24: {  	s1 =	simm.s32 @!p0 $0x1C0A;
	s7 =	rddreg [dreg:$0xc]  }
0x25: {  	[spmem:s7], [sflag:s1] =	dma.local @!p0 [hbm:s6], $0x3E80  }
0x26: {  	s1 =	simm.s32 @!p0 $0xA  }
0x27: {  	_ =	swait.ge @!p0 [sflag:s1], $0x3E80  }
0x28: {  	[sflag:s1] =	ssyncset.done @!p0 $0x0  }
0x29: {  	s13 =	simm.s32 $0xA;
	s10 =	rddreg [dreg:$0x7];
	[sflag:s1] =	ssyncadd.s32 @!p0 $0xFFFFC180  }
0x2a: {  	[tilespmem:s4], [sflag:$0xA] =	stream.linear.gather [hbm4b:s10+s4], $0x1388, $0x38;
	[tilespmem:$0x15F40] =	vst v63  }
0x2b: {  	_ =	swait.ge [sflag:s13], $0x1388  }
0x2c: {  	[sflag:s13] =	ssyncset.done $0x0  }
0x2d: {  	[sflag:s13] =	ssyncadd.s32 $0xFFFFEC78  }
0x2e: {  	s14 =	simm.s32 $0x1400;
	[bflag:$0x0] =	sbarrier.arrive $0xFFFF  }
0x2f: {  	[tilespmem:s14], [sflag:$0x1] =	stream.indirect.gather [spmem:s3], $0x80, s4, s16, $0xb8;
	[tilespmem:$0x15F40] =	vst v63  }
0x30: {  	s17 =	simm.s32 $0x5000;
	s15 =	rddreg [dreg:$0x8]  }
0x31: {  	[tilespmem:s17], [sflag:$0x4] =	stream.linear.gather [hbm4b:s15+s4], $0x2800, $0x38;
	[tilespmem:$0x15F40] =	vst v63  }
0x32: {  	s19 =	simm.s32 $0x2800  }
0x33: {  	[tilespmem:s19], [sflag:$0x2] =	stream.indirect.gather [spmem:s3], $0x80, s16, s16, $0xb8;
	[tilespmem:$0x15F40] =	vst v63  }
0x34: {  	s22 =	simm.s32 $0x7800;
	s20 =	rddreg [dreg:$0x9]  }
0x35: {  	[tilespmem:s22], [sflag:$0x5] =	stream.linear.gather [hbm4b:s20+s4], $0x2800, $0x38;
	[tilespmem:$0x15F40] =	vst v63  }
0x36: {  	s23 =	simm.s32 $0x50;
	s26 =	simm.s32 $0x3C00  }
0x37: {  	[tilespmem:s26], [sflag:$0x3] =	stream.indirect.gather [spmem:s3], $0x80, s23, s16, $0xb8;
	[tilespmem:$0x15F40] =	vst v63  }
0x38: {  	s31 =	simm.s32 $0xA000;
	s6 =	simm.s32 $0x0;
	s30 =	rddreg [dreg:$0xa]  }
0x39: {  	[tilespmem:s31], [sflag:$0x6] =	stream.linear.gather [hbm4b:s30+s4], $0x2800, $0x38;
	[tilespmem:$0x15F40] =	vst v63  }
.LBB2_2:
0x3a: {  	_ =	swait.ge [sflag:s24], $0x1400  }
0x3b: {  	[sflag:s24] =	ssyncset.done $0x0  }
0x3c: {  	[sflag:s24] =	ssyncadd.s32 $0xFFFFEC00  }
0x3d: {  	_ =	swait.ge [sflag:s25], $0x2800  }
0x3e: {  	p1 =	seq.s32 s6, $0x0;
	[sflag:s25] =	ssyncset.done $0x0  }
0x3f: {  	s1 =	simm.s32 @!p1 $0x7;
	[sflag:s25] =	ssyncadd.s32 $0xFFFFD800  }
0x40: {  	s8 =	simm.s32 $0x0;
	_ =	swait.ge @!p1 [sflag:s1], $0x2800  }
0x41: {  	s22 =	simm.s32 $0x80;
	s7 =	simm.s32 $0x1480;
	[sflag:s1] =	ssyncset.done @!p1 $0x0  }
0x42: {  	s9 =	sand.u32 $0x3800, s8;
	[sflag:s1] =	ssyncadd.s32 @!p1 $0xFFFFD800;
	s1 =	sand.u32 $0x380, s22  }
0x43: {  	v0 =	vld [tilespmem:s7+$0x0];
	s1 =	sor.u32 s9, s1  }
0x44: {  	v1 =	vld [tilespmem:s1+$0x5000]  }
0x45: {  	v2 =	vld [tilespmem:s1+$0x5010];
	_ =	sdelay $0x1  }
0x46: {  	s8 =	sand.u32 $0x300, s8  }
0x47: {  	s8 =	sor.u32 s8, s9;
	v3 =	vld [tilespmem:s7+$0xFFFFFF80];
	v4 =	vshll.u32 v0, $0x10  }
0x48: {  	v5 =	vld [tilespmem:s8+$0x5000];
	v0 =	vand.u32 $0xFFFF0000, v0;
	v1 =	vadd.f32 v4, v1  }
0x49: {  	v4 =	vld [tilespmem:s8+$0x5010];
	v0 =	vadd.f32 v0, v2  }
0x4a: {  	[tilespmem:s1+$0xC800] =	vst v1  }
0x4b: {  	[tilespmem:s1+$0xC810] =	vst v0  }
0x4c: {  	v0 =	vshll.u32 v3, $0x10;
	v2 =	vld [tilespmem:s7+$0x10]  }
0x4d: {  	v6 =	vld [tilespmem:s1+$0x5020];
	v3 =	vand.u32 $0xFFFF0000, v3;
	v0 =	vadd.f32 v0, v5  }
0x4e: {  	v5 =	vld [tilespmem:s1+$0x5030];
	v3 =	vadd.f32 v3, v4  }
0x4f: {  	[tilespmem:s8+$0xC800] =	vst v0  }
0x50: {  	[tilespmem:s8+$0xC810] =	vst v3  }
0x51: {  	v0 =	vld [tilespmem:s7+$0xFFFFFF90];
	v3 =	vshll.u32 v2, $0x10  }
0x52: {  	v1 =	vld [tilespmem:s8+$0x5020];
	v2 =	vand.u32 $0xFFFF0000, v2;
	v3 =	vadd.f32 v3, v6  }
0x53: {  	v4 =	vld [tilespmem:s8+$0x5030];
	v2 =	vadd.f32 v2, v5  }
0x54: {  	[tilespmem:s1+$0xC820] =	vst v3  }
0x55: {  	[tilespmem:s1+$0xC830] =	vst v2  }
0x56: {  	v6 =	vld [tilespmem:s7+$0x20];
	v2 =	vshll.u32 v0, $0x10  }
0x57: {  	v7 =	vld [tilespmem:s1+$0x5040];
	v0 =	vand.u32 $0xFFFF0000, v0;
	v1 =	vadd.f32 v2, v1  }
0x58: {  	v0 =	vadd.f32 v0, v4;
	v2 =	vld [tilespmem:s1+$0x5050]  }
0x59: {  	[tilespmem:s8+$0xC820] =	vst v1  }
0x5a: {  	[tilespmem:s8+$0xC830] =	vst v0  }
0x5b: {  	v0 =	vld [tilespmem:s7+$0xFFFFFFA0];
	v1 =	vshll.u32 v6, $0x10  }
0x5c: {  	v5 =	vld [tilespmem:s8+$0x5040];
	v4 =	vand.u32 $0xFFFF0000, v6;
	v1 =	vadd.f32 v1, v7  }
0x5d: {  	v8 =	vld [tilespmem:s8+$0x5060];
	v2 =	vadd.f32 v4, v2  }
0x5e: {  	v3 =	vld [tilespmem:s8+$0x5050];
	[tilespmem:s1+$0xC840] =	vst v1  }
0x5f: {  	v10 =	vld [tilespmem:s8+$0x5400];
	[tilespmem:s1+$0xC850] =	vst v2  }
0x60: {  	v2 =	vshll.u32 v0, $0x10;
	v4 =	vld [tilespmem:s7+$0x30]  }
0x61: {  	s10 =	simm.s32 $0x200;
	v2 =	vadd.f32 v2, v5;
	v5 =	vld [tilespmem:s1+$0x5060]  }
0x62: {  	s13 =	sand.u32 $0x3800, s10;
	s10 =	simm.s32 $0x1580;
	v7 =	vld [tilespmem:s1+$0x5070];
	v0 =	vand.u32 $0xFFFF0000, v0  }
0x63: {  	s31 =	simm.s32 $0x1680;
	v12 =	vld [tilespmem:s10+$0xFFFFFF80];
	v3 =	vadd.f32 v0, v3  }
0x64: {  	v23 =	vld [tilespmem:s31+$0xFFFFFF80];
	[tilespmem:s8+$0xC840] =	vst v2  }
0x65: {  	v11 =	vld [tilespmem:s1+$0x5400];
	[tilespmem:s8+$0xC850] =	vst v3;
	v2 =	vshll.u32 v4, $0x10  }
0x66: {  	v9 =	vld [tilespmem:s7+$0xFFFFFFB0];
	v3 =	vand.u32 $0xFFFF0000, v4;
	v2 =	vadd.f32 v2, v5  }
0x67: {  	v15 =	vld [tilespmem:s1+$0x5430];
	v5 =	vadd.f32 v3, v7  }
0x68: {  	s23 =	simm.s32 $0x180;
	v6 =	vld [tilespmem:s8+$0x5070];
	[tilespmem:s1+$0xC860] =	vst v2  }
0x69: {  	s9 =	sand.u32 $0x380, s23;
	v18 =	vld [tilespmem:s1+$0x5450];
	[tilespmem:s1+$0xC870] =	vst v5  }
0x6a: {  	s17 =	sor.u32 s13, s9;
	v2 =	vld [tilespmem:s7+$0x40]  }
0x6b: {  	v21 =	vld [tilespmem:s17+$0x5430];
	v5 =	vshll.u32 v9, $0x10  }
0x6c: {  	s26 =	simm.s32 $0x100;
	v9 =	vand.u32 $0xFFFF0000, v9;
	v5 =	vadd.f32 v5, v8;
	v8 =	vld [tilespmem:s1+$0x5410]  }
0x6d: {  	s9 =	sand.u32 $0x300, s26;
	v48 =	vld [tilespmem:s17+$0x5450];
	v6 =	vadd.f32 v9, v6  }
0x6e: {  	s9 =	sor.u32 s9, s13;
	v56 =	vld [tilespmem:s17+$0x5470]  }
0x6f: {  	v14 =	vld [tilespmem:s9+$0x5000];
	[tilespmem:s8+$0xC870] =	vst v6;
	v6 =	vshll.u32 v2, $0x10  }
0x70: {  	v9 =	vld [tilespmem:s10+$0x0];
	v2 =	vand.u32 $0xFFFF0000, v2;
	v6 =	vadd.f32 v6, v11  }
0x71: {  	v2 =	vadd.f32 v2, v8;
	v8 =	vld [tilespmem:s17+$0x5000]  }
0x72: {  	[tilespmem:s1+$0xCC00] =	vst v6;
	v6 =	vld [tilespmem:s17+$0x5010]  }
0x73: {  	v17 =	vld [tilespmem:s9+$0x5050];
	[tilespmem:s1+$0xCC10] =	vst v2  }
0x74: {  	v2 =	vld [tilespmem:s7+$0x50]  }
0x75: {  	v11 =	vld [tilespmem:s1+$0x5420];
	v13 =	vshll.u32 v9, $0x10  }
0x76: {  	s30 =	simm.s32 $0x280;
	s15 =	simm.s32 $0x400;
	s22 =	simm.s32 $0x200;
	v19 =	vld [tilespmem:s9+$0x5060];
	v9 =	vand.u32 $0xFFFF0000, v9;
	v8 =	vadd.f32 v13, v8  }
0x77: {  	s14 =	sand.u32 $0x3800, s15;
	s22 =	sand.u32 $0x300, s22;
	s13 =	sand.u32 $0x380, s30;
	v13 =	vld [tilespmem:s9+$0x5010];
	v6 =	vadd.f32 v9, v6  }
0x78: {  	v20 =	vld [tilespmem:s9+$0x5070];
	s13 =	sor.u32 s14, s13;
	s14 =	sor.u32 s22, s14;
	[tilespmem:s17+$0xC800] =	vst v8  }
0x79: {  	v44 =	vld [tilespmem:s14+$0x5000];
	v9 =	vshll.u32 v2, $0x10;
	[tilespmem:s17+$0xC810] =	vst v6  }
0x7a: {  	v9 =	vadd.f32 v9, v11;
	v6 =	vshll.u32 v12, $0x10;
	v11 =	vand.u32 $0xFFFF0000, v12;
	v12 =	vld [tilespmem:s10+$0x10]  }
0x7b: {  	v6 =	vadd.f32 v6, v14;
	v14 =	vld [tilespmem:s17+$0x5020]  }
0x7c: {  	v2 =	vand.u32 $0xFFFF0000, v2;
	v11 =	vadd.f32 v11, v13;
	v13 =	vld [tilespmem:s17+$0x5030]  }
0x7d: {  	v47 =	vld [tilespmem:s13+$0x5030];
	v2 =	vadd.f32 v2, v15;
	[tilespmem:s9+$0xC800] =	vst v6  }
0x7e: {  	v50 =	vld [tilespmem:s14+$0x5030];
	[tilespmem:s9+$0xC810] =	vst v11  }
0x7f: {  	[tilespmem:s1+$0xCC30] =	vst v2;
	v2 =	vld [tilespmem:s10+$0xFFFFFF90];
	v11 =	vshll.u32 v12, $0x10  }
0x80: {  	v8 =	vld [tilespmem:s9+$0x5020];
	v12 =	vand.u32 $0xFFFF0000, v12;
	v11 =	vadd.f32 v11, v14  }
0x81: {  	[tilespmem:s8+$0xC860] =	vst v5;
	v15 =	vld [tilespmem:s9+$0x5030];
	v12 =	vadd.f32 v12, v13  }
0x82: {  	v16 =	vld [tilespmem:s7+$0xFFFFFFC0];
	[tilespmem:s17+$0xC820] =	vst v11  }
0x83: {  	v1 =	vld [tilespmem:s8+$0x5410];
	[tilespmem:s17+$0xC830] =	vst v12  }
0x84: {  	v11 =	vshll.u32 v2, $0x10;
	v12 =	vld [tilespmem:s10+$0x20]  }
0x85: {  	v2 =	vand.u32 $0xFFFF0000, v2;
	v8 =	vadd.f32 v11, v8;
	v11 =	vld [tilespmem:s17+$0x5040]  }
0x86: {  	[tilespmem:s1+$0xCC20] =	vst v9;
	v2 =	vadd.f32 v2, v15;
	v15 =	vld [tilespmem:s17+$0x5050]  }
0x87: {  	v51 =	vld [tilespmem:s14+$0x5040];
	[tilespmem:s9+$0xC820] =	vst v8;
	v8 =	vshll.u32 v16, $0x10  }
0x88: {  	v6 =	vld [tilespmem:s7+$0x60];
	[tilespmem:s9+$0xC830] =	vst v2;
	v2 =	vand.u32 $0xFFFF0000, v16;
	v8 =	vadd.f32 v8, v10  }
0x89: {  	v16 =	vld [tilespmem:s10+$0xFFFFFFA0];
	v1 =	vadd.f32 v2, v1;
	v2 =	vshll.u32 v12, $0x10  }
0x8a: {  	v13 =	vld [tilespmem:s9+$0x5040];
	[tilespmem:s8+$0xCC00] =	vst v8;
	v8 =	vand.u32 $0xFFFF0000, v12;
	v2 =	vadd.f32 v2, v11  }
0x8b: {  	v14 =	vld [tilespmem:s1+$0x5440];
	[tilespmem:s8+$0xCC10] =	vst v1;
	v1 =	vadd.f32 v8, v15  }
0x8c: {  	v52 =	vld [tilespmem:s13+$0x5040];
	[tilespmem:s17+$0xC840] =	vst v2  }
0x8d: {  	v55 =	vld [tilespmem:s13+$0x5050];
	[tilespmem:s17+$0xC850] =	vst v1  }
0x8e: {  	v1 =	vshll.u32 v16, $0x10;
	v15 =	vld [tilespmem:s10+$0x30]  }
0x8f: {  	v8 =	vshll.u32 v6, $0x10;
	v12 =	vand.u32 $0xFFFF0000, v16;
	v1 =	vadd.f32 v1, v13;
	v13 =	vld [tilespmem:s17+$0x5060]  }
0x90: {  	v6 =	vand.u32 $0xFFFF0000, v6;
	v8 =	vadd.f32 v8, v14;
	v14 =	vld [tilespmem:s17+$0x5070];
	v12 =	vadd.f32 v12, v17  }
0x91: {  	v2 =	vld [tilespmem:s7+$0xFFFFFFD0];
	[tilespmem:s9+$0xC840] =	vst v1;
	v1 =	vadd.f32 v6, v18  }
0x92: {  	v0 =	vld [tilespmem:s8+$0x5420];
	[tilespmem:s9+$0xC850] =	vst v12  }
0x93: {  	v3 =	vld [tilespmem:s8+$0x5430];
	[tilespmem:s1+$0xCC50] =	vst v1;
	v1 =	vshll.u32 v15, $0x10  }
0x94: {  	v16 =	vld [tilespmem:s10+$0xFFFFFFB0];
	v15 =	vand.u32 $0xFFFF0000, v15;
	v17 =	vadd.f32 v1, v13  }
0x95: {  	v26 =	vld [tilespmem:s14+$0x5070];
	v14 =	vadd.f32 v15, v14  }
0x96: {  	v61 =	vld [tilespmem:s13+$0x5060];
	v15 =	vshll.u32 v2, $0x10;
	[tilespmem:s17+$0xC860] =	vst v17  }
0x97: {  	v4 =	vld [tilespmem:s8+$0x5440];
	v0 =	vadd.f32 v15, v0;
	v17 =	vand.u32 $0xFFFF0000, v2;
	[tilespmem:s17+$0xC870] =	vst v14  }
0x98: {  	v3 =	vadd.f32 v17, v3;
	v15 =	vld [tilespmem:s10+$0x40]  }
0x99: {  	v14 =	vshll.u32 v16, $0x10;
	[tilespmem:s8+$0xCC20] =	vst v0;
	v0 =	vand.u32 $0xFFFF0000, v16;
	v16 =	vld [tilespmem:s17+$0x5400]  }
0x9a: {  	[tilespmem:s8+$0xCC30] =	vst v3;
	v3 =	vld [tilespmem:s17+$0x5410]  }
0x9b: {  	v7 =	vld [tilespmem:s8+$0x5450]  }
0x9c: {  	v5 =	vld [tilespmem:s8+$0x5460]  }
0x9d: {  	v9 =	vld [tilespmem:s8+$0x5470];
	v18 =	vshll.u32 v15, $0x10  }
0x9e: {  	v10 =	vld [tilespmem:s9+$0x5400];
	v15 =	vand.u32 $0xFFFF0000, v15;
	v16 =	vadd.f32 v18, v16  }
0x9f: {  	v18 =	vld [tilespmem:s31+$0x0];
	v3 =	vadd.f32 v15, v3  }
0xa0: {  	v15 =	vld [tilespmem:s13+$0x5000];
	[tilespmem:s17+$0xCC00] =	vst v16  }
0xa1: {  	v16 =	vld [tilespmem:s13+$0x5010];
	[tilespmem:s17+$0xCC10] =	vst v3  }
0xa2: {  	v3 =	vld [tilespmem:s10+$0x50]  }
0xa3: {  	v0 =	vadd.f32 v0, v20;
	v20 =	vld [tilespmem:s17+$0x5420]  }
0xa4: {  	v11 =	vld [tilespmem:s9+$0x5410];
	v22 =	vshll.u32 v18, $0x10  }
0xa5: {  	[tilespmem:s1+$0xCC40] =	vst v8;
	v8 =	vld [tilespmem:s9+$0x5420];
	v18 =	vand.u32 $0xFFFF0000, v18;
	v15 =	vadd.f32 v22, v15  }
0xa6: {  	v6 =	vld [tilespmem:s1+$0x5460];
	v16 =	vadd.f32 v18, v16  }
0xa7: {  	v18 =	vld [tilespmem:s14+$0x5010];
	[tilespmem:s13+$0xC800] =	vst v15;
	v24 =	vshll.u32 v3, $0x10  }
0xa8: {  	v12 =	vld [tilespmem:s7+$0x70];
	v3 =	vand.u32 $0xFFFF0000, v3;
	[tilespmem:s13+$0xC810] =	vst v16;
	v20 =	vadd.f32 v24, v20  }
0xa9: {  	v3 =	vadd.f32 v3, v21;
	v46 =	vld [tilespmem:s31+$0x10]  }
0xaa: {  	v45 =	vshll.u32 v23, $0x10;
	v14 =	vadd.f32 v14, v19;
	v16 =	vld [tilespmem:s13+$0x5020];
	[tilespmem:s17+$0xCC20] =	vst v20  }
0xab: {  	v17 =	vld [tilespmem:s1+$0x5470];
	v21 =	vadd.f32 v45, v44;
	v20 =	vand.u32 $0xFFFF0000, v23;
	[tilespmem:s17+$0xCC30] =	vst v3  }
0xac: {  	[tilespmem:s9+$0xC860] =	vst v14;
	v3 =	vadd.f32 v20, v18;
	v18 =	vld [tilespmem:s10+$0x60]  }
0xad: {  	v59 =	vand.u32 $0xFFFF0000, v12;
	v12 =	vshll.u32 v12, $0x10;
	[tilespmem:s14+$0xC800] =	vst v21;
	v20 =	vld [tilespmem:s17+$0x5440]  }
0xae: {  	v12 =	vadd.f32 v12, v6;
	v14 =	vld [tilespmem:s7+$0xFFFFFFE0];
	[tilespmem:s14+$0xC810] =	vst v3;
	v25 =	vshll.u32 v46, $0x10  }
0xaf: {  	[tilespmem:s9+$0xC870] =	vst v0;
	v49 =	vld [tilespmem:s31+$0xFFFFFF90];
	v16 =	vadd.f32 v25, v16  }
0xb0: {  	[tilespmem:s1+$0xCC60] =	vst v12;
	v17 =	vadd.f32 v59, v17;
	v15 =	vld [tilespmem:s14+$0x5020];
	v24 =	vand.u32 $0xFFFF0000, v46  }
0xb1: {  	v13 =	vld [tilespmem:s9+$0x5430];
	v22 =	vadd.f32 v24, v47;
	[tilespmem:s13+$0xC820] =	vst v16;
	v16 =	vshll.u32 v18, $0x10  }
0xb2: {  	v1 =	vld [tilespmem:s9+$0x5440];
	[tilespmem:s1+$0xCC70] =	vst v17;
	v16 =	vadd.f32 v16, v20  }
0xb3: {  	v19 =	vld [tilespmem:s10+$0xFFFFFFC0];
	v17 =	vshll.u32 v14, $0x10;
	v14 =	vand.u32 $0xFFFF0000, v14;
	[tilespmem:s13+$0xC830] =	vst v22  }
0xb4: {  	v12 =	vadd.f32 v14, v7;
	v53 =	vshll.u32 v49, $0x10;
	[tilespmem:s17+$0xCC40] =	vst v16;
	v16 =	vld [tilespmem:s31+$0x20]  }
0xb5: {  	v2 =	vld [tilespmem:s9+$0x5450];
	v23 =	vand.u32 $0xFFFF0000, v49;
	v15 =	vadd.f32 v53, v15  }
0xb6: {  	v6 =	vld [tilespmem:s14+$0x5420];
	[tilespmem:s8+$0xCC50] =	vst v12;
	v54 =	vadd.f32 v23, v50  }
0xb7: {  	v0 =	vld [tilespmem:s9+$0x5460];
	[tilespmem:s14+$0xC820] =	vst v15  }
0xb8: {  	v12 =	vld [tilespmem:s14+$0x5440];
	v18 =	vand.u32 $0xFFFF0000, v18;
	v15 =	vshll.u32 v19, $0x10;
	[tilespmem:s14+$0xC830] =	vst v54  }
0xb9: {  	v18 =	vadd.f32 v18, v48;
	v10 =	vadd.f32 v15, v10;
	v15 =	vld [tilespmem:s31+$0xFFFFFFA0];
	v57 =	vshll.u32 v16, $0x10  }
0xba: {  	v3 =	vld [tilespmem:s9+$0x5470];
	v16 =	vand.u32 $0xFFFF0000, v16;
	v21 =	vadd.f32 v57, v52  }
0xbb: {  	v20 =	vld [tilespmem:s14+$0x5050];
	[tilespmem:s17+$0xCC50] =	vst v18;
	v16 =	vadd.f32 v16, v55  }
0xbc: {  	v18 =	vld [tilespmem:s10+$0x70];
	v19 =	vand.u32 $0xFFFF0000, v19;
	[tilespmem:s13+$0xC840] =	vst v21  }
0xbd: {  	v11 =	vadd.f32 v19, v11;
	v19 =	vld [tilespmem:s14+$0x5060];
	[tilespmem:s13+$0xC850] =	vst v16  }
0xbe: {  	v58 =	vshll.u32 v15, $0x10;
	v60 =	vld [tilespmem:s31+$0x30]  }
0xbf: {  	[tilespmem:s9+$0xCC00] =	vst v10;
	v10 =	vld [tilespmem:s14+$0x5400];
	v15 =	vand.u32 $0xFFFF0000, v15;
	v21 =	vadd.f32 v58, v51  }
0xc0: {  	[tilespmem:s9+$0xCC10] =	vst v11;
	v15 =	vadd.f32 v15, v20;
	v20 =	vld [tilespmem:s13+$0x5070]  }
0xc1: {  	v16 =	vld [tilespmem:s10+$0xFFFFFFD0];
	[tilespmem:s14+$0xC840] =	vst v21  }
0xc2: {  	v4 =	vadd.f32 v17, v4;
	v11 =	vld [tilespmem:s14+$0x5410];
	[tilespmem:s14+$0xC850] =	vst v15  }
0xc3: {  	v17 =	vld [tilespmem:s31+$0xFFFFFFB0];
	v7 =	vshll.u32 v60, $0x10  }
0xc4: {  	[tilespmem:s8+$0xCC40] =	vst v4;
	v15 =	vld [tilespmem:s17+$0x5460];
	v14 =	vand.u32 $0xFFFF0000, v60;
	v4 =	vadd.f32 v7, v61  }
0xc5: {  	v62 =	vand.u32 $0xFFFF0000, v18;
	v7 =	vld [tilespmem:s14+$0x5430];
	v20 =	vadd.f32 v14, v20  }
0xc6: {  	v21 =	vadd.f32 v62, v56;
	v63 =	vshll.u32 v16, $0x10;
	v14 =	vld [tilespmem:s14+$0x5450];
	[tilespmem:s13+$0xC860] =	vst v4  }
0xc7: {  	v4 =	vadd.f32 v63, v8;
	v8 =	vand.u32 $0xFFFF0000, v16;
	[tilespmem:s13+$0xC870] =	vst v20;
	v20 =	vld [tilespmem:s7+$0xFFFFFFF0]  }
0xc8: {  	[tilespmem:s17+$0xCC70] =	vst v21;
	v13 =	vadd.f32 v8, v13;
	v8 =	vld [tilespmem:s13+$0x5460];
	v16 =	vshll.u32 v17, $0x10  }
0xc9: {  	[tilespmem:s9+$0xCC20] =	vst v4;
	v4 =	vand.u32 $0xFFFF0000, v17;
	v19 =	vadd.f32 v16, v19;
	v16 =	vld [tilespmem:s31+$0x40]  }
0xca: {  	v17 =	vshll.u32 v18, $0x10;
	v18 =	vld [tilespmem:s13+$0x5400];
	[tilespmem:s9+$0xCC30] =	vst v13;
	v4 =	vadd.f32 v4, v26  }
0xcb: {  	s7 =	smul.u32 $0x78, s6;
	v15 =	vadd.f32 v17, v15;
	v17 =	vld [tilespmem:s13+$0x5410];
	[tilespmem:s14+$0xC860] =	vst v19  }
0xcc: {  	s23 =	simm.s32 $0x4;
	v13 =	vld [tilespmem:s10+$0xFFFFFFE0];
	v19 =	vshll.u32 v20, $0x10;
	v20 =	vand.u32 $0xFFFF0000, v20;
	[tilespmem:s14+$0xC870] =	vst v4  }
0xcd: {  	s22 =	simm.s32 $0x300;
	s1 =	sadd.s32 s5, s7;
	[tilespmem:s17+$0xCC60] =	vst v15;
	v4 =	vld [tilespmem:s14+$0x5460];
	s17 =	simm.s32 $0x1680;
	v15 =	vadd.f32 v19, v5;
	v9 =	vadd.f32 v20, v9  }
.LBB2_3:
0xce: {  	s26 =	sand.u32 $0x300, s22;
	s30 =	sadd.s32 $0x80, s22;
	v19 =	vld [tilespmem:s31+$0xFFFFFFC0];
	v20 =	vshll.u32 v16, $0x10;
	s15 =	sadd.s32 $0x200, s15  }
0xcf: {  	v16 =	vand.u32 $0xFFFF0000, v16;
	s31 =	sadd.s32 $0x100, s31;
	s19 =	sand.u32 $0x3800, s15;
	s30 =	sand.u32 $0x380, s30;
	v5 =	vld [tilespmem:s14+$0x5470];
	v18 =	vadd.f32 v20, v18;
	[tilespmem:s8+$0xCC60] =	vst v15  }
0xd0: {  	s20 =	sor.u32 s26, s19;
	v15 =	vld [tilespmem:s31+$0x0];
	s26 =	sor.u32 s19, s30;
	v16 =	vadd.f32 v16, v17;
	[tilespmem:s8+$0xCC70] =	vst v9;
	s8 =	smov.u32 s9  }
0xd1: {  	s9 =	smov.u32 s14;
	v9 =	vld [tilespmem:s26+$0x5000];
	[tilespmem:s13+$0xCC00] =	vst v18;
	v17 =	vshll.u32 v13, $0x10;
	v13 =	vand.u32 $0xFFFF0000, v13;
	s14 =	smov.u32 s20  }
0xd2: {  	v18 =	vld [tilespmem:s26+$0x5010];
	[tilespmem:s13+$0xCC10] =	vst v16;
	v16 =	vadd.f32 v17, v1;
	v13 =	vadd.f32 v13, v2;
	v1 =	vmovc v12;
	v2 =	vmov v14  }
0xd3: {  	v12 =	vshll.u32 v19, $0x10;
	v14 =	vand.u32 $0xFFFF0000, v19;
	v17 =	vld [tilespmem:s17+$0x50]  }
0xd4: {  	v10 =	vadd.f32 v12, v10;
	v11 =	vadd.f32 v14, v11;
	v12 =	vld [tilespmem:s13+$0x5420];
	[tilespmem:s8+$0xCC40] =	vst v16  }
0xd5: {  	v14 =	vld [tilespmem:s13+$0x5430];
	[tilespmem:s8+$0xCC50] =	vst v13  }
0xd6: {  	s23 =	sadd.s32 $0x2, s23;
	v16 =	vshll.u32 v15, $0x10;
	v13 =	vld [tilespmem:s31+$0xFFFFFF80];
	[tilespmem:s9+$0xCC00] =	vst v10  }
0xd7: {  	p2 =	slt.u32 s23, $0x26;
	v15 =	vand.u32 $0xFFFF0000, v15;
	v9 =	vadd.f32 v16, v9;
	v10 =	vld [tilespmem:s14+$0x5000];
	[tilespmem:s9+$0xCC10] =	vst v11  }
0xd8: {  	v15 =	vadd.f32 v15, v18;
	v11 =	vld [tilespmem:s14+$0x5010];
	v16 =	vshll.u32 v17, $0x10  }
0xd9: {  	v18 =	vld [tilespmem:s14+$0x5020];
	[tilespmem:s26+$0xC800] =	vst v9;
	v9 =	vand.u32 $0xFFFF0000, v17;
	v12 =	vadd.f32 v16, v12  }
0xda: {  	[tilespmem:s26+$0xC810] =	vst v15;
	v15 =	vld [tilespmem:s26+$0x5020];
	v9 =	vadd.f32 v9, v14  }
0xdb: {  	v14 =	vshll.u32 v13, $0x10;
	v13 =	vand.u32 $0xFFFF0000, v13;
	v16 =	vld [tilespmem:s31+$0x10];
	[tilespmem:s13+$0xCC20] =	vst v12  }
0xdc: {  	v10 =	vadd.f32 v14, v10;
	v12 =	vld [tilespmem:s26+$0x5030];
	[tilespmem:s13+$0xCC30] =	vst v9  }
0xdd: {  	v9 =	vadd.f32 v13, v11;
	v11 =	vld [tilespmem:s17+$0x60]  }
0xde: {  	[tilespmem:s14+$0xC800] =	vst v10;
	v10 =	vld [tilespmem:s13+$0x5440]  }
0xdf: {  	[tilespmem:s14+$0xC810] =	vst v9;
	v9 =	vld [tilespmem:s13+$0x5450]  }
0xe0: {  	v13 =	vld [tilespmem:s31+$0xFFFFFF90];
	v14 =	vshll.u32 v16, $0x10  }
0xe1: {  	v16 =	vand.u32 $0xFFFF0000, v16;
	v17 =	vld [tilespmem:s14+$0x5030];
	v14 =	vadd.f32 v14, v15  }
0xe2: {  	v12 =	vadd.f32 v16, v12;
	v15 =	vld [tilespmem:s14+$0x5040];
	v16 =	vshll.u32 v11, $0x10  }
0xe3: {  	v11 =	vand.u32 $0xFFFF0000, v11;
	v19 =	vld [tilespmem:s14+$0x5050];
	[tilespmem:s26+$0xC820] =	vst v14;
	v10 =	vadd.f32 v16, v10  }
0xe4: {  	[tilespmem:s26+$0xC830] =	vst v12;
	v12 =	vld [tilespmem:s26+$0x5040];
	v9 =	vadd.f32 v11, v9  }
0xe5: {  	v11 =	vshll.u32 v13, $0x10;
	v13 =	vand.u32 $0xFFFF0000, v13;
	v14 =	vld [tilespmem:s31+$0x20];
	[tilespmem:s13+$0xCC40] =	vst v10  }
0xe6: {  	v10 =	vadd.f32 v11, v18;
	v11 =	vadd.f32 v13, v17;
	v13 =	vld [tilespmem:s26+$0x5050];
	[tilespmem:s13+$0xCC50] =	vst v9  }
0xe7: {  	v9 =	vld [tilespmem:s17+$0x70]  }
0xe8: {  	[tilespmem:s14+$0xC820] =	vst v10;
	v16 =	vld [tilespmem:s13+$0x5470]  }
0xe9: {  	[tilespmem:s14+$0xC830] =	vst v11;
	v17 =	vld [tilespmem:s14+$0x5060]  }
0xea: {  	v18 =	vld [tilespmem:s31+$0xFFFFFFA0];
	v10 =	vshll.u32 v14, $0x10  }
0xeb: {  	v11 =	vand.u32 $0xFFFF0000, v14;
	v20 =	vld [tilespmem:s14+$0x5070];
	v12 =	vadd.f32 v10, v12  }
0xec: {  	v13 =	vadd.f32 v11, v13;
	v10 =	vld [tilespmem:s14+$0x5400];
	v14 =	vshll.u32 v9, $0x10;
	v9 =	vand.u32 $0xFFFF0000, v9  }
0xed: {  	v11 =	vld [tilespmem:s14+$0x5410];
	[tilespmem:s26+$0xC840] =	vst v12;
	v8 =	vadd.f32 v14, v8;
	v9 =	vadd.f32 v9, v16  }
0xee: {  	[tilespmem:s26+$0xC850] =	vst v13;
	v12 =	vld [tilespmem:s17+$0xFFFFFFD0]  }
0xef: {  	v13 =	vshll.u32 v18, $0x10;
	v14 =	vand.u32 $0xFFFF0000, v18;
	v16 =	vld [tilespmem:s31+$0x30];
	[tilespmem:s13+$0xCC70] =	vst v9  }
0xf0: {  	v9 =	vadd.f32 v13, v15;
	v13 =	vadd.f32 v14, v19;
	v14 =	vld [tilespmem:s26+$0x5060];
	[tilespmem:s13+$0xCC60] =	vst v8;
	s13 =	smov.u32 s26  }
0xf1: {  	v8 =	vld [tilespmem:s13+$0x5070]  }
0xf2: {  	[tilespmem:s14+$0xC840] =	vst v9;
	v9 =	vld [tilespmem:s14+$0x5420]  }
0xf3: {  	[tilespmem:s14+$0xC850] =	vst v13;
	v13 =	vld [tilespmem:s14+$0x5430];
	v15 =	vshll.u32 v12, $0x10;
	v12 =	vand.u32 $0xFFFF0000, v12  }
0xf4: {  	v18 =	vld [tilespmem:s31+$0xFFFFFFB0];
	v19 =	vshll.u32 v16, $0x10;
	v21 =	vadd.f32 v15, v6;
	v15 =	vadd.f32 v12, v7  }
0xf5: {  	v7 =	vand.u32 $0xFFFF0000, v16;
	v12 =	vld [tilespmem:s14+$0x5440];
	v16 =	vadd.f32 v19, v14  }
0xf6: {  	v14 =	vld [tilespmem:s14+$0x5450];
	v22 =	vadd.f32 v7, v8;
	[tilespmem:s9+$0xCC20] =	vst v21  }
0xf7: {  	[tilespmem:s13+$0xC860] =	vst v16;
	v19 =	vld [tilespmem:s10+$0xFFFFFFF0];
	v6 =	vmov v9;
	s10 =	smov.u32 s17;
	s17 =	smov.u32 s31  }
0xf8: {  	[tilespmem:s13+$0xC870] =	vst v22;
	v8 =	vld [tilespmem:s13+$0x5460];
	v7 =	vmov v13  }
.Ltmp2:
0xf9: {  	v9 =	vshll.u32 v18, $0x10;
	v13 =	vand.u32 $0xFFFF0000, v18;
	v16 =	vld [tilespmem:s31+$0x40];
	[tilespmem:s9+$0xCC30] =	vst v15;
	(pc) =	sbr.rel @p2 .LBB2_3-.Ltmp2, $4  }
0xfa: {  	v9 =	vadd.f32 v9, v17;
	v15 =	vadd.f32 v13, v20;
	v18 =	vld [tilespmem:s13+$0x5400]  }
0xfb: {  	v17 =	vld [tilespmem:s13+$0x5410]  }
0xfc: {  	[tilespmem:s14+$0xC860] =	vst v9;
	v13 =	vld [tilespmem:s10+$0xFFFFFFE0];
	v9 =	vshll.u32 v19, $0x10;
	v19 =	vand.u32 $0xFFFF0000, v19  }
0xfd: {  	s22 =	sadd.s32 $0x100, s22;
	[tilespmem:s14+$0xC870] =	vst v15;
	v15 =	vadd.f32 v9, v0;
	v9 =	vadd.f32 v19, v3;
	v3 =	vmovc v5;
	v0 =	vmov v4;
	v4 =	vld [tilespmem:s14+$0x5460]  }
0xfe: {  	v5 =	vld [tilespmem:s31+$0xFFFFFFC0]  }
0xff: {  	v19 =	vshll.u32 v16, $0x10  }
0x100: {  	v16 =	vand.u32 $0xFFFF0000, v16;
	v18 =	vadd.f32 v19, v18  }
0x101: {  	v16 =	vadd.f32 v16, v17  }
0x102: {  	[tilespmem:s13+$0xCC00] =	vst v18  }
0x103: {  	[tilespmem:s13+$0xCC10] =	vst v16;
	v16 =	vshll.u32 v5, $0x10  }
0x104: {  	v5 =	vand.u32 $0xFFFF0000, v5;
	v18 =	vld [tilespmem:s17+$0x50];
	v10 =	vadd.f32 v16, v10  }
0x105: {  	v5 =	vadd.f32 v5, v11;
	v11 =	vld [tilespmem:s13+$0x5420]  }
0x106: {  	v16 =	vld [tilespmem:s13+$0x5430];
	[tilespmem:s14+$0xCC00] =	vst v10  }
0x107: {  	[tilespmem:s14+$0xCC10] =	vst v5  }
0x108: {  	v5 =	vld [tilespmem:s17+$0xFFFFFFD0]  }
0x109: {  	v10 =	vshll.u32 v18, $0x10  }
0x10a: {  	v18 =	vand.u32 $0xFFFF0000, v18;
	v10 =	vadd.f32 v10, v11  }
0x10b: {  	v11 =	vadd.f32 v18, v16  }
0x10c: {  	[tilespmem:s13+$0xCC20] =	vst v10  }
0x10d: {  	[tilespmem:s13+$0xCC30] =	vst v11;
	v10 =	vshll.u32 v5, $0x10  }
0x10e: {  	v11 =	vld [tilespmem:s17+$0x60];
	v5 =	vand.u32 $0xFFFF0000, v5;
	v6 =	vadd.f32 v10, v6  }
0x10f: {  	v10 =	vld [tilespmem:s13+$0x5440];
	v5 =	vadd.f32 v5, v7  }
0x110: {  	v7 =	vld [tilespmem:s13+$0x5450];
	[tilespmem:s14+$0xCC20] =	vst v6  }
0x111: {  	[tilespmem:s14+$0xCC30] =	vst v5  }
0x112: {  	v5 =	vld [tilespmem:s17+$0xFFFFFFE0]  }
0x113: {  	v6 =	vshll.u32 v11, $0x10  }
0x114: {  	v11 =	vand.u32 $0xFFFF0000, v11;
	v6 =	vadd.f32 v6, v10  }
0x115: {  	v10 =	vshll.u32 v13, $0x10;
	v7 =	vadd.f32 v11, v7  }
0x116: {  	v11 =	vand.u32 $0xFFFF0000, v13;
	v1 =	vadd.f32 v10, v1;
	[tilespmem:s13+$0xCC40] =	vst v6  }
0x117: {  	v2 =	vadd.f32 v11, v2;
	[tilespmem:s13+$0xCC50] =	vst v7;
	v6 =	vshll.u32 v5, $0x10  }
0x118: {  	[tilespmem:s9+$0xCC40] =	vst v1;
	v1 =	vld [tilespmem:s17+$0x70];
	v5 =	vand.u32 $0xFFFF0000, v5;
	v6 =	vadd.f32 v6, v12  }
0x119: {  	[tilespmem:s9+$0xCC50] =	vst v2;
	v2 =	vld [tilespmem:s13+$0x5470];
	v5 =	vadd.f32 v5, v14  }
0x11a: {  	v7 =	vld [tilespmem:s10+$0xFFFFFFF0];
	[tilespmem:s14+$0xCC40] =	vst v6  }
0x11b: {  	[tilespmem:s14+$0xCC50] =	vst v5  }
0x11c: {  	v5 =	vld [tilespmem:s17+$0xFFFFFFF0]  }
0x11d: {  	v6 =	vand.u32 $0xFFFF0000, v1  }
0x11e: {  	[tilespmem:s8+$0xCC60] =	vst v15;
	v17 =	vld [tilespmem:s14+$0x5470];
	v1 =	vshll.u32 v1, $0x10;
	v2 =	vadd.f32 v6, v2  }
0x11f: {  	[tilespmem:s8+$0xCC70] =	vst v9;
	v1 =	vadd.f32 v1, v8;
	v6 =	vshll.u32 v7, $0x10  }
0x120: {  	v0 =	vadd.f32 v6, v0;
	[tilespmem:s13+$0xCC70] =	vst v2;
	v2 =	vand.u32 $0xFFFF0000, v7  }
0x121: {  	[tilespmem:s13+$0xCC60] =	vst v1;
	v1 =	vadd.f32 v2, v3;
	v2 =	vshll.u32 v5, $0x10  }
0x122: {  	[tilespmem:s9+$0xCC60] =	vst v0;
	v0 =	vand.u32 $0xFFFF0000, v5;
	v2 =	vadd.f32 v2, v4  }
0x123: {  	v0 =	vadd.f32 v0, v17;
	[tilespmem:s9+$0xCC70] =	vst v1  }
0x124: {  	s1 =	sshll.u32 s1, $0x5;
	[tilespmem:s14+$0xCC60] =	vst v2  }
0x125: {  	p2 =	seq.s32 s6, $0x29;
	s1 =	sadd.s32 s2, s1;
	s9 =	simm.s32 $0xC800;
	[tilespmem:s14+$0xCC70] =	vst v0  }
0x126: {  	[hbm4b:s1+s4] =	stream.linear.scatter [tilespmem:s9], [sflag:$0x7], $0x2800, $0x38;
	[tilespmem:$0x15F40] =	vst v63  }
0x127: {  	s8 =	simm.s32 @!p2 $0x28;
	s1 =	sadd.s32 @!p2 $0x78, s7;
	s9 =	simm.s32 @!p2 $0x1400  }
0x128: {  	[tilespmem:s9], [sflag:$0x1] =	stream.indirect.gather @!p2 [spmem:s3], $0x80, s1, s8, $0xb8;
	[tilespmem:$0x15F40] =	vst v63  }
0x129: {  	s1 =	sadd.s32 @!p2 s5, s1  }
0x12a: {  	s1 =	sshll.u32 @!p2 s1, $0x5  }
0x12b: {  	s8 =	simm.s32 @!p2 $0x0;
	s9 =	simm.s32 @!p2 $0x5000;
	s1 =	sadd.s32 @!p2 s0, s1  }
0x12c: {  	[tilespmem:s9], [sflag:$0x4] =	stream.linear.gather @!p2 [hbm4b:s1+s8], $0x2800, $0x38;
	[tilespmem:$0x15F40] =	vst v63  }
0x12d: {  	_ =	swait.ge [sflag:s28], $0x1400  }
0x12e: {  	[sflag:s28] =	ssyncset.done $0x0  }
0x12f: {  	[sflag:s28] =	ssyncadd.s32 $0xFFFFEC00  }
0x130: {  	_ =	swait.ge [sflag:s29], $0x2800  }
0x131: {  	[sflag:s29] =	ssyncset.done $0x0  }
0x132: {  	s1 =	simm.s32 @!p1 $0x8;
	[sflag:s29] =	ssyncadd.s32 $0xFFFFD800  }
0x133: {  	s10 =	simm.s32 $0x0;
	_ =	swait.ge @!p1 [sflag:s1], $0x2800  }
0x134: {  	s13 =	simm.s32 $0x80;
	s14 =	sand.u32 $0x3800, s10;
	[sflag:s1] =	ssyncset.done @!p1 $0x0  }
0x135: {  	s9 =	sand.u32 $0x380, s13;
	[sflag:s1] =	ssyncadd.s32 @!p1 $0xFFFFD800;
	s1 =	simm.s32 $0x28F0  }
0x136: {  	s17 =	sor.u32 s14, s9;
	v0 =	vld [tilespmem:s1+$0xFFFFFF90]  }
0x137: {  	v1 =	vld [tilespmem:s17+$0x7800]  }
0x138: {  	v2 =	vld [tilespmem:s17+$0x7810];
	_ =	sdelay $0x1  }
0x139: {  	s8 =	sand.u32 $0x300, s10  }
0x13a: {  	s8 =	sor.u32 s8, s14;
	v3 =	vld [tilespmem:s1+$0xFFFFFF10];
	v4 =	vshll.u32 v0, $0x10  }
0x13b: {  	v5 =	vld [tilespmem:s8+$0x7800];
	v0 =	vand.u32 $0xFFFF0000, v0;
	v1 =	vadd.f32 v4, v1  }
0x13c: {  	v4 =	vld [tilespmem:s8+$0x7810];
	v0 =	vadd.f32 v0, v2  }
0x13d: {  	[tilespmem:s17+$0xF000] =	vst v1  }
0x13e: {  	[tilespmem:s17+$0xF010] =	vst v0  }
0x13f: {  	v0 =	vshll.u32 v3, $0x10;
	v2 =	vld [tilespmem:s1+$0xFFFFFFA0]  }
0x140: {  	v6 =	vld [tilespmem:s17+$0x7820];
	v3 =	vand.u32 $0xFFFF0000, v3;
	v0 =	vadd.f32 v0, v5  }
0x141: {  	v5 =	vld [tilespmem:s17+$0x7830];
	v3 =	vadd.f32 v3, v4  }
0x142: {  	[tilespmem:s8+$0xF000] =	vst v0  }
0x143: {  	[tilespmem:s8+$0xF010] =	vst v3  }
0x144: {  	v0 =	vld [tilespmem:s1+$0xFFFFFF20];
	v3 =	vshll.u32 v2, $0x10  }
0x145: {  	v1 =	vld [tilespmem:s8+$0x7820];
	v2 =	vand.u32 $0xFFFF0000, v2;
	v3 =	vadd.f32 v3, v6  }
0x146: {  	v4 =	vld [tilespmem:s8+$0x7830];
	v2 =	vadd.f32 v2, v5  }
0x147: {  	[tilespmem:s17+$0xF020] =	vst v3  }
0x148: {  	[tilespmem:s17+$0xF030] =	vst v2  }
0x149: {  	v6 =	vld [tilespmem:s1+$0xFFFFFFB0];
	v2 =	vshll.u32 v0, $0x10  }
0x14a: {  	v7 =	vld [tilespmem:s17+$0x7840];
	v0 =	vand.u32 $0xFFFF0000, v0;
	v1 =	vadd.f32 v2, v1  }
0x14b: {  	v0 =	vadd.f32 v0, v4;
	v2 =	vld [tilespmem:s17+$0x7850]  }
0x14c: {  	[tilespmem:s8+$0xF020] =	vst v1  }
0x14d: {  	[tilespmem:s8+$0xF030] =	vst v0  }
0x14e: {  	v0 =	vld [tilespmem:s1+$0xFFFFFF30];
	v1 =	vshll.u32 v6, $0x10  }
0x14f: {  	v5 =	vld [tilespmem:s8+$0x7840];
	v4 =	vand.u32 $0xFFFF0000, v6;
	v1 =	vadd.f32 v1, v7  }
0x150: {  	v8 =	vld [tilespmem:s8+$0x7860];
	v2 =	vadd.f32 v4, v2  }
0x151: {  	v3 =	vld [tilespmem:s8+$0x7850];
	[tilespmem:s17+$0xF040] =	vst v1  }
0x152: {  	v10 =	vld [tilespmem:s8+$0x7C00];
	[tilespmem:s17+$0xF050] =	vst v2  }
0x153: {  	v2 =	vshll.u32 v0, $0x10;
	v4 =	vld [tilespmem:s1+$0xFFFFFFC0]  }
0x154: {  	s15 =	simm.s32 $0x180;
	s19 =	simm.s32 $0x200;
	v2 =	vadd.f32 v2, v5;
	v5 =	vld [tilespmem:s17+$0x7860]  }
0x155: {  	s22 =	simm.s32 $0x100;
	s20 =	sand.u32 $0x3800, s19;
	s9 =	sand.u32 $0x380, s15;
	v7 =	vld [tilespmem:s17+$0x7870];
	v0 =	vand.u32 $0xFFFF0000, v0  }
0x156: {  	s10 =	simm.s32 $0x29F0;
	s23 =	sor.u32 s20, s9;
	s9 =	sand.u32 $0x300, s22;
	v11 =	vld [tilespmem:s17+$0x7C00];
	v3 =	vadd.f32 v0, v3  }
0x157: {  	s9 =	sor.u32 s9, s20;
	v12 =	vld [tilespmem:s10+$0xFFFFFF10];
	[tilespmem:s8+$0xF040] =	vst v2  }
0x158: {  	v14 =	vld [tilespmem:s9+$0x7800];
	[tilespmem:s8+$0xF050] =	vst v3;
	v2 =	vshll.u32 v4, $0x10  }
0x159: {  	v9 =	vld [tilespmem:s1+$0xFFFFFF40];
	v3 =	vand.u32 $0xFFFF0000, v4;
	v2 =	vadd.f32 v2, v5  }
0x15a: {  	v15 =	vld [tilespmem:s17+$0x7C30];
	v5 =	vadd.f32 v3, v7  }
0x15b: {  	v6 =	vld [tilespmem:s8+$0x7870];
	[tilespmem:s17+$0xF060] =	vst v2  }
0x15c: {  	v17 =	vld [tilespmem:s9+$0x7850];
	[tilespmem:s17+$0xF070] =	vst v5  }
0x15d: {  	v2 =	vld [tilespmem:s1+$0xFFFFFFD0]  }
0x15e: {  	v18 =	vld [tilespmem:s17+$0x7C50];
	v5 =	vshll.u32 v9, $0x10  }
0x15f: {  	v9 =	vand.u32 $0xFFFF0000, v9;
	v5 =	vadd.f32 v5, v8;
	v8 =	vld [tilespmem:s17+$0x7C10]  }
0x160: {  	v19 =	vld [tilespmem:s9+$0x7860];
	v6 =	vadd.f32 v9, v6  }
0x161: {  	v20 =	vld [tilespmem:s9+$0x7870]  }
0x162: {  	v21 =	vld [tilespmem:s23+$0x7C30];
	[tilespmem:s8+$0xF070] =	vst v6;
	v6 =	vshll.u32 v2, $0x10  }
0x163: {  	v9 =	vld [tilespmem:s10+$0xFFFFFF90];
	v2 =	vand.u32 $0xFFFF0000, v2;
	v6 =	vadd.f32 v6, v11  }
0x164: {  	v2 =	vadd.f32 v2, v8;
	v8 =	vld [tilespmem:s23+$0x7800]  }
0x165: {  	s31 =	simm.s32 $0x2AF0;
	[tilespmem:s17+$0xF400] =	vst v6;
	v6 =	vld [tilespmem:s23+$0x7810]  }
0x166: {  	s19 =	simm.s32 $0x200;
	s15 =	simm.s32 $0x400;
	v23 =	vld [tilespmem:s31+$0xFFFFFF10];
	[tilespmem:s17+$0xF410] =	vst v2  }
0x167: {  	s19 =	sand.u32 $0x300, s19;
	s30 =	sand.u32 $0x3800, s15;
	v2 =	vld [tilespmem:s1+$0xFFFFFFE0]  }
0x168: {  	s26 =	simm.s32 $0x280;
	s14 =	sor.u32 s19, s30;
	v11 =	vld [tilespmem:s17+$0x7C20];
	v13 =	vshll.u32 v9, $0x10  }
0x169: {  	s13 =	sand.u32 $0x380, s26;
	v44 =	vld [tilespmem:s14+$0x7800];
	v9 =	vand.u32 $0xFFFF0000, v9;
	v8 =	vadd.f32 v13, v8  }
0x16a: {  	s13 =	sor.u32 s30, s13;
	v13 =	vld [tilespmem:s9+$0x7810];
	v6 =	vadd.f32 v9, v6  }
0x16b: {  	v47 =	vld [tilespmem:s13+$0x7830];
	[tilespmem:s23+$0xF000] =	vst v8  }
0x16c: {  	v48 =	vld [tilespmem:s23+$0x7C50];
	v9 =	vshll.u32 v2, $0x10;
	[tilespmem:s23+$0xF010] =	vst v6  }
0x16d: {  	v9 =	vadd.f32 v9, v11;
	v6 =	vshll.u32 v12, $0x10;
	v11 =	vand.u32 $0xFFFF0000, v12;
	v12 =	vld [tilespmem:s10+$0xFFFFFFA0]  }
0x16e: {  	v6 =	vadd.f32 v6, v14;
	v14 =	vld [tilespmem:s23+$0x7820]  }
0x16f: {  	v2 =	vand.u32 $0xFFFF0000, v2;
	v11 =	vadd.f32 v11, v13;
	v13 =	vld [tilespmem:s23+$0x7830]  }
0x170: {  	v50 =	vld [tilespmem:s14+$0x7830];
	v2 =	vadd.f32 v2, v15;
	[tilespmem:s9+$0xF000] =	vst v6  }
0x171: {  	v51 =	vld [tilespmem:s14+$0x7840];
	[tilespmem:s9+$0xF010] =	vst v11  }
0x172: {  	[tilespmem:s17+$0xF430] =	vst v2;
	v2 =	vld [tilespmem:s10+$0xFFFFFF20];
	v11 =	vshll.u32 v12, $0x10  }
0x173: {  	v8 =	vld [tilespmem:s9+$0x7820];
	v12 =	vand.u32 $0xFFFF0000, v12;
	v11 =	vadd.f32 v11, v14  }
0x174: {  	[tilespmem:s8+$0xF060] =	vst v5;
	v15 =	vld [tilespmem:s9+$0x7830];
	v12 =	vadd.f32 v12, v13  }
0x175: {  	v16 =	vld [tilespmem:s1+$0xFFFFFF50];
	[tilespmem:s23+$0xF020] =	vst v11  }
0x176: {  	v1 =	vld [tilespmem:s8+$0x7C10];
	[tilespmem:s23+$0xF030] =	vst v12  }
0x177: {  	v11 =	vshll.u32 v2, $0x10;
	v12 =	vld [tilespmem:s10+$0xFFFFFFB0]  }
0x178: {  	v2 =	vand.u32 $0xFFFF0000, v2;
	v8 =	vadd.f32 v11, v8;
	v11 =	vld [tilespmem:s23+$0x7840]  }
0x179: {  	[tilespmem:s17+$0xF420] =	vst v9;
	v2 =	vadd.f32 v2, v15;
	v15 =	vld [tilespmem:s23+$0x7850]  }
0x17a: {  	v52 =	vld [tilespmem:s13+$0x7840];
	[tilespmem:s9+$0xF020] =	vst v8;
	v8 =	vshll.u32 v16, $0x10  }
0x17b: {  	v6 =	vld [tilespmem:s1+$0xFFFFFFF0];
	[tilespmem:s9+$0xF030] =	vst v2;
	v2 =	vand.u32 $0xFFFF0000, v16;
	v8 =	vadd.f32 v8, v10  }
0x17c: {  	v16 =	vld [tilespmem:s10+$0xFFFFFF30];
	v1 =	vadd.f32 v2, v1;
	v2 =	vshll.u32 v12, $0x10  }
0x17d: {  	v13 =	vld [tilespmem:s9+$0x7840];
	[tilespmem:s8+$0xF400] =	vst v8;
	v8 =	vand.u32 $0xFFFF0000, v12;
	v2 =	vadd.f32 v2, v11  }
0x17e: {  	v14 =	vld [tilespmem:s17+$0x7C40];
	[tilespmem:s8+$0xF410] =	vst v1;
	v1 =	vadd.f32 v8, v15  }
0x17f: {  	v55 =	vld [tilespmem:s13+$0x7850];
	[tilespmem:s23+$0xF040] =	vst v2  }
0x180: {  	v56 =	vld [tilespmem:s23+$0x7C70];
	[tilespmem:s23+$0xF050] =	vst v1  }
0x181: {  	v1 =	vshll.u32 v16, $0x10;
	v15 =	vld [tilespmem:s10+$0xFFFFFFC0]  }
0x182: {  	v8 =	vshll.u32 v6, $0x10;
	v12 =	vand.u32 $0xFFFF0000, v16;
	v1 =	vadd.f32 v1, v13;
	v13 =	vld [tilespmem:s23+$0x7860]  }
0x183: {  	v6 =	vand.u32 $0xFFFF0000, v6;
	v8 =	vadd.f32 v8, v14;
	v14 =	vld [tilespmem:s23+$0x7870];
	v12 =	vadd.f32 v12, v17  }
0x184: {  	v2 =	vld [tilespmem:s1+$0xFFFFFF60];
	[tilespmem:s9+$0xF040] =	vst v1;
	v1 =	vadd.f32 v6, v18  }
0x185: {  	v0 =	vld [tilespmem:s8+$0x7C20];
	[tilespmem:s9+$0xF050] =	vst v12  }
0x186: {  	v3 =	vld [tilespmem:s8+$0x7C30];
	[tilespmem:s17+$0xF450] =	vst v1;
	v1 =	vshll.u32 v15, $0x10  }
0x187: {  	v16 =	vld [tilespmem:s10+$0xFFFFFF40];
	v15 =	vand.u32 $0xFFFF0000, v15;
	v17 =	vadd.f32 v1, v13  }
0x188: {  	v26 =	vld [tilespmem:s14+$0x7870];
	v14 =	vadd.f32 v15, v14  }
0x189: {  	v61 =	vld [tilespmem:s13+$0x7860];
	v15 =	vshll.u32 v2, $0x10;
	[tilespmem:s23+$0xF060] =	vst v17  }
0x18a: {  	v4 =	vld [tilespmem:s8+$0x7C40];
	v0 =	vadd.f32 v15, v0;
	v17 =	vand.u32 $0xFFFF0000, v2;
	[tilespmem:s23+$0xF070] =	vst v14  }
0x18b: {  	v3 =	vadd.f32 v17, v3;
	v15 =	vld [tilespmem:s10+$0xFFFFFFD0]  }
0x18c: {  	v14 =	vshll.u32 v16, $0x10;
	[tilespmem:s8+$0xF420] =	vst v0;
	v0 =	vand.u32 $0xFFFF0000, v16;
	v16 =	vld [tilespmem:s23+$0x7C00]  }
0x18d: {  	[tilespmem:s8+$0xF430] =	vst v3;
	v3 =	vld [tilespmem:s23+$0x7C10]  }
0x18e: {  	v7 =	vld [tilespmem:s8+$0x7C50]  }
0x18f: {  	v5 =	vld [tilespmem:s8+$0x7C60]  }
0x190: {  	v9 =	vld [tilespmem:s8+$0x7C70];
	v18 =	vshll.u32 v15, $0x10  }
0x191: {  	v10 =	vld [tilespmem:s9+$0x7C00];
	v15 =	vand.u32 $0xFFFF0000, v15;
	v16 =	vadd.f32 v18, v16  }
0x192: {  	v18 =	vld [tilespmem:s31+$0xFFFFFF90];
	v3 =	vadd.f32 v15, v3  }
0x193: {  	v15 =	vld [tilespmem:s13+$0x7800];
	[tilespmem:s23+$0xF400] =	vst v16  }
0x194: {  	v16 =	vld [tilespmem:s13+$0x7810];
	[tilespmem:s23+$0xF410] =	vst v3  }
0x195: {  	v3 =	vld [tilespmem:s10+$0xFFFFFFE0]  }
0x196: {  	v0 =	vadd.f32 v0, v20;
	v20 =	vld [tilespmem:s23+$0x7C20]  }
0x197: {  	v11 =	vld [tilespmem:s9+$0x7C10];
	v22 =	vshll.u32 v18, $0x10  }
0x198: {  	[tilespmem:s17+$0xF440] =	vst v8;
	v8 =	vld [tilespmem:s9+$0x7C20];
	v18 =	vand.u32 $0xFFFF0000, v18;
	v15 =	vadd.f32 v22, v15  }
0x199: {  	v6 =	vld [tilespmem:s17+$0x7C60];
	v16 =	vadd.f32 v18, v16  }
0x19a: {  	v18 =	vld [tilespmem:s14+$0x7810];
	[tilespmem:s13+$0xF000] =	vst v15;
	v24 =	vshll.u32 v3, $0x10  }
0x19b: {  	v12 =	vld [tilespmem:s1+$0x0];
	v3 =	vand.u32 $0xFFFF0000, v3;
	[tilespmem:s13+$0xF010] =	vst v16;
	v20 =	vadd.f32 v24, v20  }
0x19c: {  	v3 =	vadd.f32 v3, v21;
	v46 =	vld [tilespmem:s31+$0xFFFFFFA0]  }
0x19d: {  	v45 =	vshll.u32 v23, $0x10;
	v14 =	vadd.f32 v14, v19;
	v16 =	vld [tilespmem:s13+$0x7820];
	[tilespmem:s23+$0xF420] =	vst v20  }
0x19e: {  	v17 =	vld [tilespmem:s17+$0x7C70];
	v21 =	vadd.f32 v45, v44;
	v20 =	vand.u32 $0xFFFF0000, v23;
	[tilespmem:s23+$0xF430] =	vst v3  }
0x19f: {  	[tilespmem:s9+$0xF060] =	vst v14;
	v3 =	vadd.f32 v20, v18;
	v18 =	vld [tilespmem:s10+$0xFFFFFFF0]  }
0x1a0: {  	v59 =	vand.u32 $0xFFFF0000, v12;
	v12 =	vshll.u32 v12, $0x10;
	[tilespmem:s14+$0xF000] =	vst v21;
	v20 =	vld [tilespmem:s23+$0x7C40]  }
0x1a1: {  	v12 =	vadd.f32 v12, v6;
	v14 =	vld [tilespmem:s1+$0xFFFFFF70];
	[tilespmem:s14+$0xF010] =	vst v3;
	v25 =	vshll.u32 v46, $0x10  }
0x1a2: {  	[tilespmem:s9+$0xF070] =	vst v0;
	v49 =	vld [tilespmem:s31+$0xFFFFFF20];
	v16 =	vadd.f32 v25, v16  }
0x1a3: {  	[tilespmem:s17+$0xF460] =	vst v12;
	v17 =	vadd.f32 v59, v17;
	v15 =	vld [tilespmem:s14+$0x7820];
	v24 =	vand.u32 $0xFFFF0000, v46  }
0x1a4: {  	v13 =	vld [tilespmem:s9+$0x7C30];
	v22 =	vadd.f32 v24, v47;
	[tilespmem:s13+$0xF020] =	vst v16;
	v16 =	vshll.u32 v18, $0x10  }
0x1a5: {  	v1 =	vld [tilespmem:s9+$0x7C40];
	[tilespmem:s17+$0xF470] =	vst v17;
	v16 =	vadd.f32 v16, v20  }
0x1a6: {  	v19 =	vld [tilespmem:s10+$0xFFFFFF50];
	v17 =	vshll.u32 v14, $0x10;
	v14 =	vand.u32 $0xFFFF0000, v14;
	[tilespmem:s13+$0xF030] =	vst v22  }
0x1a7: {  	v12 =	vadd.f32 v14, v7;
	v53 =	vshll.u32 v49, $0x10;
	[tilespmem:s23+$0xF440] =	vst v16;
	v16 =	vld [tilespmem:s31+$0xFFFFFFB0]  }
0x1a8: {  	v2 =	vld [tilespmem:s9+$0x7C50];
	v23 =	vand.u32 $0xFFFF0000, v49;
	v15 =	vadd.f32 v53, v15  }
0x1a9: {  	v6 =	vld [tilespmem:s14+$0x7C20];
	[tilespmem:s8+$0xF450] =	vst v12;
	v54 =	vadd.f32 v23, v50  }
0x1aa: {  	v0 =	vld [tilespmem:s9+$0x7C60];
	[tilespmem:s14+$0xF020] =	vst v15  }
0x1ab: {  	v12 =	vld [tilespmem:s14+$0x7C40];
	v18 =	vand.u32 $0xFFFF0000, v18;
	v15 =	vshll.u32 v19, $0x10;
	[tilespmem:s14+$0xF030] =	vst v54  }
0x1ac: {  	v18 =	vadd.f32 v18, v48;
	v10 =	vadd.f32 v15, v10;
	v15 =	vld [tilespmem:s31+$0xFFFFFF30];
	v57 =	vshll.u32 v16, $0x10  }
0x1ad: {  	v3 =	vld [tilespmem:s9+$0x7C70];
	v16 =	vand.u32 $0xFFFF0000, v16;
	v21 =	vadd.f32 v57, v52  }
0x1ae: {  	v20 =	vld [tilespmem:s14+$0x7850];
	[tilespmem:s23+$0xF450] =	vst v18;
	v16 =	vadd.f32 v16, v55  }
0x1af: {  	v18 =	vld [tilespmem:s10+$0x0];
	v19 =	vand.u32 $0xFFFF0000, v19;
	[tilespmem:s13+$0xF040] =	vst v21  }
0x1b0: {  	v11 =	vadd.f32 v19, v11;
	v19 =	vld [tilespmem:s14+$0x7860];
	[tilespmem:s13+$0xF050] =	vst v16  }
0x1b1: {  	v58 =	vshll.u32 v15, $0x10;
	v60 =	vld [tilespmem:s31+$0xFFFFFFC0]  }
0x1b2: {  	[tilespmem:s9+$0xF400] =	vst v10;
	v10 =	vld [tilespmem:s14+$0x7C00];
	v15 =	vand.u32 $0xFFFF0000, v15;
	v21 =	vadd.f32 v58, v51  }
0x1b3: {  	[tilespmem:s9+$0xF410] =	vst v11;
	v15 =	vadd.f32 v15, v20;
	v20 =	vld [tilespmem:s13+$0x7870]  }
0x1b4: {  	v16 =	vld [tilespmem:s10+$0xFFFFFF60];
	[tilespmem:s14+$0xF040] =	vst v21  }
0x1b5: {  	v4 =	vadd.f32 v17, v4;
	v11 =	vld [tilespmem:s14+$0x7C10];
	[tilespmem:s14+$0xF050] =	vst v15  }
0x1b6: {  	v17 =	vld [tilespmem:s31+$0xFFFFFF40];
	v7 =	vshll.u32 v60, $0x10  }
0x1b7: {  	[tilespmem:s8+$0xF440] =	vst v4;
	v15 =	vld [tilespmem:s23+$0x7C60];
	v14 =	vand.u32 $0xFFFF0000, v60;
	v4 =	vadd.f32 v7, v61  }
0x1b8: {  	v62 =	vand.u32 $0xFFFF0000, v18;
	v7 =	vld [tilespmem:s14+$0x7C30];
	v20 =	vadd.f32 v14, v20  }
0x1b9: {  	v21 =	vadd.f32 v62, v56;
	v63 =	vshll.u32 v16, $0x10;
	v14 =	vld [tilespmem:s14+$0x7C50];
	[tilespmem:s13+$0xF060] =	vst v4  }
0x1ba: {  	v4 =	vadd.f32 v63, v8;
	v8 =	vand.u32 $0xFFFF0000, v16;
	[tilespmem:s13+$0xF070] =	vst v20;
	v20 =	vld [tilespmem:s1+$0xFFFFFF80]  }
0x1bb: {  	[tilespmem:s23+$0xF470] =	vst v21;
	v13 =	vadd.f32 v8, v13;
	v8 =	vld [tilespmem:s13+$0x7C60];
	v16 =	vshll.u32 v17, $0x10  }
0x1bc: {  	[tilespmem:s9+$0xF420] =	vst v4;
	v4 =	vand.u32 $0xFFFF0000, v17;
	v19 =	vadd.f32 v16, v19;
	v16 =	vld [tilespmem:s31+$0xFFFFFFD0]  }
0x1bd: {  	v17 =	vshll.u32 v18, $0x10;
	v18 =	vld [tilespmem:s13+$0x7C00];
	[tilespmem:s9+$0xF430] =	vst v13;
	v4 =	vadd.f32 v4, v26  }
0x1be: {  	v15 =	vadd.f32 v17, v15;
	v17 =	vld [tilespmem:s13+$0x7C10];
	[tilespmem:s14+$0xF060] =	vst v19  }
0x1bf: {  	s22 =	simm.s32 $0x4;
	v13 =	vld [tilespmem:s10+$0xFFFFFF70];
	v19 =	vshll.u32 v20, $0x10;
	v20 =	vand.u32 $0xFFFF0000, v20;
	[tilespmem:s14+$0xF070] =	vst v4  }
0x1c0: {  	s17 =	simm.s32 $0x2AF0;
	s1 =	sadd.s32 s7, s11;
	[tilespmem:s23+$0xF460] =	vst v15;
	v4 =	vld [tilespmem:s14+$0x7C60];
	s23 =	simm.s32 $0x300;
	v15 =	vadd.f32 v19, v5;
	v9 =	vadd.f32 v20, v9  }
.LBB2_5:
0x1c1: {  	s19 =	sand.u32 $0x300, s23;
	s20 =	sadd.s32 $0x80, s23;
	v19 =	vld [tilespmem:s31+$0xFFFFFF50];
	v20 =	vshll.u32 v16, $0x10;
	s15 =	sadd.s32 $0x200, s15  }
0x1c2: {  	v16 =	vand.u32 $0xFFFF0000, v16;
	s31 =	sadd.s32 $0x100, s31;
	s26 =	sand.u32 $0x3800, s15;
	s20 =	sand.u32 $0x380, s20;
	v5 =	vld [tilespmem:s14+$0x7C70];
	v18 =	vadd.f32 v20, v18;
	[tilespmem:s8+$0xF460] =	vst v15  }
0x1c3: {  	s19 =	sor.u32 s19, s26;
	v15 =	vld [tilespmem:s31+$0xFFFFFF90];
	s26 =	sor.u32 s26, s20;
	v16 =	vadd.f32 v16, v17;
	[tilespmem:s8+$0xF470] =	vst v9;
	s8 =	smov.u32 s9  }
0x1c4: {  	s9 =	smov.u32 s14;
	v9 =	vld [tilespmem:s26+$0x7800];
	[tilespmem:s13+$0xF400] =	vst v18;
	v17 =	vshll.u32 v13, $0x10;
	v13 =	vand.u32 $0xFFFF0000, v13;
	s14 =	smov.u32 s19  }
0x1c5: {  	v18 =	vld [tilespmem:s26+$0x7810];
	[tilespmem:s13+$0xF410] =	vst v16;
	v16 =	vadd.f32 v17, v1;
	v13 =	vadd.f32 v13, v2;
	v1 =	vmovc v12;
	v2 =	vmov v14  }
0x1c6: {  	v12 =	vshll.u32 v19, $0x10;
	v14 =	vand.u32 $0xFFFF0000, v19;
	v17 =	vld [tilespmem:s17+$0xFFFFFFE0]  }
0x1c7: {  	v10 =	vadd.f32 v12, v10;
	v11 =	vadd.f32 v14, v11;
	v12 =	vld [tilespmem:s13+$0x7C20];
	[tilespmem:s8+$0xF440] =	vst v16  }
0x1c8: {  	v14 =	vld [tilespmem:s13+$0x7C30];
	[tilespmem:s8+$0xF450] =	vst v13  }
0x1c9: {  	s22 =	sadd.s32 $0x2, s22;
	v16 =	vshll.u32 v15, $0x10;
	v13 =	vld [tilespmem:s31+$0xFFFFFF10];
	[tilespmem:s9+$0xF400] =	vst v10  }
0x1ca: {  	p3 =	slt.u32 s22, $0x26;
	v15 =	vand.u32 $0xFFFF0000, v15;
	v9 =	vadd.f32 v16, v9;
	v10 =	vld [tilespmem:s14+$0x7800];
	[tilespmem:s9+$0xF410] =	vst v11  }
0x1cb: {  	v15 =	vadd.f32 v15, v18;
	v11 =	vld [tilespmem:s14+$0x7810];
	v16 =	vshll.u32 v17, $0x10  }
0x1cc: {  	v18 =	vld [tilespmem:s14+$0x7820];
	[tilespmem:s26+$0xF000] =	vst v9;
	v9 =	vand.u32 $0xFFFF0000, v17;
	v12 =	vadd.f32 v16, v12  }
0x1cd: {  	[tilespmem:s26+$0xF010] =	vst v15;
	v15 =	vld [tilespmem:s26+$0x7820];
	v9 =	vadd.f32 v9, v14  }
0x1ce: {  	v14 =	vshll.u32 v13, $0x10;
	v13 =	vand.u32 $0xFFFF0000, v13;
	v16 =	vld [tilespmem:s31+$0xFFFFFFA0];
	[tilespmem:s13+$0xF420] =	vst v12  }
0x1cf: {  	v10 =	vadd.f32 v14, v10;
	v12 =	vld [tilespmem:s26+$0x7830];
	[tilespmem:s13+$0xF430] =	vst v9  }
0x1d0: {  	v9 =	vadd.f32 v13, v11;
	v11 =	vld [tilespmem:s17+$0xFFFFFFF0]  }
0x1d1: {  	[tilespmem:s14+$0xF000] =	vst v10;
	v10 =	vld [tilespmem:s13+$0x7C40]  }
0x1d2: {  	[tilespmem:s14+$0xF010] =	vst v9;
	v9 =	vld [tilespmem:s13+$0x7C50]  }
0x1d3: {  	v13 =	vld [tilespmem:s31+$0xFFFFFF20];
	v14 =	vshll.u32 v16, $0x10  }
0x1d4: {  	v16 =	vand.u32 $0xFFFF0000, v16;
	v17 =	vld [tilespmem:s14+$0x7830];
	v14 =	vadd.f32 v14, v15  }
0x1d5: {  	v12 =	vadd.f32 v16, v12;
	v15 =	vld [tilespmem:s14+$0x7840];
	v16 =	vshll.u32 v11, $0x10  }
0x1d6: {  	v11 =	vand.u32 $0xFFFF0000, v11;
	v19 =	vld [tilespmem:s14+$0x7850];
	[tilespmem:s26+$0xF020] =	vst v14;
	v10 =	vadd.f32 v16, v10  }
0x1d7: {  	[tilespmem:s26+$0xF030] =	vst v12;
	v12 =	vld [tilespmem:s26+$0x7840];
	v9 =	vadd.f32 v11, v9  }
0x1d8: {  	v11 =	vshll.u32 v13, $0x10;
	v13 =	vand.u32 $0xFFFF0000, v13;
	v14 =	vld [tilespmem:s31+$0xFFFFFFB0];
	[tilespmem:s13+$0xF440] =	vst v10  }
0x1d9: {  	v10 =	vadd.f32 v11, v18;
	v11 =	vadd.f32 v13, v17;
	v13 =	vld [tilespmem:s26+$0x7850];
	[tilespmem:s13+$0xF450] =	vst v9  }
0x1da: {  	v9 =	vld [tilespmem:s17+$0x0]  }
0x1db: {  	[tilespmem:s14+$0xF020] =	vst v10;
	v16 =	vld [tilespmem:s13+$0x7C70]  }
0x1dc: {  	[tilespmem:s14+$0xF030] =	vst v11;
	v17 =	vld [tilespmem:s14+$0x7860]  }
0x1dd: {  	v18 =	vld [tilespmem:s31+$0xFFFFFF30];
	v10 =	vshll.u32 v14, $0x10  }
0x1de: {  	v11 =	vand.u32 $0xFFFF0000, v14;
	v20 =	vld [tilespmem:s14+$0x7870];
	v12 =	vadd.f32 v10, v12  }
0x1df: {  	v13 =	vadd.f32 v11, v13;
	v10 =	vld [tilespmem:s14+$0x7C00];
	v14 =	vshll.u32 v9, $0x10;
	v9 =	vand.u32 $0xFFFF0000, v9  }
0x1e0: {  	v11 =	vld [tilespmem:s14+$0x7C10];
	[tilespmem:s26+$0xF040] =	vst v12;
	v8 =	vadd.f32 v14, v8;
	v9 =	vadd.f32 v9, v16  }
0x1e1: {  	[tilespmem:s26+$0xF050] =	vst v13;
	v12 =	vld [tilespmem:s17+$0xFFFFFF60]  }
0x1e2: {  	v13 =	vshll.u32 v18, $0x10;
	v14 =	vand.u32 $0xFFFF0000, v18;
	v16 =	vld [tilespmem:s31+$0xFFFFFFC0];
	[tilespmem:s13+$0xF470] =	vst v9  }
0x1e3: {  	v9 =	vadd.f32 v13, v15;
	v13 =	vadd.f32 v14, v19;
	v14 =	vld [tilespmem:s26+$0x7860];
	[tilespmem:s13+$0xF460] =	vst v8;
	s13 =	smov.u32 s26  }
0x1e4: {  	v8 =	vld [tilespmem:s13+$0x7870]  }
0x1e5: {  	[tilespmem:s14+$0xF040] =	vst v9;
	v9 =	vld [tilespmem:s14+$0x7C20]  }
0x1e6: {  	[tilespmem:s14+$0xF050] =	vst v13;
	v13 =	vld [tilespmem:s14+$0x7C30];
	v15 =	vshll.u32 v12, $0x10;
	v12 =	vand.u32 $0xFFFF0000, v12  }
0x1e7: {  	v18 =	vld [tilespmem:s31+$0xFFFFFF40];
	v19 =	vshll.u32 v16, $0x10;
	v21 =	vadd.f32 v15, v6;
	v15 =	vadd.f32 v12, v7  }
0x1e8: {  	v7 =	vand.u32 $0xFFFF0000, v16;
	v12 =	vld [tilespmem:s14+$0x7C40];
	v16 =	vadd.f32 v19, v14  }
0x1e9: {  	v14 =	vld [tilespmem:s14+$0x7C50];
	v22 =	vadd.f32 v7, v8;
	[tilespmem:s9+$0xF420] =	vst v21  }
0x1ea: {  	[tilespmem:s13+$0xF060] =	vst v16;
	v19 =	vld [tilespmem:s10+$0xFFFFFF80];
	v6 =	vmov v9;
	s10 =	smov.u32 s17;
	s17 =	smov.u32 s31  }
0x1eb: {  	[tilespmem:s13+$0xF070] =	vst v22;
	v8 =	vld [tilespmem:s13+$0x7C60];
	v7 =	vmov v13  }
.Ltmp3:
0x1ec: {  	v9 =	vshll.u32 v18, $0x10;
	v13 =	vand.u32 $0xFFFF0000, v18;
	v16 =	vld [tilespmem:s31+$0xFFFFFFD0];
	[tilespmem:s9+$0xF430] =	vst v15;
	(pc) =	sbr.rel @p3 .LBB2_5-.Ltmp3, $4  }
0x1ed: {  	v9 =	vadd.f32 v9, v17;
	v15 =	vadd.f32 v13, v20;
	v18 =	vld [tilespmem:s13+$0x7C00]  }
0x1ee: {  	v17 =	vld [tilespmem:s13+$0x7C10]  }
0x1ef: {  	[tilespmem:s14+$0xF060] =	vst v9;
	v13 =	vld [tilespmem:s10+$0xFFFFFF70];
	v9 =	vshll.u32 v19, $0x10;
	v19 =	vand.u32 $0xFFFF0000, v19  }
0x1f0: {  	s23 =	sadd.s32 $0x100, s23;
	[tilespmem:s14+$0xF070] =	vst v15;
	v15 =	vadd.f32 v9, v0;
	v9 =	vadd.f32 v19, v3;
	v3 =	vmovc v5;
	v0 =	vmov v4;
	v4 =	vld [tilespmem:s14+$0x7C60]  }
0x1f1: {  	v5 =	vld [tilespmem:s31+$0xFFFFFF50];
	_ =	sdelay $0x2  }
0x1f2: {  	v19 =	vshll.u32 v16, $0x10  }
0x1f3: {  	v41 =	vand.u32 $0xFFFF0000, v16;
	v18 =	vadd.f32 v19, v18  }
0x1f4: {  	v16 =	vadd.f32 v41, v17;
	v43 =	vshll.u32 v5, $0x10  }
0x1f5: {  	[tilespmem:s13+$0xF400] =	vst v18;
	v5 =	vand.u32 $0xFFFF0000, v5;
	v10 =	vadd.f32 v43, v10  }
0x1f6: {  	v44 =	vld [tilespmem:s13+$0x7C20];
	[tilespmem:s13+$0xF410] =	vst v16;
	v5 =	vadd.f32 v5, v11  }
0x1f7: {  	v18 =	vld [tilespmem:s17+$0xFFFFFFE0];
	[tilespmem:s14+$0xF400] =	vst v10  }
0x1f8: {  	v45 =	vld [tilespmem:s13+$0x7C30];
	[tilespmem:s14+$0xF410] =	vst v5  }
0x1f9: {  	v5 =	vld [tilespmem:s17+$0xFFFFFF60];
	_ =	sdelay $0x2  }
0x1fa: {  	v46 =	vshll.u32 v18, $0x10  }
0x1fb: {  	v18 =	vand.u32 $0xFFFF0000, v18;
	v10 =	vadd.f32 v46, v44  }
0x1fc: {  	v47 =	vadd.f32 v18, v45;
	v48 =	vshll.u32 v5, $0x10  }
0x1fd: {  	[tilespmem:s13+$0xF420] =	vst v10;
	v5 =	vand.u32 $0xFFFF0000, v5;
	v6 =	vadd.f32 v48, v6  }
0x1fe: {  	v49 =	vld [tilespmem:s13+$0x7C40];
	[tilespmem:s13+$0xF430] =	vst v47;
	v5 =	vadd.f32 v5, v7  }
0x1ff: {  	v11 =	vld [tilespmem:s17+$0xFFFFFFF0];
	[tilespmem:s14+$0xF420] =	vst v6  }
0x200: {  	v50 =	vld [tilespmem:s13+$0x7C50];
	[tilespmem:s14+$0xF430] =	vst v5  }
0x201: {  	v5 =	vld [tilespmem:s17+$0xFFFFFF70]  }
0x202: {  	v52 =	vshll.u32 v13, $0x10  }
0x203: {  	v53 =	vand.u32 $0xFFFF0000, v13;
	v1 =	vadd.f32 v52, v1  }
0x204: {  	v2 =	vadd.f32 v53, v2;
	v51 =	vshll.u32 v11, $0x10  }
0x205: {  	[tilespmem:s9+$0xF440] =	vst v1;
	v11 =	vand.u32 $0xFFFF0000, v11;
	v6 =	vadd.f32 v51, v49  }
0x206: {  	[tilespmem:s9+$0xF450] =	vst v2;
	v7 =	vadd.f32 v11, v50;
	v54 =	vshll.u32 v5, $0x10  }
0x207: {  	v57 =	vld [tilespmem:s10+$0xFFFFFF80];
	[tilespmem:s13+$0xF440] =	vst v6;
	v5 =	vand.u32 $0xFFFF0000, v5;
	v6 =	vadd.f32 v54, v12  }
0x208: {  	[tilespmem:s13+$0xF450] =	vst v7;
	v5 =	vadd.f32 v5, v14  }
0x209: {  	v55 =	vld [tilespmem:s17+$0x0];
	[tilespmem:s14+$0xF440] =	vst v6  }
0x20a: {  	v56 =	vld [tilespmem:s13+$0x7C70];
	[tilespmem:s14+$0xF450] =	vst v5  }
0x20b: {  	v5 =	vld [tilespmem:s17+$0xFFFFFF80]  }
0x20c: {  	v59 =	vshll.u32 v57, $0x10  }
0x20d: {  	v42 =	vld [tilespmem:s14+$0x7C70];
	[tilespmem:s8+$0xF460] =	vst v15;
	v60 =	vand.u32 $0xFFFF0000, v57;
	v0 =	vadd.f32 v59, v0  }
0x20e: {  	[tilespmem:s8+$0xF470] =	vst v9;
	v61 =	vadd.f32 v60, v3;
	v58 =	vand.u32 $0xFFFF0000, v55  }
0x20f: {  	[tilespmem:s9+$0xF460] =	vst v0;
	v1 =	vshll.u32 v55, $0x10;
	v2 =	vadd.f32 v58, v56  }
0x210: {  	[tilespmem:s9+$0xF470] =	vst v61;
	v1 =	vadd.f32 v1, v8;
	v62 =	vshll.u32 v5, $0x10  }
.Ltmp4:
0x211: {  	[tilespmem:s13+$0xF470] =	vst v2;
	v63 =	vand.u32 $0xFFFF0000, v5;
	v2 =	vadd.f32 v62, v4;
	(pc) =	sbr.rel @p2 .LBB2_10-.Ltmp4, $4  }
0x212: {  	[tilespmem:s13+$0xF460] =	vst v1;
	v0 =	vadd.f32 v63, v42  }
0x213: {  	s1 =	sshll.u32 s1, $0x5;
	[tilespmem:s14+$0xF460] =	vst v2  }
0x214: {  	s31 =	simm.s32 $0xF000;
	s1 =	sadd.s32 s2, s1;
	[tilespmem:s14+$0xF470] =	vst v0  }
0x215: {  	[hbm4b:s1+s4] =	stream.linear.scatter [tilespmem:s31], [sflag:$0x8], $0x2800, $0x38;
	[tilespmem:$0x15F40] =	vst v63  }
0x216: {  	s1 =	sadd.s32 $0xA0, s7;
	s8 =	simm.s32 $0x2800  }
0x217: {  	[tilespmem:s8], [sflag:$0x2] =	stream.indirect.gather [spmem:s3], $0x80, s1, s16, $0xb8;
	[tilespmem:$0x15F40] =	vst v63  }
0x218: {  	s1 =	sadd.s32 s5, s1  }
0x219: {  	s1 =	sshll.u32 s1, $0x5  }
0x21a: {  	s17 =	simm.s32 $0x7800;
	s1 =	sadd.s32 s0, s1  }
0x21b: {  	[tilespmem:s17], [sflag:$0x5] =	stream.linear.gather [hbm4b:s1+s4], $0x2800, $0x38;
	[tilespmem:$0x15F40] =	vst v63  }
0x21c: {  	_ =	swait.ge [sflag:s18], $0x1400  }
0x21d: {  	[sflag:s18] =	ssyncset.done $0x0  }
0x21e: {  	[sflag:s18] =	ssyncadd.s32 $0xFFFFEC00  }
0x21f: {  	_ =	swait.ge [sflag:s21], $0x2800  }
0x220: {  	[sflag:s21] =	ssyncset.done $0x0  }
0x221: {  	s1 =	simm.s32 @!p1 $0x9;
	[sflag:s21] =	ssyncadd.s32 $0xFFFFD800  }
0x222: {  	s19 =	simm.s32 $0x0;
	_ =	swait.ge @!p1 [sflag:s1], $0x2800  }
0x223: {  	s9 =	simm.s32 $0x80;
	s20 =	simm.s32 $0x3CF0;
	[sflag:s1] =	ssyncset.done @!p1 $0x0  }
0x224: {  	s10 =	sand.u32 $0x3800, s19;
	s9 =	sand.u32 $0x380, s9;
	[sflag:s1] =	ssyncadd.s32 @!p1 $0xFFFFD800  }
0x225: {  	s17 =	sor.u32 s10, s9;
	v0 =	vld [tilespmem:s20+$0xFFFFFF90]  }
0x226: {  	v1 =	vld [tilespmem:s17+$0xA000]  }
0x227: {  	v2 =	vld [tilespmem:s17+$0xA010];
	_ =	sdelay $0x1  }
0x228: {  	s8 =	sand.u32 $0x300, s19  }
0x229: {  	s8 =	sor.u32 s8, s10;
	v3 =	vld [tilespmem:s20+$0xFFFFFF10];
	v4 =	vshll.u32 v0, $0x10  }
0x22a: {  	v5 =	vld [tilespmem:s8+$0xA000];
	v0 =	vand.u32 $0xFFFF0000, v0;
	v1 =	vadd.f32 v4, v1  }
0x22b: {  	v4 =	vld [tilespmem:s8+$0xA010];
	v0 =	vadd.f32 v0, v2  }
0x22c: {  	[tilespmem:s17+$0x11800] =	vst v1  }
0x22d: {  	[tilespmem:s17+$0x11810] =	vst v0  }
0x22e: {  	v0 =	vshll.u32 v3, $0x10;
	v2 =	vld [tilespmem:s20+$0xFFFFFFA0]  }
0x22f: {  	v6 =	vld [tilespmem:s17+$0xA020];
	v3 =	vand.u32 $0xFFFF0000, v3;
	v0 =	vadd.f32 v0, v5  }
0x230: {  	v5 =	vld [tilespmem:s17+$0xA030];
	v3 =	vadd.f32 v3, v4  }
0x231: {  	[tilespmem:s8+$0x11800] =	vst v0  }
0x232: {  	[tilespmem:s8+$0x11810] =	vst v3  }
0x233: {  	v0 =	vld [tilespmem:s20+$0xFFFFFF20];
	v3 =	vshll.u32 v2, $0x10  }
0x234: {  	v1 =	vld [tilespmem:s8+$0xA020];
	v2 =	vand.u32 $0xFFFF0000, v2;
	v3 =	vadd.f32 v3, v6  }
0x235: {  	v4 =	vld [tilespmem:s8+$0xA030];
	v2 =	vadd.f32 v2, v5  }
0x236: {  	[tilespmem:s17+$0x11820] =	vst v3  }
0x237: {  	[tilespmem:s17+$0x11830] =	vst v2  }
0x238: {  	v6 =	vld [tilespmem:s20+$0xFFFFFFB0];
	v2 =	vshll.u32 v0, $0x10  }
0x239: {  	v7 =	vld [tilespmem:s17+$0xA040];
	v0 =	vand.u32 $0xFFFF0000, v0;
	v1 =	vadd.f32 v2, v1  }
0x23a: {  	v0 =	vadd.f32 v0, v4;
	v2 =	vld [tilespmem:s17+$0xA050]  }
0x23b: {  	[tilespmem:s8+$0x11820] =	vst v1  }
0x23c: {  	[tilespmem:s8+$0x11830] =	vst v0  }
0x23d: {  	v0 =	vld [tilespmem:s20+$0xFFFFFF30];
	v1 =	vshll.u32 v6, $0x10  }
0x23e: {  	v5 =	vld [tilespmem:s8+$0xA040];
	v4 =	vand.u32 $0xFFFF0000, v6;
	v1 =	vadd.f32 v1, v7  }
0x23f: {  	v8 =	vld [tilespmem:s8+$0xA060];
	v2 =	vadd.f32 v4, v2  }
0x240: {  	v3 =	vld [tilespmem:s8+$0xA050];
	[tilespmem:s17+$0x11840] =	vst v1  }
0x241: {  	v10 =	vld [tilespmem:s8+$0xA400];
	[tilespmem:s17+$0x11850] =	vst v2  }
0x242: {  	v2 =	vshll.u32 v0, $0x10;
	v4 =	vld [tilespmem:s20+$0xFFFFFFC0]  }
0x243: {  	s22 =	simm.s32 $0x180;
	s23 =	simm.s32 $0x200;
	v2 =	vadd.f32 v2, v5;
	v5 =	vld [tilespmem:s17+$0xA060]  }
0x244: {  	s26 =	simm.s32 $0x100;
	s13 =	sand.u32 $0x3800, s23;
	s9 =	sand.u32 $0x380, s22;
	v7 =	vld [tilespmem:s17+$0xA070];
	v0 =	vand.u32 $0xFFFF0000, v0  }
0x245: {  	s10 =	simm.s32 $0x3DF0;
	s23 =	sor.u32 s13, s9;
	s9 =	sand.u32 $0x300, s26;
	v11 =	vld [tilespmem:s17+$0xA400];
	v3 =	vadd.f32 v0, v3  }
0x246: {  	s9 =	sor.u32 s9, s13;
	v12 =	vld [tilespmem:s10+$0xFFFFFF10];
	[tilespmem:s8+$0x11840] =	vst v2  }
0x247: {  	v14 =	vld [tilespmem:s9+$0xA000];
	[tilespmem:s8+$0x11850] =	vst v3;
	v2 =	vshll.u32 v4, $0x10  }
0x248: {  	v9 =	vld [tilespmem:s20+$0xFFFFFF40];
	v3 =	vand.u32 $0xFFFF0000, v4;
	v2 =	vadd.f32 v2, v5  }
0x249: {  	v15 =	vld [tilespmem:s17+$0xA430];
	v5 =	vadd.f32 v3, v7  }
0x24a: {  	v6 =	vld [tilespmem:s8+$0xA070];
	[tilespmem:s17+$0x11860] =	vst v2  }
0x24b: {  	v17 =	vld [tilespmem:s9+$0xA050];
	[tilespmem:s17+$0x11870] =	vst v5  }
0x24c: {  	v2 =	vld [tilespmem:s20+$0xFFFFFFD0]  }
0x24d: {  	v18 =	vld [tilespmem:s17+$0xA450];
	v5 =	vshll.u32 v9, $0x10  }
0x24e: {  	v9 =	vand.u32 $0xFFFF0000, v9;
	v5 =	vadd.f32 v5, v8;
	v8 =	vld [tilespmem:s17+$0xA410]  }
0x24f: {  	v19 =	vld [tilespmem:s9+$0xA060];
	v6 =	vadd.f32 v9, v6  }
0x250: {  	v20 =	vld [tilespmem:s9+$0xA070]  }
0x251: {  	v21 =	vld [tilespmem:s23+$0xA430];
	[tilespmem:s8+$0x11870] =	vst v6;
	v6 =	vshll.u32 v2, $0x10  }
0x252: {  	v9 =	vld [tilespmem:s10+$0xFFFFFF90];
	v2 =	vand.u32 $0xFFFF0000, v2;
	v6 =	vadd.f32 v6, v11  }
0x253: {  	v2 =	vadd.f32 v2, v8;
	v8 =	vld [tilespmem:s23+$0xA000]  }
0x254: {  	s31 =	simm.s32 $0x3EF0;
	[tilespmem:s17+$0x11C00] =	vst v6;
	v6 =	vld [tilespmem:s23+$0xA010]  }
0x255: {  	s30 =	simm.s32 $0x280;
	s15 =	simm.s32 $0x400;
	s19 =	simm.s32 $0x200;
	v23 =	vld [tilespmem:s31+$0xFFFFFF10];
	[tilespmem:s17+$0x11C10] =	vst v2  }
0x256: {  	s14 =	sand.u32 $0x3800, s15;
	s19 =	sand.u32 $0x300, s19;
	s13 =	sand.u32 $0x380, s30;
	v2 =	vld [tilespmem:s20+$0xFFFFFFE0]  }
0x257: {  	s13 =	sor.u32 s14, s13;
	s14 =	sor.u32 s19, s14;
	v11 =	vld [tilespmem:s17+$0xA420];
	v13 =	vshll.u32 v9, $0x10  }
0x258: {  	v44 =	vld [tilespmem:s14+$0xA000];
	v9 =	vand.u32 $0xFFFF0000, v9;
	v8 =	vadd.f32 v13, v8  }
0x259: {  	v13 =	vld [tilespmem:s9+$0xA010];
	v6 =	vadd.f32 v9, v6  }
0x25a: {  	v47 =	vld [tilespmem:s13+$0xA030];
	[tilespmem:s23+$0x11800] =	vst v8  }
0x25b: {  	v48 =	vld [tilespmem:s23+$0xA450];
	v9 =	vshll.u32 v2, $0x10;
	[tilespmem:s23+$0x11810] =	vst v6  }
0x25c: {  	v9 =	vadd.f32 v9, v11;
	v6 =	vshll.u32 v12, $0x10;
	v11 =	vand.u32 $0xFFFF0000, v12;
	v12 =	vld [tilespmem:s10+$0xFFFFFFA0]  }
0x25d: {  	v6 =	vadd.f32 v6, v14;
	v14 =	vld [tilespmem:s23+$0xA020]  }
0x25e: {  	v2 =	vand.u32 $0xFFFF0000, v2;
	v11 =	vadd.f32 v11, v13;
	v13 =	vld [tilespmem:s23+$0xA030]  }
0x25f: {  	v50 =	vld [tilespmem:s14+$0xA030];
	v2 =	vadd.f32 v2, v15;
	[tilespmem:s9+$0x11800] =	vst v6  }
0x260: {  	v51 =	vld [tilespmem:s14+$0xA040];
	[tilespmem:s9+$0x11810] =	vst v11  }
0x261: {  	[tilespmem:s17+$0x11C30] =	vst v2;
	v2 =	vld [tilespmem:s10+$0xFFFFFF20];
	v11 =	vshll.u32 v12, $0x10  }
0x262: {  	v8 =	vld [tilespmem:s9+$0xA020];
	v12 =	vand.u32 $0xFFFF0000, v12;
	v11 =	vadd.f32 v11, v14  }
0x263: {  	[tilespmem:s8+$0x11860] =	vst v5;
	v15 =	vld [tilespmem:s9+$0xA030];
	v12 =	vadd.f32 v12, v13  }
0x264: {  	v16 =	vld [tilespmem:s20+$0xFFFFFF50];
	[tilespmem:s23+$0x11820] =	vst v11  }
0x265: {  	v1 =	vld [tilespmem:s8+$0xA410];
	[tilespmem:s23+$0x11830] =	vst v12  }
0x266: {  	v11 =	vshll.u32 v2, $0x10;
	v12 =	vld [tilespmem:s10+$0xFFFFFFB0]  }
0x267: {  	v2 =	vand.u32 $0xFFFF0000, v2;
	v8 =	vadd.f32 v11, v8;
	v11 =	vld [tilespmem:s23+$0xA040]  }
0x268: {  	[tilespmem:s17+$0x11C20] =	vst v9;
	v2 =	vadd.f32 v2, v15;
	v15 =	vld [tilespmem:s23+$0xA050]  }
0x269: {  	v52 =	vld [tilespmem:s13+$0xA040];
	[tilespmem:s9+$0x11820] =	vst v8;
	v8 =	vshll.u32 v16, $0x10  }
0x26a: {  	v6 =	vld [tilespmem:s20+$0xFFFFFFF0];
	[tilespmem:s9+$0x11830] =	vst v2;
	v2 =	vand.u32 $0xFFFF0000, v16;
	v8 =	vadd.f32 v8, v10  }
0x26b: {  	v16 =	vld [tilespmem:s10+$0xFFFFFF30];
	v1 =	vadd.f32 v2, v1;
	v2 =	vshll.u32 v12, $0x10  }
0x26c: {  	v13 =	vld [tilespmem:s9+$0xA040];
	[tilespmem:s8+$0x11C00] =	vst v8;
	v8 =	vand.u32 $0xFFFF0000, v12;
	v2 =	vadd.f32 v2, v11  }
0x26d: {  	v14 =	vld [tilespmem:s17+$0xA440];
	[tilespmem:s8+$0x11C10] =	vst v1;
	v1 =	vadd.f32 v8, v15  }
0x26e: {  	v55 =	vld [tilespmem:s13+$0xA050];
	[tilespmem:s23+$0x11840] =	vst v2  }
0x26f: {  	v56 =	vld [tilespmem:s23+$0xA470];
	[tilespmem:s23+$0x11850] =	vst v1  }
0x270: {  	v1 =	vshll.u32 v16, $0x10;
	v15 =	vld [tilespmem:s10+$0xFFFFFFC0]  }
0x271: {  	v8 =	vshll.u32 v6, $0x10;
	v12 =	vand.u32 $0xFFFF0000, v16;
	v1 =	vadd.f32 v1, v13;
	v13 =	vld [tilespmem:s23+$0xA060]  }
0x272: {  	v6 =	vand.u32 $0xFFFF0000, v6;
	v8 =	vadd.f32 v8, v14;
	v14 =	vld [tilespmem:s23+$0xA070];
	v12 =	vadd.f32 v12, v17  }
0x273: {  	v2 =	vld [tilespmem:s20+$0xFFFFFF60];
	[tilespmem:s9+$0x11840] =	vst v1;
	v1 =	vadd.f32 v6, v18  }
0x274: {  	v0 =	vld [tilespmem:s8+$0xA420];
	[tilespmem:s9+$0x11850] =	vst v12  }
0x275: {  	v3 =	vld [tilespmem:s8+$0xA430];
	[tilespmem:s17+$0x11C50] =	vst v1;
	v1 =	vshll.u32 v15, $0x10  }
0x276: {  	v16 =	vld [tilespmem:s10+$0xFFFFFF40];
	v15 =	vand.u32 $0xFFFF0000, v15;
	v17 =	vadd.f32 v1, v13  }
0x277: {  	v26 =	vld [tilespmem:s14+$0xA070];
	v14 =	vadd.f32 v15, v14  }
0x278: {  	v61 =	vld [tilespmem:s13+$0xA060];
	v15 =	vshll.u32 v2, $0x10;
	[tilespmem:s23+$0x11860] =	vst v17  }
0x279: {  	v4 =	vld [tilespmem:s8+$0xA440];
	v0 =	vadd.f32 v15, v0;
	v17 =	vand.u32 $0xFFFF0000, v2;
	[tilespmem:s23+$0x11870] =	vst v14  }
0x27a: {  	v3 =	vadd.f32 v17, v3;
	v15 =	vld [tilespmem:s10+$0xFFFFFFD0]  }
0x27b: {  	v14 =	vshll.u32 v16, $0x10;
	[tilespmem:s8+$0x11C20] =	vst v0;
	v0 =	vand.u32 $0xFFFF0000, v16;
	v16 =	vld [tilespmem:s23+$0xA400]  }
0x27c: {  	[tilespmem:s8+$0x11C30] =	vst v3;
	v3 =	vld [tilespmem:s23+$0xA410]  }
0x27d: {  	v7 =	vld [tilespmem:s8+$0xA450]  }
0x27e: {  	v5 =	vld [tilespmem:s8+$0xA460]  }
0x27f: {  	v9 =	vld [tilespmem:s8+$0xA470];
	v18 =	vshll.u32 v15, $0x10  }
0x280: {  	v10 =	vld [tilespmem:s9+$0xA400];
	v15 =	vand.u32 $0xFFFF0000, v15;
	v16 =	vadd.f32 v18, v16  }
0x281: {  	v18 =	vld [tilespmem:s31+$0xFFFFFF90];
	v3 =	vadd.f32 v15, v3  }
0x282: {  	v15 =	vld [tilespmem:s13+$0xA000];
	[tilespmem:s23+$0x11C00] =	vst v16  }
0x283: {  	v16 =	vld [tilespmem:s13+$0xA010];
	[tilespmem:s23+$0x11C10] =	vst v3  }
0x284: {  	v3 =	vld [tilespmem:s10+$0xFFFFFFE0]  }
0x285: {  	v0 =	vadd.f32 v0, v20;
	v20 =	vld [tilespmem:s23+$0xA420]  }
0x286: {  	v11 =	vld [tilespmem:s9+$0xA410];
	v22 =	vshll.u32 v18, $0x10  }
0x287: {  	[tilespmem:s17+$0x11C40] =	vst v8;
	v8 =	vld [tilespmem:s9+$0xA420];
	v18 =	vand.u32 $0xFFFF0000, v18;
	v15 =	vadd.f32 v22, v15  }
0x288: {  	v6 =	vld [tilespmem:s17+$0xA460];
	v16 =	vadd.f32 v18, v16  }
0x289: {  	v18 =	vld [tilespmem:s14+$0xA010];
	[tilespmem:s13+$0x11800] =	vst v15;
	v24 =	vshll.u32 v3, $0x10  }
0x28a: {  	v12 =	vld [tilespmem:s20+$0x0];
	v3 =	vand.u32 $0xFFFF0000, v3;
	[tilespmem:s13+$0x11810] =	vst v16;
	v20 =	vadd.f32 v24, v20  }
0x28b: {  	v3 =	vadd.f32 v3, v21;
	v46 =	vld [tilespmem:s31+$0xFFFFFFA0]  }
0x28c: {  	v45 =	vshll.u32 v23, $0x10;
	v14 =	vadd.f32 v14, v19;
	v16 =	vld [tilespmem:s13+$0xA020];
	[tilespmem:s23+$0x11C20] =	vst v20  }
0x28d: {  	v17 =	vld [tilespmem:s17+$0xA470];
	v21 =	vadd.f32 v45, v44;
	v20 =	vand.u32 $0xFFFF0000, v23;
	[tilespmem:s23+$0x11C30] =	vst v3  }
0x28e: {  	[tilespmem:s9+$0x11860] =	vst v14;
	v3 =	vadd.f32 v20, v18;
	v18 =	vld [tilespmem:s10+$0xFFFFFFF0]  }
0x28f: {  	v59 =	vand.u32 $0xFFFF0000, v12;
	v12 =	vshll.u32 v12, $0x10;
	[tilespmem:s14+$0x11800] =	vst v21;
	v20 =	vld [tilespmem:s23+$0xA440]  }
0x290: {  	v12 =	vadd.f32 v12, v6;
	v14 =	vld [tilespmem:s20+$0xFFFFFF70];
	[tilespmem:s14+$0x11810] =	vst v3;
	v25 =	vshll.u32 v46, $0x10  }
0x291: {  	[tilespmem:s9+$0x11870] =	vst v0;
	v49 =	vld [tilespmem:s31+$0xFFFFFF20];
	v16 =	vadd.f32 v25, v16  }
0x292: {  	[tilespmem:s17+$0x11C60] =	vst v12;
	v17 =	vadd.f32 v59, v17;
	v15 =	vld [tilespmem:s14+$0xA020];
	v24 =	vand.u32 $0xFFFF0000, v46  }
0x293: {  	v13 =	vld [tilespmem:s9+$0xA430];
	v22 =	vadd.f32 v24, v47;
	[tilespmem:s13+$0x11820] =	vst v16;
	v16 =	vshll.u32 v18, $0x10  }
0x294: {  	v1 =	vld [tilespmem:s9+$0xA440];
	[tilespmem:s17+$0x11C70] =	vst v17;
	v16 =	vadd.f32 v16, v20  }
0x295: {  	v19 =	vld [tilespmem:s10+$0xFFFFFF50];
	v17 =	vshll.u32 v14, $0x10;
	v14 =	vand.u32 $0xFFFF0000, v14;
	[tilespmem:s13+$0x11830] =	vst v22  }
0x296: {  	v12 =	vadd.f32 v14, v7;
	v53 =	vshll.u32 v49, $0x10;
	[tilespmem:s23+$0x11C40] =	vst v16;
	v16 =	vld [tilespmem:s31+$0xFFFFFFB0]  }
0x297: {  	v2 =	vld [tilespmem:s9+$0xA450];
	v23 =	vand.u32 $0xFFFF0000, v49;
	v15 =	vadd.f32 v53, v15  }
0x298: {  	v6 =	vld [tilespmem:s14+$0xA420];
	[tilespmem:s8+$0x11C50] =	vst v12;
	v54 =	vadd.f32 v23, v50  }
0x299: {  	v0 =	vld [tilespmem:s9+$0xA460];
	[tilespmem:s14+$0x11820] =	vst v15  }
0x29a: {  	v12 =	vld [tilespmem:s14+$0xA440];
	v18 =	vand.u32 $0xFFFF0000, v18;
	v15 =	vshll.u32 v19, $0x10;
	[tilespmem:s14+$0x11830] =	vst v54  }
0x29b: {  	v18 =	vadd.f32 v18, v48;
	v10 =	vadd.f32 v15, v10;
	v15 =	vld [tilespmem:s31+$0xFFFFFF30];
	v57 =	vshll.u32 v16, $0x10  }
0x29c: {  	v3 =	vld [tilespmem:s9+$0xA470];
	v16 =	vand.u32 $0xFFFF0000, v16;
	v21 =	vadd.f32 v57, v52  }
0x29d: {  	v20 =	vld [tilespmem:s14+$0xA050];
	[tilespmem:s23+$0x11C50] =	vst v18;
	v16 =	vadd.f32 v16, v55  }
0x29e: {  	v18 =	vld [tilespmem:s10+$0x0];
	v19 =	vand.u32 $0xFFFF0000, v19;
	[tilespmem:s13+$0x11840] =	vst v21  }
0x29f: {  	v11 =	vadd.f32 v19, v11;
	v19 =	vld [tilespmem:s14+$0xA060];
	[tilespmem:s13+$0x11850] =	vst v16  }
0x2a0: {  	v58 =	vshll.u32 v15, $0x10;
	v60 =	vld [tilespmem:s31+$0xFFFFFFC0]  }
0x2a1: {  	[tilespmem:s9+$0x11C00] =	vst v10;
	v10 =	vld [tilespmem:s14+$0xA400];
	v15 =	vand.u32 $0xFFFF0000, v15;
	v21 =	vadd.f32 v58, v51  }
0x2a2: {  	[tilespmem:s9+$0x11C10] =	vst v11;
	v15 =	vadd.f32 v15, v20;
	v20 =	vld [tilespmem:s13+$0xA070]  }
0x2a3: {  	v16 =	vld [tilespmem:s10+$0xFFFFFF60];
	[tilespmem:s14+$0x11840] =	vst v21  }
0x2a4: {  	v4 =	vadd.f32 v17, v4;
	v11 =	vld [tilespmem:s14+$0xA410];
	[tilespmem:s14+$0x11850] =	vst v15  }
0x2a5: {  	v17 =	vld [tilespmem:s31+$0xFFFFFF40];
	v7 =	vshll.u32 v60, $0x10  }
0x2a6: {  	[tilespmem:s8+$0x11C40] =	vst v4;
	v15 =	vld [tilespmem:s23+$0xA460];
	v14 =	vand.u32 $0xFFFF0000, v60;
	v4 =	vadd.f32 v7, v61  }
0x2a7: {  	v62 =	vand.u32 $0xFFFF0000, v18;
	v7 =	vld [tilespmem:s14+$0xA430];
	v20 =	vadd.f32 v14, v20  }
0x2a8: {  	v21 =	vadd.f32 v62, v56;
	v63 =	vshll.u32 v16, $0x10;
	v14 =	vld [tilespmem:s14+$0xA450];
	[tilespmem:s13+$0x11860] =	vst v4  }
0x2a9: {  	v4 =	vadd.f32 v63, v8;
	v8 =	vand.u32 $0xFFFF0000, v16;
	[tilespmem:s13+$0x11870] =	vst v20;
	v20 =	vld [tilespmem:s20+$0xFFFFFF80]  }
0x2aa: {  	[tilespmem:s23+$0x11C70] =	vst v21;
	v13 =	vadd.f32 v8, v13;
	v8 =	vld [tilespmem:s13+$0xA460];
	v16 =	vshll.u32 v17, $0x10  }
0x2ab: {  	[tilespmem:s9+$0x11C20] =	vst v4;
	v4 =	vand.u32 $0xFFFF0000, v17;
	v19 =	vadd.f32 v16, v19;
	v16 =	vld [tilespmem:s31+$0xFFFFFFD0]  }
0x2ac: {  	v17 =	vshll.u32 v18, $0x10;
	v18 =	vld [tilespmem:s13+$0xA400];
	[tilespmem:s9+$0x11C30] =	vst v13;
	v4 =	vadd.f32 v4, v26  }
0x2ad: {  	v15 =	vadd.f32 v17, v15;
	v17 =	vld [tilespmem:s13+$0xA410];
	[tilespmem:s14+$0x11860] =	vst v19  }
0x2ae: {  	s22 =	simm.s32 $0x4;
	v13 =	vld [tilespmem:s10+$0xFFFFFF70];
	v19 =	vshll.u32 v20, $0x10;
	v20 =	vand.u32 $0xFFFF0000, v20;
	[tilespmem:s14+$0x11870] =	vst v4  }
0x2af: {  	s1 =	sadd.s32 s7, s12;
	s17 =	simm.s32 $0x3EF0;
	[tilespmem:s23+$0x11C60] =	vst v15;
	v4 =	vld [tilespmem:s14+$0xA460];
	s23 =	simm.s32 $0x300;
	v15 =	vadd.f32 v19, v5;
	v9 =	vadd.f32 v20, v9  }
.LBB2_8:
0x2b0: {  	s19 =	sand.u32 $0x300, s23;
	s20 =	sadd.s32 $0x80, s23;
	v19 =	vld [tilespmem:s31+$0xFFFFFF50];
	v20 =	vshll.u32 v16, $0x10;
	s15 =	sadd.s32 $0x200, s15  }
0x2b1: {  	v16 =	vand.u32 $0xFFFF0000, v16;
	s31 =	sadd.s32 $0x100, s31;
	s26 =	sand.u32 $0x3800, s15;
	s20 =	sand.u32 $0x380, s20;
	v5 =	vld [tilespmem:s14+$0xA470];
	v18 =	vadd.f32 v20, v18;
	[tilespmem:s8+$0x11C60] =	vst v15  }
0x2b2: {  	s19 =	sor.u32 s19, s26;
	v15 =	vld [tilespmem:s31+$0xFFFFFF90];
	s26 =	sor.u32 s26, s20;
	v16 =	vadd.f32 v16, v17;
	[tilespmem:s8+$0x11C70] =	vst v9;
	s8 =	smov.u32 s9  }
0x2b3: {  	s9 =	smov.u32 s14;
	v9 =	vld [tilespmem:s26+$0xA000];
	[tilespmem:s13+$0x11C00] =	vst v18;
	v17 =	vshll.u32 v13, $0x10;
	v13 =	vand.u32 $0xFFFF0000, v13;
	s14 =	smov.u32 s19  }
0x2b4: {  	v18 =	vld [tilespmem:s26+$0xA010];
	[tilespmem:s13+$0x11C10] =	vst v16;
	v16 =	vadd.f32 v17, v1;
	v13 =	vadd.f32 v13, v2;
	v1 =	vmovc v12;
	v2 =	vmov v14  }
0x2b5: {  	v12 =	vshll.u32 v19, $0x10;
	v14 =	vand.u32 $0xFFFF0000, v19;
	v17 =	vld [tilespmem:s17+$0xFFFFFFE0]  }
0x2b6: {  	v10 =	vadd.f32 v12, v10;
	v11 =	vadd.f32 v14, v11;
	v12 =	vld [tilespmem:s13+$0xA420];
	[tilespmem:s8+$0x11C40] =	vst v16  }
0x2b7: {  	v14 =	vld [tilespmem:s13+$0xA430];
	[tilespmem:s8+$0x11C50] =	vst v13  }
0x2b8: {  	s22 =	sadd.s32 $0x2, s22;
	v16 =	vshll.u32 v15, $0x10;
	v13 =	vld [tilespmem:s31+$0xFFFFFF10];
	[tilespmem:s9+$0x11C00] =	vst v10  }
0x2b9: {  	p1 =	slt.u32 s22, $0x26;
	v15 =	vand.u32 $0xFFFF0000, v15;
	v9 =	vadd.f32 v16, v9;
	v10 =	vld [tilespmem:s14+$0xA000];
	[tilespmem:s9+$0x11C10] =	vst v11  }
0x2ba: {  	v15 =	vadd.f32 v15, v18;
	v11 =	vld [tilespmem:s14+$0xA010];
	v16 =	vshll.u32 v17, $0x10  }
0x2bb: {  	v18 =	vld [tilespmem:s14+$0xA020];
	[tilespmem:s26+$0x11800] =	vst v9;
	v9 =	vand.u32 $0xFFFF0000, v17;
	v12 =	vadd.f32 v16, v12  }
0x2bc: {  	[tilespmem:s26+$0x11810] =	vst v15;
	v15 =	vld [tilespmem:s26+$0xA020];
	v9 =	vadd.f32 v9, v14  }
0x2bd: {  	v14 =	vshll.u32 v13, $0x10;
	v13 =	vand.u32 $0xFFFF0000, v13;
	v16 =	vld [tilespmem:s31+$0xFFFFFFA0];
	[tilespmem:s13+$0x11C20] =	vst v12  }
0x2be: {  	v10 =	vadd.f32 v14, v10;
	v12 =	vld [tilespmem:s26+$0xA030];
	[tilespmem:s13+$0x11C30] =	vst v9  }
0x2bf: {  	v9 =	vadd.f32 v13, v11;
	v11 =	vld [tilespmem:s17+$0xFFFFFFF0]  }
0x2c0: {  	[tilespmem:s14+$0x11800] =	vst v10;
	v10 =	vld [tilespmem:s13+$0xA440]  }
0x2c1: {  	[tilespmem:s14+$0x11810] =	vst v9;
	v9 =	vld [tilespmem:s13+$0xA450]  }
0x2c2: {  	v13 =	vld [tilespmem:s31+$0xFFFFFF20];
	v14 =	vshll.u32 v16, $0x10  }
0x2c3: {  	v16 =	vand.u32 $0xFFFF0000, v16;
	v17 =	vld [tilespmem:s14+$0xA030];
	v14 =	vadd.f32 v14, v15  }
0x2c4: {  	v12 =	vadd.f32 v16, v12;
	v15 =	vld [tilespmem:s14+$0xA040];
	v16 =	vshll.u32 v11, $0x10  }
0x2c5: {  	v11 =	vand.u32 $0xFFFF0000, v11;
	v19 =	vld [tilespmem:s14+$0xA050];
	[tilespmem:s26+$0x11820] =	vst v14;
	v10 =	vadd.f32 v16, v10  }
0x2c6: {  	[tilespmem:s26+$0x11830] =	vst v12;
	v12 =	vld [tilespmem:s26+$0xA040];
	v9 =	vadd.f32 v11, v9  }
0x2c7: {  	v11 =	vshll.u32 v13, $0x10;
	v13 =	vand.u32 $0xFFFF0000, v13;
	v14 =	vld [tilespmem:s31+$0xFFFFFFB0];
	[tilespmem:s13+$0x11C40] =	vst v10  }
0x2c8: {  	v10 =	vadd.f32 v11, v18;
	v11 =	vadd.f32 v13, v17;
	v13 =	vld [tilespmem:s26+$0xA050];
	[tilespmem:s13+$0x11C50] =	vst v9  }
0x2c9: {  	v9 =	vld [tilespmem:s17+$0x0]  }
0x2ca: {  	[tilespmem:s14+$0x11820] =	vst v10;
	v16 =	vld [tilespmem:s13+$0xA470]  }
0x2cb: {  	[tilespmem:s14+$0x11830] =	vst v11;
	v17 =	vld [tilespmem:s14+$0xA060]  }
0x2cc: {  	v18 =	vld [tilespmem:s31+$0xFFFFFF30];
	v10 =	vshll.u32 v14, $0x10  }
0x2cd: {  	v11 =	vand.u32 $0xFFFF0000, v14;
	v20 =	vld [tilespmem:s14+$0xA070];
	v12 =	vadd.f32 v10, v12  }
0x2ce: {  	v13 =	vadd.f32 v11, v13;
	v10 =	vld [tilespmem:s14+$0xA400];
	v14 =	vshll.u32 v9, $0x10;
	v9 =	vand.u32 $0xFFFF0000, v9  }
0x2cf: {  	v11 =	vld [tilespmem:s14+$0xA410];
	[tilespmem:s26+$0x11840] =	vst v12;
	v8 =	vadd.f32 v14, v8;
	v9 =	vadd.f32 v9, v16  }
0x2d0: {  	[tilespmem:s26+$0x11850] =	vst v13;
	v12 =	vld [tilespmem:s17+$0xFFFFFF60]  }
0x2d1: {  	v13 =	vshll.u32 v18, $0x10;
	v14 =	vand.u32 $0xFFFF0000, v18;
	v16 =	vld [tilespmem:s31+$0xFFFFFFC0];
	[tilespmem:s13+$0x11C70] =	vst v9  }
0x2d2: {  	v9 =	vadd.f32 v13, v15;
	v13 =	vadd.f32 v14, v19;
	v14 =	vld [tilespmem:s26+$0xA060];
	[tilespmem:s13+$0x11C60] =	vst v8;
	s13 =	smov.u32 s26  }
0x2d3: {  	v8 =	vld [tilespmem:s13+$0xA070]  }
0x2d4: {  	[tilespmem:s14+$0x11840] =	vst v9;
	v9 =	vld [tilespmem:s14+$0xA420]  }
0x2d5: {  	[tilespmem:s14+$0x11850] =	vst v13;
	v13 =	vld [tilespmem:s14+$0xA430];
	v15 =	vshll.u32 v12, $0x10;
	v12 =	vand.u32 $0xFFFF0000, v12  }
0x2d6: {  	v18 =	vld [tilespmem:s31+$0xFFFFFF40];
	v19 =	vshll.u32 v16, $0x10;
	v21 =	vadd.f32 v15, v6;
	v15 =	vadd.f32 v12, v7  }
0x2d7: {  	v7 =	vand.u32 $0xFFFF0000, v16;
	v12 =	vld [tilespmem:s14+$0xA440];
	v16 =	vadd.f32 v19, v14  }
0x2d8: {  	v14 =	vld [tilespmem:s14+$0xA450];
	v22 =	vadd.f32 v7, v8;
	[tilespmem:s9+$0x11C20] =	vst v21  }
0x2d9: {  	[tilespmem:s13+$0x11860] =	vst v16;
	v19 =	vld [tilespmem:s10+$0xFFFFFF80];
	v6 =	vmov v9;
	s10 =	smov.u32 s17;
	s17 =	smov.u32 s31  }
0x2da: {  	[tilespmem:s13+$0x11870] =	vst v22;
	v8 =	vld [tilespmem:s13+$0xA460];
	v7 =	vmov v13  }
.Ltmp5:
0x2db: {  	v9 =	vshll.u32 v18, $0x10;
	v13 =	vand.u32 $0xFFFF0000, v18;
	v16 =	vld [tilespmem:s31+$0xFFFFFFD0];
	[tilespmem:s9+$0x11C30] =	vst v15;
	(pc) =	sbr.rel @p1 .LBB2_8-.Ltmp5, $4  }
0x2dc: {  	v9 =	vadd.f32 v9, v17;
	v15 =	vadd.f32 v13, v20;
	v18 =	vld [tilespmem:s13+$0xA400]  }
0x2dd: {  	v17 =	vld [tilespmem:s13+$0xA410]  }
0x2de: {  	[tilespmem:s14+$0x11860] =	vst v9;
	v13 =	vld [tilespmem:s10+$0xFFFFFF70];
	v9 =	vshll.u32 v19, $0x10;
	v19 =	vand.u32 $0xFFFF0000, v19  }
0x2df: {  	s23 =	sadd.s32 $0x100, s23;
	[tilespmem:s14+$0x11870] =	vst v15;
	v15 =	vadd.f32 v9, v0;
	v9 =	vadd.f32 v19, v3;
	v3 =	vmovc v5;
	v0 =	vmov v4;
	v4 =	vld [tilespmem:s14+$0xA460]  }
0x2e0: {  	v5 =	vld [tilespmem:s31+$0xFFFFFF50];
	_ =	sdelay $0x2  }
0x2e1: {  	v19 =	vshll.u32 v16, $0x10  }
0x2e2: {  	v41 =	vand.u32 $0xFFFF0000, v16;
	v18 =	vadd.f32 v19, v18  }
0x2e3: {  	v16 =	vadd.f32 v41, v17;
	v43 =	vshll.u32 v5, $0x10  }
0x2e4: {  	[tilespmem:s13+$0x11C00] =	vst v18;
	v5 =	vand.u32 $0xFFFF0000, v5;
	v10 =	vadd.f32 v43, v10  }
0x2e5: {  	v44 =	vld [tilespmem:s13+$0xA420];
	[tilespmem:s13+$0x11C10] =	vst v16;
	v5 =	vadd.f32 v5, v11  }
0x2e6: {  	v18 =	vld [tilespmem:s17+$0xFFFFFFE0];
	[tilespmem:s14+$0x11C00] =	vst v10  }
0x2e7: {  	v45 =	vld [tilespmem:s13+$0xA430];
	[tilespmem:s14+$0x11C10] =	vst v5  }
0x2e8: {  	v5 =	vld [tilespmem:s17+$0xFFFFFF60];
	_ =	sdelay $0x2  }
0x2e9: {  	v46 =	vshll.u32 v18, $0x10  }
0x2ea: {  	v18 =	vand.u32 $0xFFFF0000, v18;
	v10 =	vadd.f32 v46, v44  }
0x2eb: {  	v47 =	vadd.f32 v18, v45;
	v48 =	vshll.u32 v5, $0x10  }
0x2ec: {  	[tilespmem:s13+$0x11C20] =	vst v10;
	v5 =	vand.u32 $0xFFFF0000, v5;
	v6 =	vadd.f32 v48, v6  }
0x2ed: {  	v49 =	vld [tilespmem:s13+$0xA440];
	[tilespmem:s13+$0x11C30] =	vst v47;
	v5 =	vadd.f32 v5, v7  }
0x2ee: {  	v11 =	vld [tilespmem:s17+$0xFFFFFFF0];
	[tilespmem:s14+$0x11C20] =	vst v6  }
0x2ef: {  	v50 =	vld [tilespmem:s13+$0xA450];
	[tilespmem:s14+$0x11C30] =	vst v5  }
0x2f0: {  	v5 =	vld [tilespmem:s17+$0xFFFFFF70]  }
0x2f1: {  	v52 =	vshll.u32 v13, $0x10  }
0x2f2: {  	v53 =	vand.u32 $0xFFFF0000, v13;
	v1 =	vadd.f32 v52, v1  }
0x2f3: {  	v2 =	vadd.f32 v53, v2;
	v51 =	vshll.u32 v11, $0x10  }
0x2f4: {  	[tilespmem:s9+$0x11C40] =	vst v1;
	v11 =	vand.u32 $0xFFFF0000, v11;
	v6 =	vadd.f32 v51, v49  }
0x2f5: {  	[tilespmem:s9+$0x11C50] =	vst v2;
	v7 =	vadd.f32 v11, v50;
	v54 =	vshll.u32 v5, $0x10  }
0x2f6: {  	v57 =	vld [tilespmem:s10+$0xFFFFFF80];
	[tilespmem:s13+$0x11C40] =	vst v6;
	v5 =	vand.u32 $0xFFFF0000, v5;
	v6 =	vadd.f32 v54, v12  }
0x2f7: {  	[tilespmem:s13+$0x11C50] =	vst v7;
	v5 =	vadd.f32 v5, v14  }
0x2f8: {  	v55 =	vld [tilespmem:s17+$0x0];
	[tilespmem:s14+$0x11C40] =	vst v6  }
0x2f9: {  	v56 =	vld [tilespmem:s13+$0xA470];
	[tilespmem:s14+$0x11C50] =	vst v5  }
0x2fa: {  	v5 =	vld [tilespmem:s17+$0xFFFFFF80]  }
0x2fb: {  	v59 =	vshll.u32 v57, $0x10  }
0x2fc: {  	v42 =	vld [tilespmem:s14+$0xA470];
	[tilespmem:s8+$0x11C60] =	vst v15;
	v60 =	vand.u32 $0xFFFF0000, v57;
	v0 =	vadd.f32 v59, v0  }
0x2fd: {  	[tilespmem:s8+$0x11C70] =	vst v9;
	v61 =	vadd.f32 v60, v3;
	v58 =	vand.u32 $0xFFFF0000, v55  }
0x2fe: {  	[tilespmem:s9+$0x11C60] =	vst v0;
	v1 =	vshll.u32 v55, $0x10;
	v2 =	vadd.f32 v58, v56  }
0x2ff: {  	[tilespmem:s9+$0x11C70] =	vst v61;
	v1 =	vadd.f32 v1, v8;
	v62 =	vshll.u32 v5, $0x10  }
0x300: {  	[tilespmem:s13+$0x11C70] =	vst v2;
	v63 =	vand.u32 $0xFFFF0000, v5;
	v2 =	vadd.f32 v62, v4  }
0x301: {  	[tilespmem:s13+$0x11C60] =	vst v1;
	v0 =	vadd.f32 v63, v42  }
0x302: {  	s1 =	sshll.u32 s1, $0x5;
	[tilespmem:s14+$0x11C60] =	vst v2  }
0x303: {  	s31 =	simm.s32 $0x11800;
	p1 =	sgt.u32 s6, $0x27;
	s1 =	sadd.s32 s2, s1;
	[tilespmem:s14+$0x11C70] =	vst v0  }
0x304: {  	[hbm4b:s1+s4] =	stream.linear.scatter [tilespmem:s31], [sflag:$0x9], $0x2800, $0x38;
	[tilespmem:$0x15F40] =	vst v63  }
0x305: {  	s8 =	simm.s32 @!p1 $0x3C00;
	s1 =	sadd.s32 @!p1 $0xC8, s7;
	s7 =	simm.s32 @!p1 $0x28  }
0x306: {  	[tilespmem:s8], [sflag:$0x3] =	stream.indirect.gather @!p1 [spmem:s3], $0x80, s1, s7, $0xb8;
	[tilespmem:$0x15F40] =	vst v63  }
0x307: {  	s1 =	sadd.s32 @!p1 s5, s1  }
0x308: {  	s6 =	sadd.s32 $0x1, s6;
	s1 =	sshll.u32 @!p1 s1, $0x5  }
0x309: {  	s7 =	simm.s32 @!p1 $0x0;
	s8 =	simm.s32 @!p1 $0xA000;
	s1 =	sadd.s32 @!p1 s0, s1  }
0x30a: {  	[tilespmem:s8], [sflag:$0x6] =	stream.linear.gather @!p1 [hbm4b:s1+s7], $0x2800, $0x38;
	[tilespmem:$0x15F40] =	vst v63  }
0x30b: {  	p1 =	sne.s32 s6, $0x2A  }
.Ltmp6:
0x30c: {  	_ = 	snop;
	(pc) =	sbr.rel @p1 .LBB2_2-.Ltmp6, $4  }
.Ltmp7:
0x30d: {  	_ = 	snop;
	(pc) =	sbr.rel @!p1 .LBB2_10-.Ltmp7, $4  }
0x30e: {  	_ = 	snop  }
0x30f: {  	_ = 	snop  }
0x310: {  	_ = 	snop  }
0x311: {  	_ = 	snop  }
.LBB2_11:
0x312: {  	_ =	sfence.sel $0x180000  }
0x313: {  	[bflag:$0x0] =	sbarrier.arrive $0xFFFF  }
0x314: {  	_ =	strace $0x90000047  }
0x315: {  	[bflag:$0x2] =	sbarrier.arrive $0xFFFF  }
0x316: {  	s0 =	rddreg [dreg:$0x5]  }
0x317: {  	s0 =	sadd.s32 @!p0 $0x100000, s0  }
0x318: {  	[sflag:s0] =	ssyncadd.tile.s32 @!p0 $0x1;
	_ =	shalt  }
.Lfunc_end2:
_tile_overlayer_lowered:
.L_overlay_start_2:
0x319: {  	(tag) =	ssettag $0x2  }
0x31a: {  	s0 =	rddreg [dreg:$0x0];
	s2 =	stileid.u32  }
0x31b: {  	s1 =	rddreg [dreg:$0x1];
	p0 =	sne.s32 s2, $0x0  }
0x31c: {  	s3 =	rddreg [dreg:$0x2];
	[bflag:$0x3] =	sbarrier.arrive $0xFFFF;
	s2 =	simm.s32 @!p0 $0x1C0A  }
0x31d: {  	[timem:s3], [sflag:s2] =	dma.local @!p0 [hbm:s0], s1  }
0x31e: {  	s0 =	simm.s32 @!p0 $0xA  }
0x31f: {  	_ =	swait.ge @!p0 [sflag:s0], s1  }
0x320: {  	s1 =	ssub.s32 @!p0 $0x0, s1;
	[sflag:s0] =	ssyncset.done @!p0 $0x0  }
0x321: {  	[sflag:s0] =	ssyncadd.s32 @!p0 s1  }
0x322: {  	[bflag:$0x3] =	sbarrier.arrive $0xFFFF  }
0x323: {  	_ =	shalt  }

</sc_bundles>
